<compile_context>
chip_gen: v7x
topology: tpu7x:2x2x1
jax: 0.10.2.dev20260603
libtpu: 0.0.44.dev20260713+nightly
codegen_flags: <defaults>
</compile_context>

<pallas_src>
import jax
import jax.numpy as jnp
import numpy as np
from jax import lax
from jax.experimental import pallas as pl
from jax.experimental.pallas import tpu as pltpu
from jax.experimental.pallas import tpu_sc as plsc

N = 10000
D = 128
E = 320000
DH = D // 2

NC = 2
NS = 16
NW = NC * NS
NPAD = 10240
EPAD = 327680
K = 128
ROWS_A = EPAD // K // NW
ROWS_C = EPAD // K // NS
RPT = NPAD // NS

_MESH = plsc.VectorSubcoreMesh(
    core_axis_name="c", subcore_axis_name="s", num_cores=NC, num_subcores=NS
)


def _deg_body(ei3_hbm, degp_hbm, packed_hbm, sidx_v, didx_v, ones_v, zrow_v,
              hist_sh, asem, psem):
    c = lax.axis_index("c")
    s = lax.axis_index("s")
    w = c * NS + s
    _ZV = jnp.zeros((16,), jnp.float32)
    _OV = jnp.ones((16,), jnp.float32)

    row0 = pl.multiple_of(w * ROWS_A, 8)
    pltpu.async_copy(ei3_hbm.at[0, pl.ds(row0, ROWS_A)], sidx_v, asem)
    pltpu.async_copy(ei3_hbm.at[1, pl.ds(row0, ROWS_A)], didx_v, asem)

    def fill_o(i, carry):
        ones_v[pl.ds(i * 16, 16)] = _OV
        return carry

    lax.fori_loop(0, K // 16, fill_o, 0)

    def fill_z(i, carry):
        zrow_v[pl.ds(i * 16, 16)] = _ZV
        return carry

    lax.fori_loop(0, RPT // 16, fill_z, 0)

    my_rows = pl.multiple_of(s * RPT, 8)
    pltpu.sync_copy(zrow_v, hist_sh.at[pl.ds(my_rows, RPT)])

    pltpu.make_async_copy(ei3_hbm.at[0, pl.ds(row0, ROWS_A)], sidx_v,
                          asem).wait()
    pltpu.make_async_copy(ei3_hbm.at[1, pl.ds(row0, ROWS_A)], didx_v,
                          asem).wait()
    plsc.subcore_barrier()

    def fire(k, carry):
        pltpu.async_copy(ones_v, hist_sh.at[didx_v.at[k]], asem, add=True)
        return carry

    lax.fori_loop(0, ROWS_A, fire, 0)

    def pack_i(i, carry):
        def pack_j(j, carry2):
            sl = pl.ds(j * 16, 16)
            sidx_v[i, sl] = sidx_v[i, sl] | (didx_v[i, sl] << 16)
            return carry2
        return lax.fori_loop(0, K // 16, pack_j, carry)

    lax.fori_loop(0, ROWS_A, pack_i, 0)
    pltpu.async_copy(sidx_v, packed_hbm.at[pl.ds(row0, ROWS_A)], psem)

    def drain(k, carry):
        pltpu.make_async_copy(ones_v, hist_sh.at[didx_v.at[0]], asem).wait()
        return carry

    lax.fori_loop(0, ROWS_A, drain, 0)
    plsc.subcore_barrier()
    pltpu.sync_copy(hist_sh.at[pl.ds(my_rows, RPT)],
                    degp_hbm.at[c, pl.ds(my_rows, RPT)])
    pltpu.make_async_copy(sidx_v, packed_hbm.at[pl.ds(row0, ROWS_A)],
                          psem).wait()


_deg_kernel = pl.kernel(
    _deg_body,
    out_type=(
        jax.ShapeDtypeStruct((NC, NPAD), jnp.float32),
        jax.ShapeDtypeStruct((EPAD // K, K), jnp.int32),
    ),
    mesh=_MESH,
    scratch_types=[
        pltpu.VMEM((ROWS_A, K), jnp.int32),
        pltpu.VMEM((ROWS_A, K), jnp.int32),
        pltpu.VMEM((K,), jnp.float32),
        pltpu.VMEM((RPT,), jnp.float32),
        pltpu.VMEM_SHARED((NPAD,), jnp.float32),
        pltpu.SemaphoreType.DMA,
        pltpu.SemaphoreType.DMA,
    ],
)



KC = 64
CROWS = EPAD // KC // NW
NBUF = 5
G = CROWS // NBUF

def _agg_body(packed_hbm, y_hbm, aggp_hbm, packed_v, sidx_v, didx_v, rows_v,
              agg_sh, *sems):
    gsem = sems[:NBUF]
    ssem = sems[NBUF:]
    c = lax.axis_index("c")
    s = lax.axis_index("s")
    _ZV = jnp.zeros((16,), jnp.float32)

    PROWS = CROWS * KC // K
    row0 = pl.multiple_of((c * NS + s) * PROWS, 8)
    pltpu.async_copy(packed_hbm.at[pl.ds(row0, PROWS // 2)], packed_v,
                     gsem[0])

    def fz(i, carry):
        def fz2(j, carry2):
            rows_v[0, i, pl.ds(j * 16, 16)] = _ZV
            return carry2
        return lax.fori_loop(0, D // 16, fz2, carry)

    lax.fori_loop(0, KC, fz, 0)

    my_rows = pl.multiple_of(s * RPT, 8)

    def fzd(j, carry):
        off = pl.multiple_of(my_rows + j * KC, 8)
        pltpu.async_copy(rows_v.at[0], agg_sh.at[pl.ds(off, KC)], ssem[0])
        return carry

    lax.fori_loop(0, RPT // KC, fzd, 0)

    pltpu.make_async_copy(packed_hbm.at[pl.ds(row0, PROWS // 2)], packed_v,
                          gsem[0]).wait()

    def fzw(j, carry):
        off = pl.multiple_of(my_rows + j * KC, 8)
        pltpu.make_async_copy(rows_v.at[0], agg_sh.at[pl.ds(off, KC)],
                              ssem[0]).wait()
        return carry

    lax.fori_loop(0, RPT // KC, fzw, 0)
    plsc.subcore_barrier()

    CPR = K // KC

    def unpack(k, b):
        kb = lax.rem(k // CPR, PROWS // 2)
        cb = lax.rem(k, CPR) * KC

        def up(j, carry):
            p = packed_v[kb, pl.ds(cb + j * 16, 16)]
            sidx_v[b, pl.ds(j * 16, 16)] = p & 0xFFFF
            didx_v[b, pl.ds(j * 16, 16)] = lax.shift_right_logical(p, 16)
            return carry
        lax.fori_loop(0, KC // 16, up, 0)

    for b in range(NBUF):
        unpack(b, b)
        pltpu.async_copy(y_hbm.at[sidx_v.at[b]], rows_v.at[b], gsem[b])

    def outer(g, carry):
        @pl.when(g == CROWS // 2 // NBUF - 1)
        def _():
            pltpu.sync_copy(
                packed_hbm.at[pl.ds(row0 + PROWS // 2, PROWS // 2)], packed_v)

        for b in range(NBUF):
            k = g * NBUF + b
            pltpu.make_async_copy(y_hbm.at[sidx_v.at[b]], rows_v.at[b],
                                  gsem[b]).wait()
            pltpu.async_copy(rows_v.at[b], agg_sh.at[didx_v.at[b]], ssem[b],
                             add=True)
            pltpu.make_async_copy(rows_v.at[b], agg_sh.at[didx_v.at[b]],
                                  ssem[b]).wait()
            unpack(k + NBUF, b)
            pltpu.async_copy(y_hbm.at[sidx_v.at[b]], rows_v.at[b], gsem[b])
        return carry

    lax.fori_loop(0, G - 1, outer, 0)
    for b in range(NBUF):
        pltpu.make_async_copy(y_hbm.at[sidx_v.at[b]], rows_v.at[b],
                              gsem[b]).wait()
        pltpu.async_copy(rows_v.at[b], agg_sh.at[didx_v.at[b]], ssem[b],
                         add=True)
    for b in range(NBUF):
        pltpu.make_async_copy(rows_v.at[b], agg_sh.at[didx_v.at[b]],
                              ssem[b]).wait()

    plsc.subcore_barrier()
    pltpu.sync_copy(agg_sh.at[pl.ds(my_rows, RPT)],
                    aggp_hbm.at[c, pl.ds(my_rows, RPT)])


_agg_kernel = pl.kernel(
    _agg_body,
    out_type=jax.ShapeDtypeStruct((NC, NPAD, D), jnp.float32),
    mesh=_MESH,
    scratch_types=[
        pltpu.VMEM((CROWS * KC // K // 2, K), jnp.int32),
        pltpu.VMEM((NBUF, KC), jnp.int32),
        pltpu.VMEM((NBUF, KC), jnp.int32),
        pltpu.VMEM((NBUF, KC, D), jnp.float32),
        pltpu.VMEM_SHARED((NPAD, D), jnp.float32),
    ] + [pltpu.SemaphoreType.DMA] * (2 * NBUF),
)



_BB = 1024

def _y_body(x_ref, w_ref, degp_ref, y_ref):
    xw = jnp.dot(x_ref[...], w_ref[...], preferred_element_type=jnp.float32)
    deg = degp_ref[0, :] + degp_ref[1, :] + 1.0
    dinv = lax.rsqrt(deg)
    y_ref[...] = xw * dinv[:, None]


_y_call = pl.pallas_call(
    _y_body,
    grid=(NPAD // _BB,),
    in_specs=[
        pl.BlockSpec((_BB, D), lambda i: (i, 0)),
        pl.BlockSpec((D, D), lambda i: (0, 0)),
        pl.BlockSpec((NC, _BB), lambda i: (0, i)),
    ],
    out_specs=pl.BlockSpec((_BB, D), lambda i: (i, 0)),
    out_shape=jax.ShapeDtypeStruct((NPAD, D), jnp.float32),
)



_OB = 1024

def _out_body(x_ref, aggp_ref, y_ref, degp_ref, b_ref, o_ref):
    ssum = aggp_ref[0] + aggp_ref[1] + y_ref[...]
    deg = degp_ref[0, :] + degp_ref[1, :] + 1.0
    dinv = lax.rsqrt(deg)
    conv = ssum * dinv[:, None] + b_ref[...]
    o_ref[...] = x_ref[...] + jnp.maximum(conv, 0.0)


_out_call = pl.pallas_call(
    _out_body,
    grid=(pl.cdiv(N, _OB),),
    in_specs=[
        pl.BlockSpec((_OB, D), lambda i: (i, 0)),
        pl.BlockSpec((NC, _OB, D), lambda i: (0, i, 0)),
        pl.BlockSpec((_OB, D), lambda i: (i, 0)),
        pl.BlockSpec((NC, _OB), lambda i: (0, i)),
        pl.BlockSpec((1, D), lambda i: (0, 0)),
    ],
    out_specs=pl.BlockSpec((_OB, D), lambda i: (i, 0)),
    out_shape=jax.ShapeDtypeStruct((N, D), jnp.float32),
)


_PAD = np.broadcast_to(
    (N + (np.arange(EPAD - E, dtype=np.int64) % (NPAD - N))).astype(
        np.int32).reshape(1, (EPAD - E) // K, K),
    (2, (EPAD - E) // K, K)).copy()


def kernel(x, edge_index, W, b):
    ei3 = jnp.concatenate(
        [edge_index.reshape(2, E // K, K), jnp.asarray(_PAD)], axis=1)
    degp, packed = _deg_kernel(ei3)
    y = _y_call(x, W, degp)
    aggp = _agg_kernel(packed, y)
    return _out_call(x, aggp, y, degp, b.reshape(1, D))

# --- scband reference (transcript-rebuilt; emitter-appended) ---
"""Pipeline reference for scband-resgnn-block-5394478923808 (READ-ONLY COPY).

The authoritative reference and input builder live on the scoring server;
editing this copy changes nothing except your own understanding.
"""

import jax, jax.numpy as jnp
import numpy as np

N = 10000
E = 320000
D = 128

def setup_inputs(seed: int = 0) -> dict:
    key = jax.random.key(seed)
    k1, k2, k3 = jax.random.split(key, 3)
    x = jax.random.normal(k1, (N, D), dtype=jnp.float32)
    edge_index = jax.random.randint(k2, (2, E), 0, N, dtype=jnp.int32)
    # GCNConv linear weight (glorot uniform) and bias, in_channels == out_channels == D
    limit = float(np.sqrt(6.0 / (D + D)))
    W = jax.random.uniform(k3, (D, D), dtype=jnp.float32, minval=-limit, maxval=limit)
    b = jnp.zeros((D,), dtype=jnp.float32)
    return {"x": x, "edge_index": edge_index, "W": W, "b": b}

def reference(x, edge_index, W, b):
    # resgnn_block with body = GCNConv(D, D): Fx = relu(GCN(x, edge_index)); return x + Fx
    n = x.shape[0]
    src = edge_index[0]
    dst = edge_index[1]
    # GCNConv default: add self-loops, symmetric normalization D^-1/2 (A+I) D^-1/2
    loop = jnp.arange(n, dtype=src.dtype)
    src = jnp.concatenate([src, loop], axis=0)
    dst = jnp.concatenate([dst, loop], axis=0)
    deg = jnp.zeros((n,), dtype=x.dtype).at[dst].add(jnp.ones_like(dst, dtype=x.dtype))
    deg_inv_sqrt = jnp.where(deg > 0, jax.lax.rsqrt(jnp.maximum(deg, 1e-12)), 0.0)
    norm = deg_inv_sqrt[src] * deg_inv_sqrt[dst]
    # PyG GCNConv transforms first, then propagates, then adds bias
    xw = x @ W
    msg = xw[src] * norm[:, None]
    agg = jnp.zeros((n, xw.shape[1]), dtype=x.dtype).at[dst].add(msg)
    conv_out = agg + b
    Fx = jax.nn.relu(conv_out)
    return x + Fx

if __name__ == "__main__":
    import jax
    _d = setup_inputs()
    print(jax.jit(kernel)(*tuple(_d.values())))

</pallas_src>

<mosaic_0001>
#map = affine_map<(d0, d1) -> (0, 0)>
#map1 = affine_map<(d0, d1) -> (0, 0, 0)>
module attributes {stable_mosaic.version = 14 : i64} {
  func.func @_agg_body(%arg0: i32, %arg1: i32, %arg2: memref<2560x128xi32, #tpu.memory_space<hbm>>, %arg3: memref<10240x128xf32, #tpu.memory_space<hbm>>, %arg4: memref<2x10240x128xf32, #tpu.memory_space<hbm>>, %arg5: memref<40x128xi32, #tpu.memory_space<vmem>>, %arg6: memref<5x64xi32, #tpu.memory_space<vmem>>, %arg7: memref<5x64xi32, #tpu.memory_space<vmem>>, %arg8: memref<5x64x128xf32, #tpu.memory_space<vmem>>, %arg9: memref<10240x128xf32, #tpu.memory_space<vmem_shared>>, %arg10: memref<!tpu.dma_semaphore, #tpu.memory_space<semaphore_mem>>, %arg11: memref<!tpu.dma_semaphore, #tpu.memory_space<semaphore_mem>>, %arg12: memref<!tpu.dma_semaphore, #tpu.memory_space<semaphore_mem>>, %arg13: memref<!tpu.dma_semaphore, #tpu.memory_space<semaphore_mem>>, %arg14: memref<!tpu.dma_semaphore, #tpu.memory_space<semaphore_mem>>, %arg15: memref<!tpu.dma_semaphore, #tpu.memory_space<semaphore_mem>>, %arg16: memref<!tpu.dma_semaphore, #tpu.memory_space<semaphore_mem>>, %arg17: memref<!tpu.dma_semaphore, #tpu.memory_space<semaphore_mem>>, %arg18: memref<!tpu.dma_semaphore, #tpu.memory_space<semaphore_mem>>, %arg19: memref<!tpu.dma_semaphore, #tpu.memory_space<semaphore_mem>>) attributes {dimension_semantics = [#tpu.dimension_semantics<core_parallel>, #tpu.dimension_semantics<subcore_parallel>], iteration_bounds = array<i64: 2, 16>, scalar_prefetch = 0 : i64, scratch_operands = 15 : i64, tpu.core_type = #tpu.core_type<sc_vector_subcore>, window_params = [{transform_indices = #map}, {transform_indices = #map}, {transform_indices = #map1}]} {
    %broadcast_in_dim3A = arith.constant 0.000000e+00 : f32
    %broadcast_in_dim3A_0 = vector.broadcast %broadcast_in_dim3A : f32 to vector<16xf32>
    %mul3A = arith.constant 16 : i32
    %mul3A_1 = arith.muli %arg0, %mul3A : i32
    %add3A = arith.addi %mul3A_1, %arg1 : i32
    %mul3A_2 = arith.constant 80 : i32
    %mul3A_3 = arith.muli %add3A, %mul3A_2 : i32
    %multiple_of3A = tpu.assume_multiple %mul3A_3, 8 : i32
    %dma_start3A = arith.constant 0 : i32
    %dma_start3A_4 = tpu.memref_slice %arg2[%multiple_of3A, %dma_start3A] : memref<2560x128xi32, #tpu.memory_space<hbm>> -> memref<40x128xi32, #tpu.memory_space<hbm>>
    %dma_start3A_5 = arith.constant 0 : i32
    %dma_start3A_6 = tpu.memref_slice %arg2[%multiple_of3A, %dma_start3A_5] : memref<2560x128xi32, #tpu.memory_space<hbm>> -> memref<40x128xi32, #tpu.memory_space<hbm>>
    tpu.enqueue_dma source(%dma_start3A_6 : memref<40x128xi32, #tpu.memory_space<hbm>>) target(%arg5 : memref<40x128xi32, #tpu.memory_space<vmem>>) target_semaphore(%arg10 : memref<!tpu.dma_semaphore, #tpu.memory_space<semaphore_mem>>)
    %scan3A = arith.constant 0 : i32
    %scan3A_7 = arith.constant 0 : i32
    %scan3A_8 = arith.constant 64 : i32
    %scan3A_9 = arith.addi %scan3A_7, %scan3A_8 : i32
    %scan3A_10 = arith.constant 1 : i32
    scf.for %scan3A_346 = %scan3A_7 to %scan3A_9 step %scan3A_10  : i32 {
      %scan3A_347 = arith.constant 0 : i32
      %scan3A_348 = arith.constant 8 : i32
      %scan3A_349 = arith.addi %scan3A_347, %scan3A_348 : i32
      %scan3A_350 = arith.constant 1 : i32
      scf.for %scan3A_352 = %scan3A_347 to %scan3A_349 step %scan3A_350  : i32 {
        %mul3A_353 = arith.constant 16 : i32
        %mul3A_354 = arith.muli %scan3A_352, %mul3A_353 : i32
        %swap3A = arith.constant 0 : i32
        %swap3A_355 = arith.index_cast %swap3A : i32 to index
        %swap3A_356 = arith.index_cast %scan3A_346 : i32 to index
        %swap3A_357 = arith.index_cast %mul3A_354 : i32 to index
        %swap3A_358 = tpu.vector_load %arg8[%swap3A_355, %swap3A_356, %swap3A_357] {strides = array<i32>} : memref<5x64x128xf32, #tpu.memory_space<vmem>>, vector<1x1x16xf32>,
        %swap3A_359 = vector.shape_cast %swap3A_358 : vector<1x1x16xf32> to vector<16xf32>
        %swap3A_360 = vector.shape_cast %broadcast_in_dim3A_0 : vector<16xf32> to vector<1x1x16xf32>
        tpu.vector_store %arg8[%swap3A_355, %swap3A_356, %swap3A_357], %swap3A_360 {strides = array<i32>} : memref<5x64x128xf32, #tpu.memory_space<vmem>>, vector<1x1x16xf32>,
      }
      %scan3A_351 = arith.constant 8 : i32
    }
    %scan3A_11 = arith.constant 64 : i32
    %mul3A_12 = arith.constant 640 : i32
    %mul3A_13 = arith.muli %arg1, %mul3A_12 : i32
    %multiple_of3A_14 = tpu.assume_multiple %mul3A_13, 8 : i32
    %scan3A_15 = arith.constant 0 : i32
    %scan3A_16 = arith.constant 0 : i32
    %scan3A_17 = arith.constant 10 : i32
    %scan3A_18 = arith.addi %scan3A_16, %scan3A_17 : i32
    %scan3A_19 = arith.constant 1 : i32
    scf.for %scan3A_346 = %scan3A_16 to %scan3A_18 step %scan3A_19  : i32 {
      %mul3A_347 = arith.constant 64 : i32
      %mul3A_348 = arith.muli %scan3A_346, %mul3A_347 : i32
      %add3A_349 = arith.addi %multiple_of3A_14, %mul3A_348 : i32
      %multiple_of3A_350 = tpu.assume_multiple %add3A_349, 8 : i32
      %dma_start3A_351 = arith.constant 0 : i32
      %dma_start3A_352 = arith.constant 0 : i32
      %dma_start3A_353 = arith.constant 0 : i32
      %dma_start3A_354 = tpu.memref_slice %arg8[%dma_start3A_351, %dma_start3A_352, %dma_start3A_353] : memref<5x64x128xf32, #tpu.memory_space<vmem>> -> memref<1x64x128xf32, #tpu.memory_space<vmem>>
      %dma_start3A_355 = tpu.memref_squeeze %dma_start3A_354 : memref<1x64x128xf32, #tpu.memory_space<vmem>> -> memref<64x128xf32, #tpu.memory_space<vmem>>
      %dma_start3A_356 = arith.constant 0 : i32
      %dma_start3A_357 = tpu.memref_slice %arg9[%multiple_of3A_350, %dma_start3A_356] : memref<10240x128xf32, #tpu.memory_space<vmem_shared>> -> memref<64x128xf32, #tpu.memory_space<vmem_shared>>
      %dma_start3A_358 = arith.constant 0 : i32
      %dma_start3A_359 = tpu.memref_slice %arg9[%multiple_of3A_350, %dma_start3A_358] : memref<10240x128xf32, #tpu.memory_space<vmem_shared>> -> memref<64x128xf32, #tpu.memory_space<vmem_shared>>
      %dma_start3A_360 = arith.constant 0 : i32
      %dma_start3A_361 = arith.constant 0 : i32
      %dma_start3A_362 = tpu.memref_slice %arg8[%dma_start3A_351, %dma_start3A_360, %dma_start3A_361] : memref<5x64x128xf32, #tpu.memory_space<vmem>> -> memref<1x64x128xf32, #tpu.memory_space<vmem>>
      %dma_start3A_363 = tpu.memref_squeeze %dma_start3A_362 : memref<1x64x128xf32, #tpu.memory_space<vmem>> -> memref<64x128xf32, #tpu.memory_space<vmem>>
      tpu.enqueue_dma source(%dma_start3A_363 : memref<64x128xf32, #tpu.memory_space<vmem>>) target(%dma_start3A_359 : memref<64x128xf32, #tpu.memory_space<vmem_shared>>) target_semaphore(%arg15 : memref<!tpu.dma_semaphore, #tpu.memory_space<semaphore_mem>>)
    }
    %scan3A_20 = arith.constant 10 : i32
    %dma_wait3A = arith.constant 0 : i32
    %dma_wait3A_21 = tpu.memref_slice %arg2[%multiple_of3A, %dma_wait3A] : memref<2560x128xi32, #tpu.memory_space<hbm>> -> memref<40x128xi32, #tpu.memory_space<hbm>>
    %dma_wait3A_22 = arith.constant 0 : i32
    %dma_wait3A_23 = tpu.memref_slice %arg2[%multiple_of3A, %dma_wait3A_22] : memref<2560x128xi32, #tpu.memory_space<hbm>> -> memref<40x128xi32, #tpu.memory_space<hbm>>
    tpu.wait_dma2 semaphore(%arg10 : memref<!tpu.dma_semaphore, #tpu.memory_space<semaphore_mem>>) src(%dma_wait3A_23 : memref<40x128xi32, #tpu.memory_space<hbm>>) dst(%arg5 : memref<40x128xi32, #tpu.memory_space<vmem>>)
    %scan3A_24 = arith.constant 0 : i32
    %scan3A_25 = arith.constant 0 : i32
    %scan3A_26 = arith.constant 10 : i32
    %scan3A_27 = arith.addi %scan3A_25, %scan3A_26 : i32
    %scan3A_28 = arith.constant 1 : i32
    scf.for %scan3A_346 = %scan3A_25 to %scan3A_27 step %scan3A_28  : i32 {
      %mul3A_347 = arith.constant 64 : i32
      %mul3A_348 = arith.muli %scan3A_346, %mul3A_347 : i32
      %add3A_349 = arith.addi %multiple_of3A_14, %mul3A_348 : i32
      %multiple_of3A_350 = tpu.assume_multiple %add3A_349, 8 : i32
      %dma_wait3A_351 = arith.constant 0 : i32
      %dma_wait3A_352 = arith.constant 0 : i32
      %dma_wait3A_353 = arith.constant 0 : i32
      %dma_wait3A_354 = tpu.memref_slice %arg8[%dma_wait3A_351, %dma_wait3A_352, %dma_wait3A_353] : memref<5x64x128xf32, #tpu.memory_space<vmem>> -> memref<1x64x128xf32, #tpu.memory_space<vmem>>
      %dma_wait3A_355 = tpu.memref_squeeze %dma_wait3A_354 : memref<1x64x128xf32, #tpu.memory_space<vmem>> -> memref<64x128xf32, #tpu.memory_space<vmem>>
      %dma_wait3A_356 = arith.constant 0 : i32
      %dma_wait3A_357 = tpu.memref_slice %arg9[%multiple_of3A_350, %dma_wait3A_356] : memref<10240x128xf32, #tpu.memory_space<vmem_shared>> -> memref<64x128xf32, #tpu.memory_space<vmem_shared>>
      %dma_wait3A_358 = arith.constant 0 : i32
      %dma_wait3A_359 = tpu.memref_slice %arg9[%multiple_of3A_350, %dma_wait3A_358] : memref<10240x128xf32, #tpu.memory_space<vmem_shared>> -> memref<64x128xf32, #tpu.memory_space<vmem_shared>>
      %dma_wait3A_360 = arith.constant 0 : i32
      %dma_wait3A_361 = arith.constant 0 : i32
      %dma_wait3A_362 = tpu.memref_slice %arg8[%dma_wait3A_351, %dma_wait3A_360, %dma_wait3A_361] : memref<5x64x128xf32, #tpu.memory_space<vmem>> -> memref<1x64x128xf32, #tpu.memory_space<vmem>>
      %dma_wait3A_363 = tpu.memref_squeeze %dma_wait3A_362 : memref<1x64x128xf32, #tpu.memory_space<vmem>> -> memref<64x128xf32, #tpu.memory_space<vmem>>
      tpu.wait_dma2 semaphore(%arg15 : memref<!tpu.dma_semaphore, #tpu.memory_space<semaphore_mem>>) src(%dma_wait3A_363 : memref<64x128xf32, #tpu.memory_space<vmem>>) dst(%dma_wait3A_359 : memref<64x128xf32, #tpu.memory_space<vmem_shared>>)
    }
    %scan3A_29 = arith.constant 10 : i32
    %barrier3A = arith.constant 0 : index
    tpu.barrier barrier_id(%barrier3A)
    %rem3A = arith.constant 0 : i32
    %rem3A_30 = arith.constant 40 : i32
    %rem3A_31 = arith.remsi %rem3A, %rem3A_30 : i32
    %rem3A_32 = arith.constant 0 : i32
    %rem3A_33 = arith.constant 2 : i32
    %rem3A_34 = arith.remsi %rem3A_32, %rem3A_33 : i32
    %mul3A_35 = arith.constant 64 : i32
    %mul3A_36 = arith.muli %rem3A_34, %mul3A_35 : i32
    %scan3A_37 = arith.constant 0 : i32
    %scan3A_38 = arith.constant 0 : i32
    %scan3A_39 = arith.constant 4 : i32
    %scan3A_40 = arith.addi %scan3A_38, %scan3A_39 : i32
    %scan3A_41 = arith.constant 1 : i32
    scf.for %scan3A_346 = %scan3A_38 to %scan3A_40 step %scan3A_41  : i32 {
      %mul3A_347 = arith.constant 16 : i32
      %mul3A_348 = arith.muli %scan3A_346, %mul3A_347 : i32
      %add3A_349 = arith.addi %mul3A_36, %mul3A_348 : i32
      %get3A = arith.index_cast %rem3A_31 : i32 to index
      %get3A_350 = arith.index_cast %add3A_349 : i32 to index
      %get3A_351 = tpu.vector_load %arg5[%get3A, %get3A_350] {strides = array<i32>} : memref<40x128xi32, #tpu.memory_space<vmem>>, vector<1x16xi32>,
      %get3A_352 = vector.shape_cast %get3A_351 : vector<1x16xi32> to vector<16xi32>
      %and3A = arith.constant 65535 : i32
      %and3A_353 = vector.broadcast %and3A : i32 to vector<16xi32>
      %and3A_354 = arith.andi %get3A_352, %and3A_353 : vector<16xi32>
      %mul3A_355 = arith.constant 16 : i32
      %mul3A_356 = arith.muli %scan3A_346, %mul3A_355 : i32
      %swap3A = arith.constant 0 : i32
      %swap3A_357 = arith.index_cast %swap3A : i32 to index
      %swap3A_358 = arith.index_cast %mul3A_356 : i32 to index
      %swap3A_359 = tpu.vector_load %arg6[%swap3A_357, %swap3A_358] {strides = array<i32>} : memref<5x64xi32, #tpu.memory_space<vmem>>, vector<1x16xi32>,
      %swap3A_360 = vector.shape_cast %swap3A_359 : vector<1x16xi32> to vector<16xi32>
      %swap3A_361 = vector.shape_cast %and3A_354 : vector<16xi32> to vector<1x16xi32>
      tpu.vector_store %arg6[%swap3A_357, %swap3A_358], %swap3A_361 {strides = array<i32>} : memref<5x64xi32, #tpu.memory_space<vmem>>, vector<1x16xi32>,
      %shift_right_logical3A = arith.constant 16 : i32
      %shift_right_logical3A_362 = vector.broadcast %shift_right_logical3A : i32 to vector<16xi32>
      %shift_right_logical3A_363 = arith.shrui %get3A_352, %shift_right_logical3A_362 : vector<16xi32>
      %mul3A_364 = arith.constant 16 : i32
      %mul3A_365 = arith.muli %scan3A_346, %mul3A_364 : i32
      %swap3A_366 = arith.constant 0 : i32
      %swap3A_367 = arith.index_cast %swap3A_366 : i32 to index
      %swap3A_368 = arith.index_cast %mul3A_365 : i32 to index
      %swap3A_369 = tpu.vector_load %arg7[%swap3A_367, %swap3A_368] {strides = array<i32>} : memref<5x64xi32, #tpu.memory_space<vmem>>, vector<1x16xi32>,
      %swap3A_370 = vector.shape_cast %swap3A_369 : vector<1x16xi32> to vector<16xi32>
      %swap3A_371 = vector.shape_cast %shift_right_logical3A_363 : vector<16xi32> to vector<1x16xi32>
      tpu.vector_store %arg7[%swap3A_367, %swap3A_368], %swap3A_371 {strides = array<i32>} : memref<5x64xi32, #tpu.memory_space<vmem>>, vector<1x16xi32>,
    }
    %scan3A_42 = arith.constant 4 : i32
    %dma_start3A_43 = arith.constant 0 : i32
    %dma_start3A_44 = arith.constant 0 : i32
    %dma_start3A_45 = arith.constant 0 : i32
    %dma_start3A_46 = arith.constant 0 : i32
    %dma_start3A_47 = tpu.memref_slice %arg8[%dma_start3A_44, %dma_start3A_45, %dma_start3A_46] : memref<5x64x128xf32, #tpu.memory_space<vmem>> -> memref<1x64x128xf32, #tpu.memory_space<vmem>>
    %dma_start3A_48 = tpu.memref_squeeze %dma_start3A_47 : memref<1x64x128xf32, #tpu.memory_space<vmem>> -> memref<64x128xf32, #tpu.memory_space<vmem>>
    %dma_start3A_49 = arith.constant 0 : i32
    %dma_start3A_50 = tpu.memref_slice %arg6[%dma_start3A_43, %dma_start3A_49] : memref<5x64xi32, #tpu.memory_space<vmem>> -> memref<1x64xi32, #tpu.memory_space<vmem>>
    %dma_start3A_51 = tpu.memref_squeeze %dma_start3A_50 : memref<1x64xi32, #tpu.memory_space<vmem>> -> memref<64xi32, #tpu.memory_space<vmem>>
    %dma_start3A_52 = arith.constant 0 : i32
    %dma_start3A_53 = arith.constant 0 : i32
    %dma_start3A_54 = tpu.memref_slice %arg3[%dma_start3A_52, %dma_start3A_53] : memref<10240x128xf32, #tpu.memory_space<hbm>> -> memref<10240x128xf32, #tpu.memory_space<hbm>>
    tpu.enqueue_indirect_dma source(%dma_start3A_54 : memref<10240x128xf32, #tpu.memory_space<hbm>>) target(%dma_start3A_48 : memref<64x128xf32, #tpu.memory_space<vmem>>) offsets(%dma_start3A_51 : memref<64xi32, #tpu.memory_space<vmem>>) semaphore(%arg10 : memref<!tpu.dma_semaphore, #tpu.memory_space<semaphore_mem>>)
    %rem3A_55 = arith.constant 0 : i32
    %rem3A_56 = arith.constant 40 : i32
    %rem3A_57 = arith.remsi %rem3A_55, %rem3A_56 : i32
    %rem3A_58 = arith.constant 1 : i32
    %rem3A_59 = arith.constant 2 : i32
    %rem3A_60 = arith.remsi %rem3A_58, %rem3A_59 : i32
    %mul3A_61 = arith.constant 64 : i32
    %mul3A_62 = arith.muli %rem3A_60, %mul3A_61 : i32
    %scan3A_63 = arith.constant 0 : i32
    %scan3A_64 = arith.constant 0 : i32
    %scan3A_65 = arith.constant 4 : i32
    %scan3A_66 = arith.addi %scan3A_64, %scan3A_65 : i32
    %scan3A_67 = arith.constant 1 : i32
    scf.for %scan3A_346 = %scan3A_64 to %scan3A_66 step %scan3A_67  : i32 {
      %mul3A_347 = arith.constant 16 : i32
      %mul3A_348 = arith.muli %scan3A_346, %mul3A_347 : i32
      %add3A_349 = arith.addi %mul3A_62, %mul3A_348 : i32
      %get3A = arith.index_cast %rem3A_57 : i32 to index
      %get3A_350 = arith.index_cast %add3A_349 : i32 to index
      %get3A_351 = tpu.vector_load %arg5[%get3A, %get3A_350] {strides = array<i32>} : memref<40x128xi32, #tpu.memory_space<vmem>>, vector<1x16xi32>,
      %get3A_352 = vector.shape_cast %get3A_351 : vector<1x16xi32> to vector<16xi32>
      %and3A = arith.constant 65535 : i32
      %and3A_353 = vector.broadcast %and3A : i32 to vector<16xi32>
      %and3A_354 = arith.andi %get3A_352, %and3A_353 : vector<16xi32>
      %mul3A_355 = arith.constant 16 : i32
      %mul3A_356 = arith.muli %scan3A_346, %mul3A_355 : i32
      %swap3A = arith.constant 1 : i32
      %swap3A_357 = arith.index_cast %swap3A : i32 to index
      %swap3A_358 = arith.index_cast %mul3A_356 : i32 to index
      %swap3A_359 = tpu.vector_load %arg6[%swap3A_357, %swap3A_358] {strides = array<i32>} : memref<5x64xi32, #tpu.memory_space<vmem>>, vector<1x16xi32>,
      %swap3A_360 = vector.shape_cast %swap3A_359 : vector<1x16xi32> to vector<16xi32>
      %swap3A_361 = vector.shape_cast %and3A_354 : vector<16xi32> to vector<1x16xi32>
      tpu.vector_store %arg6[%swap3A_357, %swap3A_358], %swap3A_361 {strides = array<i32>} : memref<5x64xi32, #tpu.memory_space<vmem>>, vector<1x16xi32>,
      %shift_right_logical3A = arith.constant 16 : i32
      %shift_right_logical3A_362 = vector.broadcast %shift_right_logical3A : i32 to vector<16xi32>
      %shift_right_logical3A_363 = arith.shrui %get3A_352, %shift_right_logical3A_362 : vector<16xi32>
      %mul3A_364 = arith.constant 16 : i32
      %mul3A_365 = arith.muli %scan3A_346, %mul3A_364 : i32
      %swap3A_366 = arith.constant 1 : i32
      %swap3A_367 = arith.index_cast %swap3A_366 : i32 to index
      %swap3A_368 = arith.index_cast %mul3A_365 : i32 to index
      %swap3A_369 = tpu.vector_load %arg7[%swap3A_367, %swap3A_368] {strides = array<i32>} : memref<5x64xi32, #tpu.memory_space<vmem>>, vector<1x16xi32>,
      %swap3A_370 = vector.shape_cast %swap3A_369 : vector<1x16xi32> to vector<16xi32>
      %swap3A_371 = vector.shape_cast %shift_right_logical3A_363 : vector<16xi32> to vector<1x16xi32>
      tpu.vector_store %arg7[%swap3A_367, %swap3A_368], %swap3A_371 {strides = array<i32>} : memref<5x64xi32, #tpu.memory_space<vmem>>, vector<1x16xi32>,
    }
    %scan3A_68 = arith.constant 4 : i32
    %dma_start3A_69 = arith.constant 1 : i32
    %dma_start3A_70 = arith.constant 1 : i32
    %dma_start3A_71 = arith.constant 0 : i32
    %dma_start3A_72 = arith.constant 0 : i32
    %dma_start3A_73 = tpu.memref_slice %arg8[%dma_start3A_70, %dma_start3A_71, %dma_start3A_72] : memref<5x64x128xf32, #tpu.memory_space<vmem>> -> memref<1x64x128xf32, #tpu.memory_space<vmem>>
    %dma_start3A_74 = tpu.memref_squeeze %dma_start3A_73 : memref<1x64x128xf32, #tpu.memory_space<vmem>> -> memref<64x128xf32, #tpu.memory_space<vmem>>
    %dma_start3A_75 = arith.constant 0 : i32
    %dma_start3A_76 = tpu.memref_slice %arg6[%dma_start3A_69, %dma_start3A_75] : memref<5x64xi32, #tpu.memory_space<vmem>> -> memref<1x64xi32, #tpu.memory_space<vmem>>
    %dma_start3A_77 = tpu.memref_squeeze %dma_start3A_76 : memref<1x64xi32, #tpu.memory_space<vmem>> -> memref<64xi32, #tpu.memory_space<vmem>>
    %dma_start3A_78 = arith.constant 0 : i32
    %dma_start3A_79 = arith.constant 0 : i32
    %dma_start3A_80 = tpu.memref_slice %arg3[%dma_start3A_78, %dma_start3A_79] : memref<10240x128xf32, #tpu.memory_space<hbm>> -> memref<10240x128xf32, #tpu.memory_space<hbm>>
    tpu.enqueue_indirect_dma source(%dma_start3A_80 : memref<10240x128xf32, #tpu.memory_space<hbm>>) target(%dma_start3A_74 : memref<64x128xf32, #tpu.memory_space<vmem>>) offsets(%dma_start3A_77 : memref<64xi32, #tpu.memory_space<vmem>>) semaphore(%arg11 : memref<!tpu.dma_semaphore, #tpu.memory_space<semaphore_mem>>)
    %rem3A_81 = arith.constant 1 : i32
    %rem3A_82 = arith.constant 40 : i32
    %rem3A_83 = arith.remsi %rem3A_81, %rem3A_82 : i32
    %rem3A_84 = arith.constant 2 : i32
    %rem3A_85 = arith.constant 2 : i32
    %rem3A_86 = arith.remsi %rem3A_84, %rem3A_85 : i32
    %mul3A_87 = arith.constant 64 : i32
    %mul3A_88 = arith.muli %rem3A_86, %mul3A_87 : i32
    %scan3A_89 = arith.constant 0 : i32
    %scan3A_90 = arith.constant 0 : i32
    %scan3A_91 = arith.constant 4 : i32
    %scan3A_92 = arith.addi %scan3A_90, %scan3A_91 : i32
    %scan3A_93 = arith.constant 1 : i32
    scf.for %scan3A_346 = %scan3A_90 to %scan3A_92 step %scan3A_93  : i32 {
      %mul3A_347 = arith.constant 16 : i32
      %mul3A_348 = arith.muli %scan3A_346, %mul3A_347 : i32
      %add3A_349 = arith.addi %mul3A_88, %mul3A_348 : i32
      %get3A = arith.index_cast %rem3A_83 : i32 to index
      %get3A_350 = arith.index_cast %add3A_349 : i32 to index
      %get3A_351 = tpu.vector_load %arg5[%get3A, %get3A_350] {strides = array<i32>} : memref<40x128xi32, #tpu.memory_space<vmem>>, vector<1x16xi32>,
      %get3A_352 = vector.shape_cast %get3A_351 : vector<1x16xi32> to vector<16xi32>
      %and3A = arith.constant 65535 : i32
      %and3A_353 = vector.broadcast %and3A : i32 to vector<16xi32>
      %and3A_354 = arith.andi %get3A_352, %and3A_353 : vector<16xi32>
      %mul3A_355 = arith.constant 16 : i32
      %mul3A_356 = arith.muli %scan3A_346, %mul3A_355 : i32
      %swap3A = arith.constant 2 : i32
      %swap3A_357 = arith.index_cast %swap3A : i32 to index
      %swap3A_358 = arith.index_cast %mul3A_356 : i32 to index
      %swap3A_359 = tpu.vector_load %arg6[%swap3A_357, %swap3A_358] {strides = array<i32>} : memref<5x64xi32, #tpu.memory_space<vmem>>, vector<1x16xi32>,
      %swap3A_360 = vector.shape_cast %swap3A_359 : vector<1x16xi32> to vector<16xi32>
      %swap3A_361 = vector.shape_cast %and3A_354 : vector<16xi32> to vector<1x16xi32>
      tpu.vector_store %arg6[%swap3A_357, %swap3A_358], %swap3A_361 {strides = array<i32>} : memref<5x64xi32, #tpu.memory_space<vmem>>, vector<1x16xi32>,
      %shift_right_logical3A = arith.constant 16 : i32
      %shift_right_logical3A_362 = vector.broadcast %shift_right_logical3A : i32 to vector<16xi32>
      %shift_right_logical3A_363 = arith.shrui %get3A_352, %shift_right_logical3A_362 : vector<16xi32>
      %mul3A_364 = arith.constant 16 : i32
      %mul3A_365 = arith.muli %scan3A_346, %mul3A_364 : i32
      %swap3A_366 = arith.constant 2 : i32
      %swap3A_367 = arith.index_cast %swap3A_366 : i32 to index
      %swap3A_368 = arith.index_cast %mul3A_365 : i32 to index
      %swap3A_369 = tpu.vector_load %arg7[%swap3A_367, %swap3A_368] {strides = array<i32>} : memref<5x64xi32, #tpu.memory_space<vmem>>, vector<1x16xi32>,
      %swap3A_370 = vector.shape_cast %swap3A_369 : vector<1x16xi32> to vector<16xi32>
      %swap3A_371 = vector.shape_cast %shift_right_logical3A_363 : vector<16xi32> to vector<1x16xi32>
      tpu.vector_store %arg7[%swap3A_367, %swap3A_368], %swap3A_371 {strides = array<i32>} : memref<5x64xi32, #tpu.memory_space<vmem>>, vector<1x16xi32>,
    }
    %scan3A_94 = arith.constant 4 : i32
    %dma_start3A_95 = arith.constant 2 : i32
    %dma_start3A_96 = arith.constant 2 : i32
    %dma_start3A_97 = arith.constant 0 : i32
    %dma_start3A_98 = arith.constant 0 : i32
    %dma_start3A_99 = tpu.memref_slice %arg8[%dma_start3A_96, %dma_start3A_97, %dma_start3A_98] : memref<5x64x128xf32, #tpu.memory_space<vmem>> -> memref<1x64x128xf32, #tpu.memory_space<vmem>>
    %dma_start3A_100 = tpu.memref_squeeze %dma_start3A_99 : memref<1x64x128xf32, #tpu.memory_space<vmem>> -> memref<64x128xf32, #tpu.memory_space<vmem>>
    %dma_start3A_101 = arith.constant 0 : i32
    %dma_start3A_102 = tpu.memref_slice %arg6[%dma_start3A_95, %dma_start3A_101] : memref<5x64xi32, #tpu.memory_space<vmem>> -> memref<1x64xi32, #tpu.memory_space<vmem>>
    %dma_start3A_103 = tpu.memref_squeeze %dma_start3A_102 : memref<1x64xi32, #tpu.memory_space<vmem>> -> memref<64xi32, #tpu.memory_space<vmem>>
    %dma_start3A_104 = arith.constant 0 : i32
    %dma_start3A_105 = arith.constant 0 : i32
    %dma_start3A_106 = tpu.memref_slice %arg3[%dma_start3A_104, %dma_start3A_105] : memref<10240x128xf32, #tpu.memory_space<hbm>> -> memref<10240x128xf32, #tpu.memory_space<hbm>>
    tpu.enqueue_indirect_dma source(%dma_start3A_106 : memref<10240x128xf32, #tpu.memory_space<hbm>>) target(%dma_start3A_100 : memref<64x128xf32, #tpu.memory_space<vmem>>) offsets(%dma_start3A_103 : memref<64xi32, #tpu.memory_space<vmem>>) semaphore(%arg12 : memref<!tpu.dma_semaphore, #tpu.memory_space<semaphore_mem>>)
    %rem3A_107 = arith.constant 1 : i32
    %rem3A_108 = arith.constant 40 : i32
    %rem3A_109 = arith.remsi %rem3A_107, %rem3A_108 : i32
    %rem3A_110 = arith.constant 3 : i32
    %rem3A_111 = arith.constant 2 : i32
    %rem3A_112 = arith.remsi %rem3A_110, %rem3A_111 : i32
    %mul3A_113 = arith.constant 64 : i32
    %mul3A_114 = arith.muli %rem3A_112, %mul3A_113 : i32
    %scan3A_115 = arith.constant 0 : i32
    %scan3A_116 = arith.constant 0 : i32
    %scan3A_117 = arith.constant 4 : i32
    %scan3A_118 = arith.addi %scan3A_116, %scan3A_117 : i32
    %scan3A_119 = arith.constant 1 : i32
    scf.for %scan3A_346 = %scan3A_116 to %scan3A_118 step %scan3A_119  : i32 {
      %mul3A_347 = arith.constant 16 : i32
      %mul3A_348 = arith.muli %scan3A_346, %mul3A_347 : i32
      %add3A_349 = arith.addi %mul3A_114, %mul3A_348 : i32
      %get3A = arith.index_cast %rem3A_109 : i32 to index
      %get3A_350 = arith.index_cast %add3A_349 : i32 to index
      %get3A_351 = tpu.vector_load %arg5[%get3A, %get3A_350] {strides = array<i32>} : memref<40x128xi32, #tpu.memory_space<vmem>>, vector<1x16xi32>,
      %get3A_352 = vector.shape_cast %get3A_351 : vector<1x16xi32> to vector<16xi32>
      %and3A = arith.constant 65535 : i32
      %and3A_353 = vector.broadcast %and3A : i32 to vector<16xi32>
      %and3A_354 = arith.andi %get3A_352, %and3A_353 : vector<16xi32>
      %mul3A_355 = arith.constant 16 : i32
      %mul3A_356 = arith.muli %scan3A_346, %mul3A_355 : i32
      %swap3A = arith.constant 3 : i32
      %swap3A_357 = arith.index_cast %swap3A : i32 to index
      %swap3A_358 = arith.index_cast %mul3A_356 : i32 to index
      %swap3A_359 = tpu.vector_load %arg6[%swap3A_357, %swap3A_358] {strides = array<i32>} : memref<5x64xi32, #tpu.memory_space<vmem>>, vector<1x16xi32>,
      %swap3A_360 = vector.shape_cast %swap3A_359 : vector<1x16xi32> to vector<16xi32>
      %swap3A_361 = vector.shape_cast %and3A_354 : vector<16xi32> to vector<1x16xi32>
      tpu.vector_store %arg6[%swap3A_357, %swap3A_358], %swap3A_361 {strides = array<i32>} : memref<5x64xi32, #tpu.memory_space<vmem>>, vector<1x16xi32>,
      %shift_right_logical3A = arith.constant 16 : i32
      %shift_right_logical3A_362 = vector.broadcast %shift_right_logical3A : i32 to vector<16xi32>
      %shift_right_logical3A_363 = arith.shrui %get3A_352, %shift_right_logical3A_362 : vector<16xi32>
      %mul3A_364 = arith.constant 16 : i32
      %mul3A_365 = arith.muli %scan3A_346, %mul3A_364 : i32
      %swap3A_366 = arith.constant 3 : i32
      %swap3A_367 = arith.index_cast %swap3A_366 : i32 to index
      %swap3A_368 = arith.index_cast %mul3A_365 : i32 to index
      %swap3A_369 = tpu.vector_load %arg7[%swap3A_367, %swap3A_368] {strides = array<i32>} : memref<5x64xi32, #tpu.memory_space<vmem>>, vector<1x16xi32>,
      %swap3A_370 = vector.shape_cast %swap3A_369 : vector<1x16xi32> to vector<16xi32>
      %swap3A_371 = vector.shape_cast %shift_right_logical3A_363 : vector<16xi32> to vector<1x16xi32>
      tpu.vector_store %arg7[%swap3A_367, %swap3A_368], %swap3A_371 {strides = array<i32>} : memref<5x64xi32, #tpu.memory_space<vmem>>, vector<1x16xi32>,
    }
    %scan3A_120 = arith.constant 4 : i32
    %dma_start3A_121 = arith.constant 3 : i32
    %dma_start3A_122 = arith.constant 3 : i32
    %dma_start3A_123 = arith.constant 0 : i32
    %dma_start3A_124 = arith.constant 0 : i32
    %dma_start3A_125 = tpu.memref_slice %arg8[%dma_start3A_122, %dma_start3A_123, %dma_start3A_124] : memref<5x64x128xf32, #tpu.memory_space<vmem>> -> memref<1x64x128xf32, #tpu.memory_space<vmem>>
    %dma_start3A_126 = tpu.memref_squeeze %dma_start3A_125 : memref<1x64x128xf32, #tpu.memory_space<vmem>> -> memref<64x128xf32, #tpu.memory_space<vmem>>
    %dma_start3A_127 = arith.constant 0 : i32
    %dma_start3A_128 = tpu.memref_slice %arg6[%dma_start3A_121, %dma_start3A_127] : memref<5x64xi32, #tpu.memory_space<vmem>> -> memref<1x64xi32, #tpu.memory_space<vmem>>
    %dma_start3A_129 = tpu.memref_squeeze %dma_start3A_128 : memref<1x64xi32, #tpu.memory_space<vmem>> -> memref<64xi32, #tpu.memory_space<vmem>>
    %dma_start3A_130 = arith.constant 0 : i32
    %dma_start3A_131 = arith.constant 0 : i32
    %dma_start3A_132 = tpu.memref_slice %arg3[%dma_start3A_130, %dma_start3A_131] : memref<10240x128xf32, #tpu.memory_space<hbm>> -> memref<10240x128xf32, #tpu.memory_space<hbm>>
    tpu.enqueue_indirect_dma source(%dma_start3A_132 : memref<10240x128xf32, #tpu.memory_space<hbm>>) target(%dma_start3A_126 : memref<64x128xf32, #tpu.memory_space<vmem>>) offsets(%dma_start3A_129 : memref<64xi32, #tpu.memory_space<vmem>>) semaphore(%arg13 : memref<!tpu.dma_semaphore, #tpu.memory_space<semaphore_mem>>)
    %rem3A_133 = arith.constant 2 : i32
    %rem3A_134 = arith.constant 40 : i32
    %rem3A_135 = arith.remsi %rem3A_133, %rem3A_134 : i32
    %rem3A_136 = arith.constant 4 : i32
    %rem3A_137 = arith.constant 2 : i32
    %rem3A_138 = arith.remsi %rem3A_136, %rem3A_137 : i32
    %mul3A_139 = arith.constant 64 : i32
    %mul3A_140 = arith.muli %rem3A_138, %mul3A_139 : i32
    %scan3A_141 = arith.constant 0 : i32
    %scan3A_142 = arith.constant 0 : i32
    %scan3A_143 = arith.constant 4 : i32
    %scan3A_144 = arith.addi %scan3A_142, %scan3A_143 : i32
    %scan3A_145 = arith.constant 1 : i32
    scf.for %scan3A_346 = %scan3A_142 to %scan3A_144 step %scan3A_145  : i32 {
      %mul3A_347 = arith.constant 16 : i32
      %mul3A_348 = arith.muli %scan3A_346, %mul3A_347 : i32
      %add3A_349 = arith.addi %mul3A_140, %mul3A_348 : i32
      %get3A = arith.index_cast %rem3A_135 : i32 to index
      %get3A_350 = arith.index_cast %add3A_349 : i32 to index
      %get3A_351 = tpu.vector_load %arg5[%get3A, %get3A_350] {strides = array<i32>} : memref<40x128xi32, #tpu.memory_space<vmem>>, vector<1x16xi32>,
      %get3A_352 = vector.shape_cast %get3A_351 : vector<1x16xi32> to vector<16xi32>
      %and3A = arith.constant 65535 : i32
      %and3A_353 = vector.broadcast %and3A : i32 to vector<16xi32>
      %and3A_354 = arith.andi %get3A_352, %and3A_353 : vector<16xi32>
      %mul3A_355 = arith.constant 16 : i32
      %mul3A_356 = arith.muli %scan3A_346, %mul3A_355 : i32
      %swap3A = arith.constant 4 : i32
      %swap3A_357 = arith.index_cast %swap3A : i32 to index
      %swap3A_358 = arith.index_cast %mul3A_356 : i32 to index
      %swap3A_359 = tpu.vector_load %arg6[%swap3A_357, %swap3A_358] {strides = array<i32>} : memref<5x64xi32, #tpu.memory_space<vmem>>, vector<1x16xi32>,
      %swap3A_360 = vector.shape_cast %swap3A_359 : vector<1x16xi32> to vector<16xi32>
      %swap3A_361 = vector.shape_cast %and3A_354 : vector<16xi32> to vector<1x16xi32>
      tpu.vector_store %arg6[%swap3A_357, %swap3A_358], %swap3A_361 {strides = array<i32>} : memref<5x64xi32, #tpu.memory_space<vmem>>, vector<1x16xi32>,
      %shift_right_logical3A = arith.constant 16 : i32
      %shift_right_logical3A_362 = vector.broadcast %shift_right_logical3A : i32 to vector<16xi32>
      %shift_right_logical3A_363 = arith.shrui %get3A_352, %shift_right_logical3A_362 : vector<16xi32>
      %mul3A_364 = arith.constant 16 : i32
      %mul3A_365 = arith.muli %scan3A_346, %mul3A_364 : i32
      %swap3A_366 = arith.constant 4 : i32
      %swap3A_367 = arith.index_cast %swap3A_366 : i32 to index
      %swap3A_368 = arith.index_cast %mul3A_365 : i32 to index
      %swap3A_369 = tpu.vector_load %arg7[%swap3A_367, %swap3A_368] {strides = array<i32>} : memref<5x64xi32, #tpu.memory_space<vmem>>, vector<1x16xi32>,
      %swap3A_370 = vector.shape_cast %swap3A_369 : vector<1x16xi32> to vector<16xi32>
      %swap3A_371 = vector.shape_cast %shift_right_logical3A_363 : vector<16xi32> to vector<1x16xi32>
      tpu.vector_store %arg7[%swap3A_367, %swap3A_368], %swap3A_371 {strides = array<i32>} : memref<5x64xi32, #tpu.memory_space<vmem>>, vector<1x16xi32>,
    }
    %scan3A_146 = arith.constant 4 : i32
    %dma_start3A_147 = arith.constant 4 : i32
    %dma_start3A_148 = arith.constant 4 : i32
    %dma_start3A_149 = arith.constant 0 : i32
    %dma_start3A_150 = arith.constant 0 : i32
    %dma_start3A_151 = tpu.memref_slice %arg8[%dma_start3A_148, %dma_start3A_149, %dma_start3A_150] : memref<5x64x128xf32, #tpu.memory_space<vmem>> -> memref<1x64x128xf32, #tpu.memory_space<vmem>>
    %dma_start3A_152 = tpu.memref_squeeze %dma_start3A_151 : memref<1x64x128xf32, #tpu.memory_space<vmem>> -> memref<64x128xf32, #tpu.memory_space<vmem>>
    %dma_start3A_153 = arith.constant 0 : i32
    %dma_start3A_154 = tpu.memref_slice %arg6[%dma_start3A_147, %dma_start3A_153] : memref<5x64xi32, #tpu.memory_space<vmem>> -> memref<1x64xi32, #tpu.memory_space<vmem>>
    %dma_start3A_155 = tpu.memref_squeeze %dma_start3A_154 : memref<1x64xi32, #tpu.memory_space<vmem>> -> memref<64xi32, #tpu.memory_space<vmem>>
    %dma_start3A_156 = arith.constant 0 : i32
    %dma_start3A_157 = arith.constant 0 : i32
    %dma_start3A_158 = tpu.memref_slice %arg3[%dma_start3A_156, %dma_start3A_157] : memref<10240x128xf32, #tpu.memory_space<hbm>> -> memref<10240x128xf32, #tpu.memory_space<hbm>>
    tpu.enqueue_indirect_dma source(%dma_start3A_158 : memref<10240x128xf32, #tpu.memory_space<hbm>>) target(%dma_start3A_152 : memref<64x128xf32, #tpu.memory_space<vmem>>) offsets(%dma_start3A_155 : memref<64xi32, #tpu.memory_space<vmem>>) semaphore(%arg14 : memref<!tpu.dma_semaphore, #tpu.memory_space<semaphore_mem>>)
    %scan3A_159 = arith.constant 0 : i32
    %scan3A_160 = arith.constant 0 : i32
    %scan3A_161 = arith.constant 31 : i32
    %scan3A_162 = arith.addi %scan3A_160, %scan3A_161 : i32
    %scan3A_163 = arith.constant 1 : i32
    scf.for %scan3A_346 = %scan3A_160 to %scan3A_162 step %scan3A_163  : i32 {
      %eq3A = arith.constant 15 : i32
      %eq3A_347 = arith.cmpi eq, %scan3A_346, %eq3A : i32
      %convert_element_type3A = arith.extui %eq3A_347 : i1 to i32
      %cond3A = arith.constant 0 : i32
      %cond3A_348 = arith.cmpi ne, %convert_element_type3A, %cond3A : i32
      scf.if %cond3A_348 {
        %add3A_792 = arith.constant 40 : i32
        %add3A_793 = arith.addi %multiple_of3A, %add3A_792 : i32
        "tpu.region"() ({
          %run_scoped3A = tpu.sem_alloc : memref<!tpu.dma_semaphore, #tpu.memory_space<semaphore_mem>>
          %dma_start3A_794 = arith.constant 0 : i32
          %dma_start3A_795 = tpu.memref_slice %arg2[%add3A_793, %dma_start3A_794] : memref<2560x128xi32, #tpu.memory_space<hbm>> -> memref<40x128xi32, #tpu.memory_space<hbm>>
          %dma_start3A_796 = arith.constant 0 : i32
          %dma_start3A_797 = tpu.memref_slice %arg2[%add3A_793, %dma_start3A_796] : memref<2560x128xi32, #tpu.memory_space<hbm>> -> memref<40x128xi32, #tpu.memory_space<hbm>>
          tpu.enqueue_dma source(%dma_start3A_797 : memref<40x128xi32, #tpu.memory_space<hbm>>) target(%arg5 : memref<40x128xi32, #tpu.memory_space<vmem>>) target_semaphore(%run_scoped3A : memref<!tpu.dma_semaphore, #tpu.memory_space<semaphore_mem>>)
          %dma_wait3A_798 = arith.constant 0 : i32
          %dma_wait3A_799 = tpu.memref_slice %arg2[%add3A_793, %dma_wait3A_798] : memref<2560x128xi32, #tpu.memory_space<hbm>> -> memref<40x128xi32, #tpu.memory_space<hbm>>
          %dma_wait3A_800 = arith.constant 0 : i32
          %dma_wait3A_801 = tpu.memref_slice %arg2[%add3A_793, %dma_wait3A_800] : memref<2560x128xi32, #tpu.memory_space<hbm>> -> memref<40x128xi32, #tpu.memory_space<hbm>>
          tpu.wait_dma2 semaphore(%run_scoped3A : memref<!tpu.dma_semaphore, #tpu.memory_space<semaphore_mem>>) src(%dma_wait3A_801 : memref<40x128xi32, #tpu.memory_space<hbm>>) dst(%arg5 : memref<40x128xi32, #tpu.memory_space<vmem>>)
          tpu.yield
        }) : () -> ()
      } else {
      }
      %mul3A_349 = arith.constant 5 : i32
      %mul3A_350 = arith.muli %scan3A_346, %mul3A_349 : i32
      %add3A_351 = arith.constant 0 : i32
      %add3A_352 = arith.addi %mul3A_350, %add3A_351 : i32
      %dma_wait3A_353 = arith.constant 0 : i32
      %dma_wait3A_354 = arith.constant 0 : i32
      %dma_wait3A_355 = arith.constant 0 : i32
      %dma_wait3A_356 = arith.constant 0 : i32
      %dma_wait3A_357 = tpu.memref_slice %arg8[%dma_wait3A_354, %dma_wait3A_355, %dma_wait3A_356] : memref<5x64x128xf32, #tpu.memory_space<vmem>> -> memref<1x64x128xf32, #tpu.memory_space<vmem>>
      %dma_wait3A_358 = tpu.memref_squeeze %dma_wait3A_357 : memref<1x64x128xf32, #tpu.memory_space<vmem>> -> memref<64x128xf32, #tpu.memory_space<vmem>>
      %dma_wait3A_359 = arith.constant 0 : i32
      %dma_wait3A_360 = tpu.memref_slice %arg6[%dma_wait3A_353, %dma_wait3A_359] : memref<5x64xi32, #tpu.memory_space<vmem>> -> memref<1x64xi32, #tpu.memory_space<vmem>>
      %dma_wait3A_361 = tpu.memref_squeeze %dma_wait3A_360 : memref<1x64xi32, #tpu.memory_space<vmem>> -> memref<64xi32, #tpu.memory_space<vmem>>
      %dma_wait3A_362 = arith.constant 0 : i32
      %dma_wait3A_363 = arith.constant 0 : i32
      %dma_wait3A_364 = tpu.memref_slice %arg3[%dma_wait3A_362, %dma_wait3A_363] : memref<10240x128xf32, #tpu.memory_space<hbm>> -> memref<10240x128xf32, #tpu.memory_space<hbm>>
      tpu.wait_indirect_dma semaphore(%arg10 : memref<!tpu.dma_semaphore, #tpu.memory_space<semaphore_mem>>) src(%dma_wait3A_364 : memref<10240x128xf32, #tpu.memory_space<hbm>>) dst(%dma_wait3A_358 : memref<64x128xf32, #tpu.memory_space<vmem>>)
      %dma_start3A_365 = arith.constant 0 : i32
      %dma_start3A_366 = arith.constant 0 : i32
      %dma_start3A_367 = arith.constant 0 : i32
      %dma_start3A_368 = arith.constant 0 : i32
      %dma_start3A_369 = tpu.memref_slice %arg8[%dma_start3A_365, %dma_start3A_367, %dma_start3A_368] : memref<5x64x128xf32, #tpu.memory_space<vmem>> -> memref<1x64x128xf32, #tpu.memory_space<vmem>>
      %dma_start3A_370 = tpu.memref_squeeze %dma_start3A_369 : memref<1x64x128xf32, #tpu.memory_space<vmem>> -> memref<64x128xf32, #tpu.memory_space<vmem>>
      %dma_start3A_371 = arith.constant 0 : i32
      %dma_start3A_372 = tpu.memref_slice %arg7[%dma_start3A_366, %dma_start3A_371] : memref<5x64xi32, #tpu.memory_space<vmem>> -> memref<1x64xi32, #tpu.memory_space<vmem>>
      %dma_start3A_373 = tpu.memref_squeeze %dma_start3A_372 : memref<1x64xi32, #tpu.memory_space<vmem>> -> memref<64xi32, #tpu.memory_space<vmem>>
      %dma_start3A_374 = arith.constant 0 : i32
      %dma_start3A_375 = arith.constant 0 : i32
      %dma_start3A_376 = tpu.memref_slice %arg9[%dma_start3A_374, %dma_start3A_375] : memref<10240x128xf32, #tpu.memory_space<vmem_shared>> -> memref<10240x128xf32, #tpu.memory_space<vmem_shared>>
      tpu.enqueue_indirect_dma source(%dma_start3A_370 : memref<64x128xf32, #tpu.memory_space<vmem>>) target(%dma_start3A_376 : memref<10240x128xf32, #tpu.memory_space<vmem_shared>>) offsets(%dma_start3A_373 : memref<64xi32, #tpu.memory_space<vmem>>) semaphore(%arg15 : memref<!tpu.dma_semaphore, #tpu.memory_space<semaphore_mem>>) {add = true}
      %dma_wait3A_377 = arith.constant 0 : i32
      %dma_wait3A_378 = arith.constant 0 : i32
      %dma_wait3A_379 = arith.constant 0 : i32
      %dma_wait3A_380 = arith.constant 0 : i32
      %dma_wait3A_381 = tpu.memref_slice %arg8[%dma_wait3A_377, %dma_wait3A_379, %dma_wait3A_380] : memref<5x64x128xf32, #tpu.memory_space<vmem>> -> memref<1x64x128xf32, #tpu.memory_space<vmem>>
      %dma_wait3A_382 = tpu.memref_squeeze %dma_wait3A_381 : memref<1x64x128xf32, #tpu.memory_space<vmem>> -> memref<64x128xf32, #tpu.memory_space<vmem>>
      %dma_wait3A_383 = arith.constant 0 : i32
      %dma_wait3A_384 = tpu.memref_slice %arg7[%dma_wait3A_378, %dma_wait3A_383] : memref<5x64xi32, #tpu.memory_space<vmem>> -> memref<1x64xi32, #tpu.memory_space<vmem>>
      %dma_wait3A_385 = tpu.memref_squeeze %dma_wait3A_384 : memref<1x64xi32, #tpu.memory_space<vmem>> -> memref<64xi32, #tpu.memory_space<vmem>>
      %dma_wait3A_386 = arith.constant 0 : i32
      %dma_wait3A_387 = arith.constant 0 : i32
      %dma_wait3A_388 = tpu.memref_slice %arg9[%dma_wait3A_386, %dma_wait3A_387] : memref<10240x128xf32, #tpu.memory_space<vmem_shared>> -> memref<10240x128xf32, #tpu.memory_space<vmem_shared>>
      tpu.wait_indirect_dma semaphore(%arg15 : memref<!tpu.dma_semaphore, #tpu.memory_space<semaphore_mem>>) src(%dma_wait3A_382 : memref<64x128xf32, #tpu.memory_space<vmem>>) dst(%dma_wait3A_388 : memref<10240x128xf32, #tpu.memory_space<vmem_shared>>)
      %add3A_389 = arith.constant 5 : i32
      %add3A_390 = arith.addi %add3A_352, %add3A_389 : i32
      %jit3A = arith.constant 2 : i32
      %div3A = arith.divsi %add3A_390, %jit3A : i32
      %sign3A = arith.constant 0 : i32
      %sign3A_391 = arith.cmpi sgt, %add3A_390, %sign3A : i32
      %sign3A_392 = arith.extui %sign3A_391 : i1 to i32
      %sign3A_393 = arith.constant 0 : i32
      %sign3A_394 = arith.cmpi slt, %add3A_390, %sign3A_393 : i32
      %sign3A_395 = arith.extui %sign3A_394 : i1 to i32
      %sign3A_396 = arith.subi %sign3A_392, %sign3A_395 : i32
      %sign3A_397 = arith.constant 0 : i32
      %sign3A_398 = arith.cmpi sgt, %jit3A, %sign3A_397 : i32
      %sign3A_399 = arith.extui %sign3A_398 : i1 to i32
      %sign3A_400 = arith.constant 0 : i32
      %sign3A_401 = arith.cmpi slt, %jit3A, %sign3A_400 : i32
      %sign3A_402 = arith.extui %sign3A_401 : i1 to i32
      %sign3A_403 = arith.subi %sign3A_399, %sign3A_402 : i32
      %ne3A = arith.cmpi ne, %sign3A_396, %sign3A_403 : i32
      %rem3A_404 = arith.remsi %add3A_390, %jit3A : i32
      %ne3A_405 = arith.constant 0 : i32
      %ne3A_406 = arith.cmpi ne, %rem3A_404, %ne3A_405 : i32
      %and3A = arith.andi %ne3A, %ne3A_406 : i1
      %sub3A = arith.constant 1 : i32
      %sub3A_407 = arith.subi %div3A, %sub3A : i32
      %select_n3A = arith.select %and3A, %sub3A_407, %div3A : i32
      %rem3A_408 = arith.constant 40 : i32
      %rem3A_409 = arith.remsi %select_n3A, %rem3A_408 : i32
      %rem3A_410 = arith.constant 2 : i32
      %rem3A_411 = arith.remsi %add3A_390, %rem3A_410 : i32
      %mul3A_412 = arith.constant 64 : i32
      %mul3A_413 = arith.muli %rem3A_411, %mul3A_412 : i32
      %scan3A_414 = arith.constant 0 : i32
      %scan3A_415 = arith.constant 0 : i32
      %scan3A_416 = arith.constant 4 : i32
      %scan3A_417 = arith.addi %scan3A_415, %scan3A_416 : i32
      %scan3A_418 = arith.constant 1 : i32
      scf.for %scan3A_792 = %scan3A_415 to %scan3A_417 step %scan3A_418  : i32 {
        %mul3A_793 = arith.constant 16 : i32
        %mul3A_794 = arith.muli %scan3A_792, %mul3A_793 : i32
        %add3A_795 = arith.addi %mul3A_413, %mul3A_794 : i32
        %get3A = arith.index_cast %rem3A_409 : i32 to index
        %get3A_796 = arith.index_cast %add3A_795 : i32 to index
        %get3A_797 = tpu.vector_load %arg5[%get3A, %get3A_796] {strides = array<i32>} : memref<40x128xi32, #tpu.memory_space<vmem>>, vector<1x16xi32>,
        %get3A_798 = vector.shape_cast %get3A_797 : vector<1x16xi32> to vector<16xi32>
        %and3A_799 = arith.constant 65535 : i32
        %and3A_800 = vector.broadcast %and3A_799 : i32 to vector<16xi32>
        %and3A_801 = arith.andi %get3A_798, %and3A_800 : vector<16xi32>
        %mul3A_802 = arith.constant 16 : i32
        %mul3A_803 = arith.muli %scan3A_792, %mul3A_802 : i32
        %swap3A = arith.constant 0 : i32
        %swap3A_804 = arith.index_cast %swap3A : i32 to index
        %swap3A_805 = arith.index_cast %mul3A_803 : i32 to index
        %swap3A_806 = tpu.vector_load %arg6[%swap3A_804, %swap3A_805] {strides = array<i32>} : memref<5x64xi32, #tpu.memory_space<vmem>>, vector<1x16xi32>,
        %swap3A_807 = vector.shape_cast %swap3A_806 : vector<1x16xi32> to vector<16xi32>
        %swap3A_808 = vector.shape_cast %and3A_801 : vector<16xi32> to vector<1x16xi32>
        tpu.vector_store %arg6[%swap3A_804, %swap3A_805], %swap3A_808 {strides = array<i32>} : memref<5x64xi32, #tpu.memory_space<vmem>>, vector<1x16xi32>,
        %shift_right_logical3A = arith.constant 16 : i32
        %shift_right_logical3A_809 = vector.broadcast %shift_right_logical3A : i32 to vector<16xi32>
        %shift_right_logical3A_810 = arith.shrui %get3A_798, %shift_right_logical3A_809 : vector<16xi32>
        %mul3A_811 = arith.constant 16 : i32
        %mul3A_812 = arith.muli %scan3A_792, %mul3A_811 : i32
        %swap3A_813 = arith.constant 0 : i32
        %swap3A_814 = arith.index_cast %swap3A_813 : i32 to index
        %swap3A_815 = arith.index_cast %mul3A_812 : i32 to index
        %swap3A_816 = tpu.vector_load %arg7[%swap3A_814, %swap3A_815] {strides = array<i32>} : memref<5x64xi32, #tpu.memory_space<vmem>>, vector<1x16xi32>,
        %swap3A_817 = vector.shape_cast %swap3A_816 : vector<1x16xi32> to vector<16xi32>
        %swap3A_818 = vector.shape_cast %shift_right_logical3A_810 : vector<16xi32> to vector<1x16xi32>
        tpu.vector_store %arg7[%swap3A_814, %swap3A_815], %swap3A_818 {strides = array<i32>} : memref<5x64xi32, #tpu.memory_space<vmem>>, vector<1x16xi32>,
      }
      %scan3A_419 = arith.constant 4 : i32
      %dma_start3A_420 = arith.constant 0 : i32
      %dma_start3A_421 = arith.constant 0 : i32
      %dma_start3A_422 = arith.constant 0 : i32
      %dma_start3A_423 = arith.constant 0 : i32
      %dma_start3A_424 = tpu.memref_slice %arg8[%dma_start3A_421, %dma_start3A_422, %dma_start3A_423] : memref<5x64x128xf32, #tpu.memory_space<vmem>> -> memref<1x64x128xf32, #tpu.memory_space<vmem>>
      %dma_start3A_425 = tpu.memref_squeeze %dma_start3A_424 : memref<1x64x128xf32, #tpu.memory_space<vmem>> -> memref<64x128xf32, #tpu.memory_space<vmem>>
      %dma_start3A_426 = arith.constant 0 : i32
      %dma_start3A_427 = tpu.memref_slice %arg6[%dma_start3A_420, %dma_start3A_426] : memref<5x64xi32, #tpu.memory_space<vmem>> -> memref<1x64xi32, #tpu.memory_space<vmem>>
      %dma_start3A_428 = tpu.memref_squeeze %dma_start3A_427 : memref<1x64xi32, #tpu.memory_space<vmem>> -> memref<64xi32, #tpu.memory_space<vmem>>
      %dma_start3A_429 = arith.constant 0 : i32
      %dma_start3A_430 = arith.constant 0 : i32
      %dma_start3A_431 = tpu.memref_slice %arg3[%dma_start3A_429, %dma_start3A_430] : memref<10240x128xf32, #tpu.memory_space<hbm>> -> memref<10240x128xf32, #tpu.memory_space<hbm>>
      tpu.enqueue_indirect_dma source(%dma_start3A_431 : memref<10240x128xf32, #tpu.memory_space<hbm>>) target(%dma_start3A_425 : memref<64x128xf32, #tpu.memory_space<vmem>>) offsets(%dma_start3A_428 : memref<64xi32, #tpu.memory_space<vmem>>) semaphore(%arg10 : memref<!tpu.dma_semaphore, #tpu.memory_space<semaphore_mem>>)
      %mul3A_432 = arith.constant 5 : i32
      %mul3A_433 = arith.muli %scan3A_346, %mul3A_432 : i32
      %add3A_434 = arith.constant 1 : i32
      %add3A_435 = arith.addi %mul3A_433, %add3A_434 : i32
      %dma_wait3A_436 = arith.constant 1 : i32
      %dma_wait3A_437 = arith.constant 1 : i32
      %dma_wait3A_438 = arith.constant 0 : i32
      %dma_wait3A_439 = arith.constant 0 : i32
      %dma_wait3A_440 = tpu.memref_slice %arg8[%dma_wait3A_437, %dma_wait3A_438, %dma_wait3A_439] : memref<5x64x128xf32, #tpu.memory_space<vmem>> -> memref<1x64x128xf32, #tpu.memory_space<vmem>>
      %dma_wait3A_441 = tpu.memref_squeeze %dma_wait3A_440 : memref<1x64x128xf32, #tpu.memory_space<vmem>> -> memref<64x128xf32, #tpu.memory_space<vmem>>
      %dma_wait3A_442 = arith.constant 0 : i32
      %dma_wait3A_443 = tpu.memref_slice %arg6[%dma_wait3A_436, %dma_wait3A_442] : memref<5x64xi32, #tpu.memory_space<vmem>> -> memref<1x64xi32, #tpu.memory_space<vmem>>
      %dma_wait3A_444 = tpu.memref_squeeze %dma_wait3A_443 : memref<1x64xi32, #tpu.memory_space<vmem>> -> memref<64xi32, #tpu.memory_space<vmem>>
      %dma_wait3A_445 = arith.constant 0 : i32
      %dma_wait3A_446 = arith.constant 0 : i32
      %dma_wait3A_447 = tpu.memref_slice %arg3[%dma_wait3A_445, %dma_wait3A_446] : memref<10240x128xf32, #tpu.memory_space<hbm>> -> memref<10240x128xf32, #tpu.memory_space<hbm>>
      tpu.wait_indirect_dma semaphore(%arg11 : memref<!tpu.dma_semaphore, #tpu.memory_space<semaphore_mem>>) src(%dma_wait3A_447 : memref<10240x128xf32, #tpu.memory_space<hbm>>) dst(%dma_wait3A_441 : memref<64x128xf32, #tpu.memory_space<vmem>>)
      %dma_start3A_448 = arith.constant 1 : i32
      %dma_start3A_449 = arith.constant 1 : i32
      %dma_start3A_450 = arith.constant 0 : i32
      %dma_start3A_451 = arith.constant 0 : i32
      %dma_start3A_452 = tpu.memref_slice %arg8[%dma_start3A_448, %dma_start3A_450, %dma_start3A_451] : memref<5x64x128xf32, #tpu.memory_space<vmem>> -> memref<1x64x128xf32, #tpu.memory_space<vmem>>
      %dma_start3A_453 = tpu.memref_squeeze %dma_start3A_452 : memref<1x64x128xf32, #tpu.memory_space<vmem>> -> memref<64x128xf32, #tpu.memory_space<vmem>>
      %dma_start3A_454 = arith.constant 0 : i32
      %dma_start3A_455 = tpu.memref_slice %arg7[%dma_start3A_449, %dma_start3A_454] : memref<5x64xi32, #tpu.memory_space<vmem>> -> memref<1x64xi32, #tpu.memory_space<vmem>>
      %dma_start3A_456 = tpu.memref_squeeze %dma_start3A_455 : memref<1x64xi32, #tpu.memory_space<vmem>> -> memref<64xi32, #tpu.memory_space<vmem>>
      %dma_start3A_457 = arith.constant 0 : i32
      %dma_start3A_458 = arith.constant 0 : i32
      %dma_start3A_459 = tpu.memref_slice %arg9[%dma_start3A_457, %dma_start3A_458] : memref<10240x128xf32, #tpu.memory_space<vmem_shared>> -> memref<10240x128xf32, #tpu.memory_space<vmem_shared>>
      tpu.enqueue_indirect_dma source(%dma_start3A_453 : memref<64x128xf32, #tpu.memory_space<vmem>>) target(%dma_start3A_459 : memref<10240x128xf32, #tpu.memory_space<vmem_shared>>) offsets(%dma_start3A_456 : memref<64xi32, #tpu.memory_space<vmem>>) semaphore(%arg16 : memref<!tpu.dma_semaphore, #tpu.memory_space<semaphore_mem>>) {add = true}
      %dma_wait3A_460 = arith.constant 1 : i32
      %dma_wait3A_461 = arith.constant 1 : i32
      %dma_wait3A_462 = arith.constant 0 : i32
      %dma_wait3A_463 = arith.constant 0 : i32
      %dma_wait3A_464 = tpu.memref_slice %arg8[%dma_wait3A_460, %dma_wait3A_462, %dma_wait3A_463] : memref<5x64x128xf32, #tpu.memory_space<vmem>> -> memref<1x64x128xf32, #tpu.memory_space<vmem>>
      %dma_wait3A_465 = tpu.memref_squeeze %dma_wait3A_464 : memref<1x64x128xf32, #tpu.memory_space<vmem>> -> memref<64x128xf32, #tpu.memory_space<vmem>>
      %dma_wait3A_466 = arith.constant 0 : i32
      %dma_wait3A_467 = tpu.memref_slice %arg7[%dma_wait3A_461, %dma_wait3A_466] : memref<5x64xi32, #tpu.memory_space<vmem>> -> memref<1x64xi32, #tpu.memory_space<vmem>>
      %dma_wait3A_468 = tpu.memref_squeeze %dma_wait3A_467 : memref<1x64xi32, #tpu.memory_space<vmem>> -> memref<64xi32, #tpu.memory_space<vmem>>
      %dma_wait3A_469 = arith.constant 0 : i32
      %dma_wait3A_470 = arith.constant 0 : i32
      %dma_wait3A_471 = tpu.memref_slice %arg9[%dma_wait3A_469, %dma_wait3A_470] : memref<10240x128xf32, #tpu.memory_space<vmem_shared>> -> memref<10240x128xf32, #tpu.memory_space<vmem_shared>>
      tpu.wait_indirect_dma semaphore(%arg16 : memref<!tpu.dma_semaphore, #tpu.memory_space<semaphore_mem>>) src(%dma_wait3A_465 : memref<64x128xf32, #tpu.memory_space<vmem>>) dst(%dma_wait3A_471 : memref<10240x128xf32, #tpu.memory_space<vmem_shared>>)
      %add3A_472 = arith.constant 5 : i32
      %add3A_473 = arith.addi %add3A_435, %add3A_472 : i32
      %jit3A_474 = arith.constant 2 : i32
      %div3A_475 = arith.divsi %add3A_473, %jit3A_474 : i32
      %sign3A_476 = arith.constant 0 : i32
      %sign3A_477 = arith.cmpi sgt, %add3A_473, %sign3A_476 : i32
      %sign3A_478 = arith.extui %sign3A_477 : i1 to i32
      %sign3A_479 = arith.constant 0 : i32
      %sign3A_480 = arith.cmpi slt, %add3A_473, %sign3A_479 : i32
      %sign3A_481 = arith.extui %sign3A_480 : i1 to i32
      %sign3A_482 = arith.subi %sign3A_478, %sign3A_481 : i32
      %sign3A_483 = arith.constant 0 : i32
      %sign3A_484 = arith.cmpi sgt, %jit3A_474, %sign3A_483 : i32
      %sign3A_485 = arith.extui %sign3A_484 : i1 to i32
      %sign3A_486 = arith.constant 0 : i32
      %sign3A_487 = arith.cmpi slt, %jit3A_474, %sign3A_486 : i32
      %sign3A_488 = arith.extui %sign3A_487 : i1 to i32
      %sign3A_489 = arith.subi %sign3A_485, %sign3A_488 : i32
      %ne3A_490 = arith.cmpi ne, %sign3A_482, %sign3A_489 : i32
      %rem3A_491 = arith.remsi %add3A_473, %jit3A_474 : i32
      %ne3A_492 = arith.constant 0 : i32
      %ne3A_493 = arith.cmpi ne, %rem3A_491, %ne3A_492 : i32
      %and3A_494 = arith.andi %ne3A_490, %ne3A_493 : i1
      %sub3A_495 = arith.constant 1 : i32
      %sub3A_496 = arith.subi %div3A_475, %sub3A_495 : i32
      %select_n3A_497 = arith.select %and3A_494, %sub3A_496, %div3A_475 : i32
      %rem3A_498 = arith.constant 40 : i32
      %rem3A_499 = arith.remsi %select_n3A_497, %rem3A_498 : i32
      %rem3A_500 = arith.constant 2 : i32
      %rem3A_501 = arith.remsi %add3A_473, %rem3A_500 : i32
      %mul3A_502 = arith.constant 64 : i32
      %mul3A_503 = arith.muli %rem3A_501, %mul3A_502 : i32
      %scan3A_504 = arith.constant 0 : i32
      %scan3A_505 = arith.constant 0 : i32
      %scan3A_506 = arith.constant 4 : i32
      %scan3A_507 = arith.addi %scan3A_505, %scan3A_506 : i32
      %scan3A_508 = arith.constant 1 : i32
      scf.for %scan3A_792 = %scan3A_505 to %scan3A_507 step %scan3A_508  : i32 {
        %mul3A_793 = arith.constant 16 : i32
        %mul3A_794 = arith.muli %scan3A_792, %mul3A_793 : i32
        %add3A_795 = arith.addi %mul3A_503, %mul3A_794 : i32
        %get3A = arith.index_cast %rem3A_499 : i32 to index
        %get3A_796 = arith.index_cast %add3A_795 : i32 to index
        %get3A_797 = tpu.vector_load %arg5[%get3A, %get3A_796] {strides = array<i32>} : memref<40x128xi32, #tpu.memory_space<vmem>>, vector<1x16xi32>,
        %get3A_798 = vector.shape_cast %get3A_797 : vector<1x16xi32> to vector<16xi32>
        %and3A_799 = arith.constant 65535 : i32
        %and3A_800 = vector.broadcast %and3A_799 : i32 to vector<16xi32>
        %and3A_801 = arith.andi %get3A_798, %and3A_800 : vector<16xi32>
        %mul3A_802 = arith.constant 16 : i32
        %mul3A_803 = arith.muli %scan3A_792, %mul3A_802 : i32
        %swap3A = arith.constant 1 : i32
        %swap3A_804 = arith.index_cast %swap3A : i32 to index
        %swap3A_805 = arith.index_cast %mul3A_803 : i32 to index
        %swap3A_806 = tpu.vector_load %arg6[%swap3A_804, %swap3A_805] {strides = array<i32>} : memref<5x64xi32, #tpu.memory_space<vmem>>, vector<1x16xi32>,
        %swap3A_807 = vector.shape_cast %swap3A_806 : vector<1x16xi32> to vector<16xi32>
        %swap3A_808 = vector.shape_cast %and3A_801 : vector<16xi32> to vector<1x16xi32>
        tpu.vector_store %arg6[%swap3A_804, %swap3A_805], %swap3A_808 {strides = array<i32>} : memref<5x64xi32, #tpu.memory_space<vmem>>, vector<1x16xi32>,
        %shift_right_logical3A = arith.constant 16 : i32
        %shift_right_logical3A_809 = vector.broadcast %shift_right_logical3A : i32 to vector<16xi32>
        %shift_right_logical3A_810 = arith.shrui %get3A_798, %shift_right_logical3A_809 : vector<16xi32>
        %mul3A_811 = arith.constant 16 : i32
        %mul3A_812 = arith.muli %scan3A_792, %mul3A_811 : i32
        %swap3A_813 = arith.constant 1 : i32
        %swap3A_814 = arith.index_cast %swap3A_813 : i32 to index
        %swap3A_815 = arith.index_cast %mul3A_812 : i32 to index
        %swap3A_816 = tpu.vector_load %arg7[%swap3A_814, %swap3A_815] {strides = array<i32>} : memref<5x64xi32, #tpu.memory_space<vmem>>, vector<1x16xi32>,
        %swap3A_817 = vector.shape_cast %swap3A_816 : vector<1x16xi32> to vector<16xi32>
        %swap3A_818 = vector.shape_cast %shift_right_logical3A_810 : vector<16xi32> to vector<1x16xi32>
        tpu.vector_store %arg7[%swap3A_814, %swap3A_815], %swap3A_818 {strides = array<i32>} : memref<5x64xi32, #tpu.memory_space<vmem>>, vector<1x16xi32>,
      }
      %scan3A_509 = arith.constant 4 : i32
      %dma_start3A_510 = arith.constant 1 : i32
      %dma_start3A_511 = arith.constant 1 : i32
      %dma_start3A_512 = arith.constant 0 : i32
      %dma_start3A_513 = arith.constant 0 : i32
      %dma_start3A_514 = tpu.memref_slice %arg8[%dma_start3A_511, %dma_start3A_512, %dma_start3A_513] : memref<5x64x128xf32, #tpu.memory_space<vmem>> -> memref<1x64x128xf32, #tpu.memory_space<vmem>>
      %dma_start3A_515 = tpu.memref_squeeze %dma_start3A_514 : memref<1x64x128xf32, #tpu.memory_space<vmem>> -> memref<64x128xf32, #tpu.memory_space<vmem>>
      %dma_start3A_516 = arith.constant 0 : i32
      %dma_start3A_517 = tpu.memref_slice %arg6[%dma_start3A_510, %dma_start3A_516] : memref<5x64xi32, #tpu.memory_space<vmem>> -> memref<1x64xi32, #tpu.memory_space<vmem>>
      %dma_start3A_518 = tpu.memref_squeeze %dma_start3A_517 : memref<1x64xi32, #tpu.memory_space<vmem>> -> memref<64xi32, #tpu.memory_space<vmem>>
      %dma_start3A_519 = arith.constant 0 : i32
      %dma_start3A_520 = arith.constant 0 : i32
      %dma_start3A_521 = tpu.memref_slice %arg3[%dma_start3A_519, %dma_start3A_520] : memref<10240x128xf32, #tpu.memory_space<hbm>> -> memref<10240x128xf32, #tpu.memory_space<hbm>>
      tpu.enqueue_indirect_dma source(%dma_start3A_521 : memref<10240x128xf32, #tpu.memory_space<hbm>>) target(%dma_start3A_515 : memref<64x128xf32, #tpu.memory_space<vmem>>) offsets(%dma_start3A_518 : memref<64xi32, #tpu.memory_space<vmem>>) semaphore(%arg11 : memref<!tpu.dma_semaphore, #tpu.memory_space<semaphore_mem>>)
      %mul3A_522 = arith.constant 5 : i32
      %mul3A_523 = arith.muli %scan3A_346, %mul3A_522 : i32
      %add3A_524 = arith.constant 2 : i32
      %add3A_525 = arith.addi %mul3A_523, %add3A_524 : i32
      %dma_wait3A_526 = arith.constant 2 : i32
      %dma_wait3A_527 = arith.constant 2 : i32
      %dma_wait3A_528 = arith.constant 0 : i32
      %dma_wait3A_529 = arith.constant 0 : i32
      %dma_wait3A_530 = tpu.memref_slice %arg8[%dma_wait3A_527, %dma_wait3A_528, %dma_wait3A_529] : memref<5x64x128xf32, #tpu.memory_space<vmem>> -> memref<1x64x128xf32, #tpu.memory_space<vmem>>
      %dma_wait3A_531 = tpu.memref_squeeze %dma_wait3A_530 : memref<1x64x128xf32, #tpu.memory_space<vmem>> -> memref<64x128xf32, #tpu.memory_space<vmem>>
      %dma_wait3A_532 = arith.constant 0 : i32
      %dma_wait3A_533 = tpu.memref_slice %arg6[%dma_wait3A_526, %dma_wait3A_532] : memref<5x64xi32, #tpu.memory_space<vmem>> -> memref<1x64xi32, #tpu.memory_space<vmem>>
      %dma_wait3A_534 = tpu.memref_squeeze %dma_wait3A_533 : memref<1x64xi32, #tpu.memory_space<vmem>> -> memref<64xi32, #tpu.memory_space<vmem>>
      %dma_wait3A_535 = arith.constant 0 : i32
      %dma_wait3A_536 = arith.constant 0 : i32
      %dma_wait3A_537 = tpu.memref_slice %arg3[%dma_wait3A_535, %dma_wait3A_536] : memref<10240x128xf32, #tpu.memory_space<hbm>> -> memref<10240x128xf32, #tpu.memory_space<hbm>>
      tpu.wait_indirect_dma semaphore(%arg12 : memref<!tpu.dma_semaphore, #tpu.memory_space<semaphore_mem>>) src(%dma_wait3A_537 : memref<10240x128xf32, #tpu.memory_space<hbm>>) dst(%dma_wait3A_531 : memref<64x128xf32, #tpu.memory_space<vmem>>)
      %dma_start3A_538 = arith.constant 2 : i32
      %dma_start3A_539 = arith.constant 2 : i32
      %dma_start3A_540 = arith.constant 0 : i32
      %dma_start3A_541 = arith.constant 0 : i32
      %dma_start3A_542 = tpu.memref_slice %arg8[%dma_start3A_538, %dma_start3A_540, %dma_start3A_541] : memref<5x64x128xf32, #tpu.memory_space<vmem>> -> memref<1x64x128xf32, #tpu.memory_space<vmem>>
      %dma_start3A_543 = tpu.memref_squeeze %dma_start3A_542 : memref<1x64x128xf32, #tpu.memory_space<vmem>> -> memref<64x128xf32, #tpu.memory_space<vmem>>
      %dma_start3A_544 = arith.constant 0 : i32
      %dma_start3A_545 = tpu.memref_slice %arg7[%dma_start3A_539, %dma_start3A_544] : memref<5x64xi32, #tpu.memory_space<vmem>> -> memref<1x64xi32, #tpu.memory_space<vmem>>
      %dma_start3A_546 = tpu.memref_squeeze %dma_start3A_545 : memref<1x64xi32, #tpu.memory_space<vmem>> -> memref<64xi32, #tpu.memory_space<vmem>>
      %dma_start3A_547 = arith.constant 0 : i32
      %dma_start3A_548 = arith.constant 0 : i32
      %dma_start3A_549 = tpu.memref_slice %arg9[%dma_start3A_547, %dma_start3A_548] : memref<10240x128xf32, #tpu.memory_space<vmem_shared>> -> memref<10240x128xf32, #tpu.memory_space<vmem_shared>>
      tpu.enqueue_indirect_dma source(%dma_start3A_543 : memref<64x128xf32, #tpu.memory_space<vmem>>) target(%dma_start3A_549 : memref<10240x128xf32, #tpu.memory_space<vmem_shared>>) offsets(%dma_start3A_546 : memref<64xi32, #tpu.memory_space<vmem>>) semaphore(%arg17 : memref<!tpu.dma_semaphore, #tpu.memory_space<semaphore_mem>>) {add = true}
      %dma_wait3A_550 = arith.constant 2 : i32
      %dma_wait3A_551 = arith.constant 2 : i32
      %dma_wait3A_552 = arith.constant 0 : i32
      %dma_wait3A_553 = arith.constant 0 : i32
      %dma_wait3A_554 = tpu.memref_slice %arg8[%dma_wait3A_550, %dma_wait3A_552, %dma_wait3A_553] : memref<5x64x128xf32, #tpu.memory_space<vmem>> -> memref<1x64x128xf32, #tpu.memory_space<vmem>>
      %dma_wait3A_555 = tpu.memref_squeeze %dma_wait3A_554 : memref<1x64x128xf32, #tpu.memory_space<vmem>> -> memref<64x128xf32, #tpu.memory_space<vmem>>
      %dma_wait3A_556 = arith.constant 0 : i32
      %dma_wait3A_557 = tpu.memref_slice %arg7[%dma_wait3A_551, %dma_wait3A_556] : memref<5x64xi32, #tpu.memory_space<vmem>> -> memref<1x64xi32, #tpu.memory_space<vmem>>
      %dma_wait3A_558 = tpu.memref_squeeze %dma_wait3A_557 : memref<1x64xi32, #tpu.memory_space<vmem>> -> memref<64xi32, #tpu.memory_space<vmem>>
      %dma_wait3A_559 = arith.constant 0 : i32
      %dma_wait3A_560 = arith.constant 0 : i32
      %dma_wait3A_561 = tpu.memref_slice %arg9[%dma_wait3A_559, %dma_wait3A_560] : memref<10240x128xf32, #tpu.memory_space<vmem_shared>> -> memref<10240x128xf32, #tpu.memory_space<vmem_shared>>
      tpu.wait_indirect_dma semaphore(%arg17 : memref<!tpu.dma_semaphore, #tpu.memory_space<semaphore_mem>>) src(%dma_wait3A_555 : memref<64x128xf32, #tpu.memory_space<vmem>>) dst(%dma_wait3A_561 : memref<10240x128xf32, #tpu.memory_space<vmem_shared>>)
      %add3A_562 = arith.constant 5 : i32
      %add3A_563 = arith.addi %add3A_525, %add3A_562 : i32
      %jit3A_564 = arith.constant 2 : i32
      %div3A_565 = arith.divsi %add3A_563, %jit3A_564 : i32
      %sign3A_566 = arith.constant 0 : i32
      %sign3A_567 = arith.cmpi sgt, %add3A_563, %sign3A_566 : i32
      %sign3A_568 = arith.extui %sign3A_567 : i1 to i32
      %sign3A_569 = arith.constant 0 : i32
      %sign3A_570 = arith.cmpi slt, %add3A_563, %sign3A_569 : i32
      %sign3A_571 = arith.extui %sign3A_570 : i1 to i32
      %sign3A_572 = arith.subi %sign3A_568, %sign3A_571 : i32
      %sign3A_573 = arith.constant 0 : i32
      %sign3A_574 = arith.cmpi sgt, %jit3A_564, %sign3A_573 : i32
      %sign3A_575 = arith.extui %sign3A_574 : i1 to i32
      %sign3A_576 = arith.constant 0 : i32
      %sign3A_577 = arith.cmpi slt, %jit3A_564, %sign3A_576 : i32
      %sign3A_578 = arith.extui %sign3A_577 : i1 to i32
      %sign3A_579 = arith.subi %sign3A_575, %sign3A_578 : i32
      %ne3A_580 = arith.cmpi ne, %sign3A_572, %sign3A_579 : i32
      %rem3A_581 = arith.remsi %add3A_563, %jit3A_564 : i32
      %ne3A_582 = arith.constant 0 : i32
      %ne3A_583 = arith.cmpi ne, %rem3A_581, %ne3A_582 : i32
      %and3A_584 = arith.andi %ne3A_580, %ne3A_583 : i1
      %sub3A_585 = arith.constant 1 : i32
      %sub3A_586 = arith.subi %div3A_565, %sub3A_585 : i32
      %select_n3A_587 = arith.select %and3A_584, %sub3A_586, %div3A_565 : i32
      %rem3A_588 = arith.constant 40 : i32
      %rem3A_589 = arith.remsi %select_n3A_587, %rem3A_588 : i32
      %rem3A_590 = arith.constant 2 : i32
      %rem3A_591 = arith.remsi %add3A_563, %rem3A_590 : i32
      %mul3A_592 = arith.constant 64 : i32
      %mul3A_593 = arith.muli %rem3A_591, %mul3A_592 : i32
      %scan3A_594 = arith.constant 0 : i32
      %scan3A_595 = arith.constant 0 : i32
      %scan3A_596 = arith.constant 4 : i32
      %scan3A_597 = arith.addi %scan3A_595, %scan3A_596 : i32
      %scan3A_598 = arith.constant 1 : i32
      scf.for %scan3A_792 = %scan3A_595 to %scan3A_597 step %scan3A_598  : i32 {
        %mul3A_793 = arith.constant 16 : i32
        %mul3A_794 = arith.muli %scan3A_792, %mul3A_793 : i32
        %add3A_795 = arith.addi %mul3A_593, %mul3A_794 : i32
        %get3A = arith.index_cast %rem3A_589 : i32 to index
        %get3A_796 = arith.index_cast %add3A_795 : i32 to index
        %get3A_797 = tpu.vector_load %arg5[%get3A, %get3A_796] {strides = array<i32>} : memref<40x128xi32, #tpu.memory_space<vmem>>, vector<1x16xi32>,
        %get3A_798 = vector.shape_cast %get3A_797 : vector<1x16xi32> to vector<16xi32>
        %and3A_799 = arith.constant 65535 : i32
        %and3A_800 = vector.broadcast %and3A_799 : i32 to vector<16xi32>
        %and3A_801 = arith.andi %get3A_798, %and3A_800 : vector<16xi32>
        %mul3A_802 = arith.constant 16 : i32
        %mul3A_803 = arith.muli %scan3A_792, %mul3A_802 : i32
        %swap3A = arith.constant 2 : i32
        %swap3A_804 = arith.index_cast %swap3A : i32 to index
        %swap3A_805 = arith.index_cast %mul3A_803 : i32 to index
        %swap3A_806 = tpu.vector_load %arg6[%swap3A_804, %swap3A_805] {strides = array<i32>} : memref<5x64xi32, #tpu.memory_space<vmem>>, vector<1x16xi32>,
        %swap3A_807 = vector.shape_cast %swap3A_806 : vector<1x16xi32> to vector<16xi32>
        %swap3A_808 = vector.shape_cast %and3A_801 : vector<16xi32> to vector<1x16xi32>
        tpu.vector_store %arg6[%swap3A_804, %swap3A_805], %swap3A_808 {strides = array<i32>} : memref<5x64xi32, #tpu.memory_space<vmem>>, vector<1x16xi32>,
        %shift_right_logical3A = arith.constant 16 : i32
        %shift_right_logical3A_809 = vector.broadcast %shift_right_logical3A : i32 to vector<16xi32>
        %shift_right_logical3A_810 = arith.shrui %get3A_798, %shift_right_logical3A_809 : vector<16xi32>
        %mul3A_811 = arith.constant 16 : i32
        %mul3A_812 = arith.muli %scan3A_792, %mul3A_811 : i32
        %swap3A_813 = arith.constant 2 : i32
        %swap3A_814 = arith.index_cast %swap3A_813 : i32 to index
        %swap3A_815 = arith.index_cast %mul3A_812 : i32 to index
        %swap3A_816 = tpu.vector_load %arg7[%swap3A_814, %swap3A_815] {strides = array<i32>} : memref<5x64xi32, #tpu.memory_space<vmem>>, vector<1x16xi32>,
        %swap3A_817 = vector.shape_cast %swap3A_816 : vector<1x16xi32> to vector<16xi32>
        %swap3A_818 = vector.shape_cast %shift_right_logical3A_810 : vector<16xi32> to vector<1x16xi32>
        tpu.vector_store %arg7[%swap3A_814, %swap3A_815], %swap3A_818 {strides = array<i32>} : memref<5x64xi32, #tpu.memory_space<vmem>>, vector<1x16xi32>,
      }
      %scan3A_599 = arith.constant 4 : i32
      %dma_start3A_600 = arith.constant 2 : i32
      %dma_start3A_601 = arith.constant 2 : i32
      %dma_start3A_602 = arith.constant 0 : i32
      %dma_start3A_603 = arith.constant 0 : i32
      %dma_start3A_604 = tpu.memref_slice %arg8[%dma_start3A_601, %dma_start3A_602, %dma_start3A_603] : memref<5x64x128xf32, #tpu.memory_space<vmem>> -> memref<1x64x128xf32, #tpu.memory_space<vmem>>
      %dma_start3A_605 = tpu.memref_squeeze %dma_start3A_604 : memref<1x64x128xf32, #tpu.memory_space<vmem>> -> memref<64x128xf32, #tpu.memory_space<vmem>>
      %dma_start3A_606 = arith.constant 0 : i32
      %dma_start3A_607 = tpu.memref_slice %arg6[%dma_start3A_600, %dma_start3A_606] : memref<5x64xi32, #tpu.memory_space<vmem>> -> memref<1x64xi32, #tpu.memory_space<vmem>>
      %dma_start3A_608 = tpu.memref_squeeze %dma_start3A_607 : memref<1x64xi32, #tpu.memory_space<vmem>> -> memref<64xi32, #tpu.memory_space<vmem>>
      %dma_start3A_609 = arith.constant 0 : i32
      %dma_start3A_610 = arith.constant 0 : i32
      %dma_start3A_611 = tpu.memref_slice %arg3[%dma_start3A_609, %dma_start3A_610] : memref<10240x128xf32, #tpu.memory_space<hbm>> -> memref<10240x128xf32, #tpu.memory_space<hbm>>
      tpu.enqueue_indirect_dma source(%dma_start3A_611 : memref<10240x128xf32, #tpu.memory_space<hbm>>) target(%dma_start3A_605 : memref<64x128xf32, #tpu.memory_space<vmem>>) offsets(%dma_start3A_608 : memref<64xi32, #tpu.memory_space<vmem>>) semaphore(%arg12 : memref<!tpu.dma_semaphore, #tpu.memory_space<semaphore_mem>>)
      %mul3A_612 = arith.constant 5 : i32
      %mul3A_613 = arith.muli %scan3A_346, %mul3A_612 : i32
      %add3A_614 = arith.constant 3 : i32
      %add3A_615 = arith.addi %mul3A_613, %add3A_614 : i32
      %dma_wait3A_616 = arith.constant 3 : i32
      %dma_wait3A_617 = arith.constant 3 : i32
      %dma_wait3A_618 = arith.constant 0 : i32
      %dma_wait3A_619 = arith.constant 0 : i32
      %dma_wait3A_620 = tpu.memref_slice %arg8[%dma_wait3A_617, %dma_wait3A_618, %dma_wait3A_619] : memref<5x64x128xf32, #tpu.memory_space<vmem>> -> memref<1x64x128xf32, #tpu.memory_space<vmem>>
      %dma_wait3A_621 = tpu.memref_squeeze %dma_wait3A_620 : memref<1x64x128xf32, #tpu.memory_space<vmem>> -> memref<64x128xf32, #tpu.memory_space<vmem>>
      %dma_wait3A_622 = arith.constant 0 : i32
      %dma_wait3A_623 = tpu.memref_slice %arg6[%dma_wait3A_616, %dma_wait3A_622] : memref<5x64xi32, #tpu.memory_space<vmem>> -> memref<1x64xi32, #tpu.memory_space<vmem>>
      %dma_wait3A_624 = tpu.memref_squeeze %dma_wait3A_623 : memref<1x64xi32, #tpu.memory_space<vmem>> -> memref<64xi32, #tpu.memory_space<vmem>>
      %dma_wait3A_625 = arith.constant 0 : i32
      %dma_wait3A_626 = arith.constant 0 : i32
      %dma_wait3A_627 = tpu.memref_slice %arg3[%dma_wait3A_625, %dma_wait3A_626] : memref<10240x128xf32, #tpu.memory_space<hbm>> -> memref<10240x128xf32, #tpu.memory_space<hbm>>
      tpu.wait_indirect_dma semaphore(%arg13 : memref<!tpu.dma_semaphore, #tpu.memory_space<semaphore_mem>>) src(%dma_wait3A_627 : memref<10240x128xf32, #tpu.memory_space<hbm>>) dst(%dma_wait3A_621 : memref<64x128xf32, #tpu.memory_space<vmem>>)
      %dma_start3A_628 = arith.constant 3 : i32
      %dma_start3A_629 = arith.constant 3 : i32
      %dma_start3A_630 = arith.constant 0 : i32
      %dma_start3A_631 = arith.constant 0 : i32
      %dma_start3A_632 = tpu.memref_slice %arg8[%dma_start3A_628, %dma_start3A_630, %dma_start3A_631] : memref<5x64x128xf32, #tpu.memory_space<vmem>> -> memref<1x64x128xf32, #tpu.memory_space<vmem>>
      %dma_start3A_633 = tpu.memref_squeeze %dma_start3A_632 : memref<1x64x128xf32, #tpu.memory_space<vmem>> -> memref<64x128xf32, #tpu.memory_space<vmem>>
      %dma_start3A_634 = arith.constant 0 : i32
      %dma_start3A_635 = tpu.memref_slice %arg7[%dma_start3A_629, %dma_start3A_634] : memref<5x64xi32, #tpu.memory_space<vmem>> -> memref<1x64xi32, #tpu.memory_space<vmem>>
      %dma_start3A_636 = tpu.memref_squeeze %dma_start3A_635 : memref<1x64xi32, #tpu.memory_space<vmem>> -> memref<64xi32, #tpu.memory_space<vmem>>
      %dma_start3A_637 = arith.constant 0 : i32
      %dma_start3A_638 = arith.constant 0 : i32
      %dma_start3A_639 = tpu.memref_slice %arg9[%dma_start3A_637, %dma_start3A_638] : memref<10240x128xf32, #tpu.memory_space<vmem_shared>> -> memref<10240x128xf32, #tpu.memory_space<vmem_shared>>
      tpu.enqueue_indirect_dma source(%dma_start3A_633 : memref<64x128xf32, #tpu.memory_space<vmem>>) target(%dma_start3A_639 : memref<10240x128xf32, #tpu.memory_space<vmem_shared>>) offsets(%dma_start3A_636 : memref<64xi32, #tpu.memory_space<vmem>>) semaphore(%arg18 : memref<!tpu.dma_semaphore, #tpu.memory_space<semaphore_mem>>) {add = true}
      %dma_wait3A_640 = arith.constant 3 : i32
      %dma_wait3A_641 = arith.constant 3 : i32
      %dma_wait3A_642 = arith.constant 0 : i32
      %dma_wait3A_643 = arith.constant 0 : i32
      %dma_wait3A_644 = tpu.memref_slice %arg8[%dma_wait3A_640, %dma_wait3A_642, %dma_wait3A_643] : memref<5x64x128xf32, #tpu.memory_space<vmem>> -> memref<1x64x128xf32, #tpu.memory_space<vmem>>
      %dma_wait3A_645 = tpu.memref_squeeze %dma_wait3A_644 : memref<1x64x128xf32, #tpu.memory_space<vmem>> -> memref<64x128xf32, #tpu.memory_space<vmem>>
      %dma_wait3A_646 = arith.constant 0 : i32
      %dma_wait3A_647 = tpu.memref_slice %arg7[%dma_wait3A_641, %dma_wait3A_646] : memref<5x64xi32, #tpu.memory_space<vmem>> -> memref<1x64xi32, #tpu.memory_space<vmem>>
      %dma_wait3A_648 = tpu.memref_squeeze %dma_wait3A_647 : memref<1x64xi32, #tpu.memory_space<vmem>> -> memref<64xi32, #tpu.memory_space<vmem>>
      %dma_wait3A_649 = arith.constant 0 : i32
      %dma_wait3A_650 = arith.constant 0 : i32
      %dma_wait3A_651 = tpu.memref_slice %arg9[%dma_wait3A_649, %dma_wait3A_650] : memref<10240x128xf32, #tpu.memory_space<vmem_shared>> -> memref<10240x128xf32, #tpu.memory_space<vmem_shared>>
      tpu.wait_indirect_dma semaphore(%arg18 : memref<!tpu.dma_semaphore, #tpu.memory_space<semaphore_mem>>) src(%dma_wait3A_645 : memref<64x128xf32, #tpu.memory_space<vmem>>) dst(%dma_wait3A_651 : memref<10240x128xf32, #tpu.memory_space<vmem_shared>>)
      %add3A_652 = arith.constant 5 : i32
      %add3A_653 = arith.addi %add3A_615, %add3A_652 : i32
      %jit3A_654 = arith.constant 2 : i32
      %div3A_655 = arith.divsi %add3A_653, %jit3A_654 : i32
      %sign3A_656 = arith.constant 0 : i32
      %sign3A_657 = arith.cmpi sgt, %add3A_653, %sign3A_656 : i32
      %sign3A_658 = arith.extui %sign3A_657 : i1 to i32
      %sign3A_659 = arith.constant 0 : i32
      %sign3A_660 = arith.cmpi slt, %add3A_653, %sign3A_659 : i32
      %sign3A_661 = arith.extui %sign3A_660 : i1 to i32
      %sign3A_662 = arith.subi %sign3A_658, %sign3A_661 : i32
      %sign3A_663 = arith.constant 0 : i32
      %sign3A_664 = arith.cmpi sgt, %jit3A_654, %sign3A_663 : i32
      %sign3A_665 = arith.extui %sign3A_664 : i1 to i32
      %sign3A_666 = arith.constant 0 : i32
      %sign3A_667 = arith.cmpi slt, %jit3A_654, %sign3A_666 : i32
      %sign3A_668 = arith.extui %sign3A_667 : i1 to i32
      %sign3A_669 = arith.subi %sign3A_665, %sign3A_668 : i32
      %ne3A_670 = arith.cmpi ne, %sign3A_662, %sign3A_669 : i32
      %rem3A_671 = arith.remsi %add3A_653, %jit3A_654 : i32
      %ne3A_672 = arith.constant 0 : i32
      %ne3A_673 = arith.cmpi ne, %rem3A_671, %ne3A_672 : i32
      %and3A_674 = arith.andi %ne3A_670, %ne3A_673 : i1
      %sub3A_675 = arith.constant 1 : i32
      %sub3A_676 = arith.subi %div3A_655, %sub3A_675 : i32
      %select_n3A_677 = arith.select %and3A_674, %sub3A_676, %div3A_655 : i32
      %rem3A_678 = arith.constant 40 : i32
      %rem3A_679 = arith.remsi %select_n3A_677, %rem3A_678 : i32
      %rem3A_680 = arith.constant 2 : i32
      %rem3A_681 = arith.remsi %add3A_653, %rem3A_680 : i32
      %mul3A_682 = arith.constant 64 : i32
      %mul3A_683 = arith.muli %rem3A_681, %mul3A_682 : i32
      %scan3A_684 = arith.constant 0 : i32
      %scan3A_685 = arith.constant 0 : i32
      %scan3A_686 = arith.constant 4 : i32
      %scan3A_687 = arith.addi %scan3A_685, %scan3A_686 : i32
      %scan3A_688 = arith.constant 1 : i32
      scf.for %scan3A_792 = %scan3A_685 to %scan3A_687 step %scan3A_688  : i32 {
        %mul3A_793 = arith.constant 16 : i32
        %mul3A_794 = arith.muli %scan3A_792, %mul3A_793 : i32
        %add3A_795 = arith.addi %mul3A_683, %mul3A_794 : i32
        %get3A = arith.index_cast %rem3A_679 : i32 to index
        %get3A_796 = arith.index_cast %add3A_795 : i32 to index
        %get3A_797 = tpu.vector_load %arg5[%get3A, %get3A_796] {strides = array<i32>} : memref<40x128xi32, #tpu.memory_space<vmem>>, vector<1x16xi32>,
        %get3A_798 = vector.shape_cast %get3A_797 : vector<1x16xi32> to vector<16xi32>
        %and3A_799 = arith.constant 65535 : i32
        %and3A_800 = vector.broadcast %and3A_799 : i32 to vector<16xi32>
        %and3A_801 = arith.andi %get3A_798, %and3A_800 : vector<16xi32>
        %mul3A_802 = arith.constant 16 : i32
        %mul3A_803 = arith.muli %scan3A_792, %mul3A_802 : i32
        %swap3A = arith.constant 3 : i32
        %swap3A_804 = arith.index_cast %swap3A : i32 to index
        %swap3A_805 = arith.index_cast %mul3A_803 : i32 to index
        %swap3A_806 = tpu.vector_load %arg6[%swap3A_804, %swap3A_805] {strides = array<i32>} : memref<5x64xi32, #tpu.memory_space<vmem>>, vector<1x16xi32>,
        %swap3A_807 = vector.shape_cast %swap3A_806 : vector<1x16xi32> to vector<16xi32>
        %swap3A_808 = vector.shape_cast %and3A_801 : vector<16xi32> to vector<1x16xi32>
        tpu.vector_store %arg6[%swap3A_804, %swap3A_805], %swap3A_808 {strides = array<i32>} : memref<5x64xi32, #tpu.memory_space<vmem>>, vector<1x16xi32>,
        %shift_right_logical3A = arith.constant 16 : i32
        %shift_right_logical3A_809 = vector.broadcast %shift_right_logical3A : i32 to vector<16xi32>
        %shift_right_logical3A_810 = arith.shrui %get3A_798, %shift_right_logical3A_809 : vector<16xi32>
        %mul3A_811 = arith.constant 16 : i32
        %mul3A_812 = arith.muli %scan3A_792, %mul3A_811 : i32
        %swap3A_813 = arith.constant 3 : i32
        %swap3A_814 = arith.index_cast %swap3A_813 : i32 to index
        %swap3A_815 = arith.index_cast %mul3A_812 : i32 to index
        %swap3A_816 = tpu.vector_load %arg7[%swap3A_814, %swap3A_815] {strides = array<i32>} : memref<5x64xi32, #tpu.memory_space<vmem>>, vector<1x16xi32>,
        %swap3A_817 = vector.shape_cast %swap3A_816 : vector<1x16xi32> to vector<16xi32>
        %swap3A_818 = vector.shape_cast %shift_right_logical3A_810 : vector<16xi32> to vector<1x16xi32>
        tpu.vector_store %arg7[%swap3A_814, %swap3A_815], %swap3A_818 {strides = array<i32>} : memref<5x64xi32, #tpu.memory_space<vmem>>, vector<1x16xi32>,
      }
      %scan3A_689 = arith.constant 4 : i32
      %dma_start3A_690 = arith.constant 3 : i32
      %dma_start3A_691 = arith.constant 3 : i32
      %dma_start3A_692 = arith.constant 0 : i32
      %dma_start3A_693 = arith.constant 0 : i32
      %dma_start3A_694 = tpu.memref_slice %arg8[%dma_start3A_691, %dma_start3A_692, %dma_start3A_693] : memref<5x64x128xf32, #tpu.memory_space<vmem>> -> memref<1x64x128xf32, #tpu.memory_space<vmem>>
      %dma_start3A_695 = tpu.memref_squeeze %dma_start3A_694 : memref<1x64x128xf32, #tpu.memory_space<vmem>> -> memref<64x128xf32, #tpu.memory_space<vmem>>
      %dma_start3A_696 = arith.constant 0 : i32
      %dma_start3A_697 = tpu.memref_slice %arg6[%dma_start3A_690, %dma_start3A_696] : memref<5x64xi32, #tpu.memory_space<vmem>> -> memref<1x64xi32, #tpu.memory_space<vmem>>
      %dma_start3A_698 = tpu.memref_squeeze %dma_start3A_697 : memref<1x64xi32, #tpu.memory_space<vmem>> -> memref<64xi32, #tpu.memory_space<vmem>>
      %dma_start3A_699 = arith.constant 0 : i32
      %dma_start3A_700 = arith.constant 0 : i32
      %dma_start3A_701 = tpu.memref_slice %arg3[%dma_start3A_699, %dma_start3A_700] : memref<10240x128xf32, #tpu.memory_space<hbm>> -> memref<10240x128xf32, #tpu.memory_space<hbm>>
      tpu.enqueue_indirect_dma source(%dma_start3A_701 : memref<10240x128xf32, #tpu.memory_space<hbm>>) target(%dma_start3A_695 : memref<64x128xf32, #tpu.memory_space<vmem>>) offsets(%dma_start3A_698 : memref<64xi32, #tpu.memory_space<vmem>>) semaphore(%arg13 : memref<!tpu.dma_semaphore, #tpu.memory_space<semaphore_mem>>)
      %mul3A_702 = arith.constant 5 : i32
      %mul3A_703 = arith.muli %scan3A_346, %mul3A_702 : i32
      %add3A_704 = arith.constant 4 : i32
      %add3A_705 = arith.addi %mul3A_703, %add3A_704 : i32
      %dma_wait3A_706 = arith.constant 4 : i32
      %dma_wait3A_707 = arith.constant 4 : i32
      %dma_wait3A_708 = arith.constant 0 : i32
      %dma_wait3A_709 = arith.constant 0 : i32
      %dma_wait3A_710 = tpu.memref_slice %arg8[%dma_wait3A_707, %dma_wait3A_708, %dma_wait3A_709] : memref<5x64x128xf32, #tpu.memory_space<vmem>> -> memref<1x64x128xf32, #tpu.memory_space<vmem>>
      %dma_wait3A_711 = tpu.memref_squeeze %dma_wait3A_710 : memref<1x64x128xf32, #tpu.memory_space<vmem>> -> memref<64x128xf32, #tpu.memory_space<vmem>>
      %dma_wait3A_712 = arith.constant 0 : i32
      %dma_wait3A_713 = tpu.memref_slice %arg6[%dma_wait3A_706, %dma_wait3A_712] : memref<5x64xi32, #tpu.memory_space<vmem>> -> memref<1x64xi32, #tpu.memory_space<vmem>>
      %dma_wait3A_714 = tpu.memref_squeeze %dma_wait3A_713 : memref<1x64xi32, #tpu.memory_space<vmem>> -> memref<64xi32, #tpu.memory_space<vmem>>
      %dma_wait3A_715 = arith.constant 0 : i32
      %dma_wait3A_716 = arith.constant 0 : i32
      %dma_wait3A_717 = tpu.memref_slice %arg3[%dma_wait3A_715, %dma_wait3A_716] : memref<10240x128xf32, #tpu.memory_space<hbm>> -> memref<10240x128xf32, #tpu.memory_space<hbm>>
      tpu.wait_indirect_dma semaphore(%arg14 : memref<!tpu.dma_semaphore, #tpu.memory_space<semaphore_mem>>) src(%dma_wait3A_717 : memref<10240x128xf32, #tpu.memory_space<hbm>>) dst(%dma_wait3A_711 : memref<64x128xf32, #tpu.memory_space<vmem>>)
      %dma_start3A_718 = arith.constant 4 : i32
      %dma_start3A_719 = arith.constant 4 : i32
      %dma_start3A_720 = arith.constant 0 : i32
      %dma_start3A_721 = arith.constant 0 : i32
      %dma_start3A_722 = tpu.memref_slice %arg8[%dma_start3A_718, %dma_start3A_720, %dma_start3A_721] : memref<5x64x128xf32, #tpu.memory_space<vmem>> -> memref<1x64x128xf32, #tpu.memory_space<vmem>>
      %dma_start3A_723 = tpu.memref_squeeze %dma_start3A_722 : memref<1x64x128xf32, #tpu.memory_space<vmem>> -> memref<64x128xf32, #tpu.memory_space<vmem>>
      %dma_start3A_724 = arith.constant 0 : i32
      %dma_start3A_725 = tpu.memref_slice %arg7[%dma_start3A_719, %dma_start3A_724] : memref<5x64xi32, #tpu.memory_space<vmem>> -> memref<1x64xi32, #tpu.memory_space<vmem>>
      %dma_start3A_726 = tpu.memref_squeeze %dma_start3A_725 : memref<1x64xi32, #tpu.memory_space<vmem>> -> memref<64xi32, #tpu.memory_space<vmem>>
      %dma_start3A_727 = arith.constant 0 : i32
      %dma_start3A_728 = arith.constant 0 : i32
      %dma_start3A_729 = tpu.memref_slice %arg9[%dma_start3A_727, %dma_start3A_728] : memref<10240x128xf32, #tpu.memory_space<vmem_shared>> -> memref<10240x128xf32, #tpu.memory_space<vmem_shared>>
      tpu.enqueue_indirect_dma source(%dma_start3A_723 : memref<64x128xf32, #tpu.memory_space<vmem>>) target(%dma_start3A_729 : memref<10240x128xf32, #tpu.memory_space<vmem_shared>>) offsets(%dma_start3A_726 : memref<64xi32, #tpu.memory_space<vmem>>) semaphore(%arg19 : memref<!tpu.dma_semaphore, #tpu.memory_space<semaphore_mem>>) {add = true}
      %dma_wait3A_730 = arith.constant 4 : i32
      %dma_wait3A_731 = arith.constant 4 : i32
      %dma_wait3A_732 = arith.constant 0 : i32
      %dma_wait3A_733 = arith.constant 0 : i32
      %dma_wait3A_734 = tpu.memref_slice %arg8[%dma_wait3A_730, %dma_wait3A_732, %dma_wait3A_733] : memref<5x64x128xf32, #tpu.memory_space<vmem>> -> memref<1x64x128xf32, #tpu.memory_space<vmem>>
      %dma_wait3A_735 = tpu.memref_squeeze %dma_wait3A_734 : memref<1x64x128xf32, #tpu.memory_space<vmem>> -> memref<64x128xf32, #tpu.memory_space<vmem>>
      %dma_wait3A_736 = arith.constant 0 : i32
      %dma_wait3A_737 = tpu.memref_slice %arg7[%dma_wait3A_731, %dma_wait3A_736] : memref<5x64xi32, #tpu.memory_space<vmem>> -> memref<1x64xi32, #tpu.memory_space<vmem>>
      %dma_wait3A_738 = tpu.memref_squeeze %dma_wait3A_737 : memref<1x64xi32, #tpu.memory_space<vmem>> -> memref<64xi32, #tpu.memory_space<vmem>>
      %dma_wait3A_739 = arith.constant 0 : i32
      %dma_wait3A_740 = arith.constant 0 : i32
      %dma_wait3A_741 = tpu.memref_slice %arg9[%dma_wait3A_739, %dma_wait3A_740] : memref<10240x128xf32, #tpu.memory_space<vmem_shared>> -> memref<10240x128xf32, #tpu.memory_space<vmem_shared>>
      tpu.wait_indirect_dma semaphore(%arg19 : memref<!tpu.dma_semaphore, #tpu.memory_space<semaphore_mem>>) src(%dma_wait3A_735 : memref<64x128xf32, #tpu.memory_space<vmem>>) dst(%dma_wait3A_741 : memref<10240x128xf32, #tpu.memory_space<vmem_shared>>)
      %add3A_742 = arith.constant 5 : i32
      %add3A_743 = arith.addi %add3A_705, %add3A_742 : i32
      %jit3A_744 = arith.constant 2 : i32
      %div3A_745 = arith.divsi %add3A_743, %jit3A_744 : i32
      %sign3A_746 = arith.constant 0 : i32
      %sign3A_747 = arith.cmpi sgt, %add3A_743, %sign3A_746 : i32
      %sign3A_748 = arith.extui %sign3A_747 : i1 to i32
      %sign3A_749 = arith.constant 0 : i32
      %sign3A_750 = arith.cmpi slt, %add3A_743, %sign3A_749 : i32
      %sign3A_751 = arith.extui %sign3A_750 : i1 to i32
      %sign3A_752 = arith.subi %sign3A_748, %sign3A_751 : i32
      %sign3A_753 = arith.constant 0 : i32
      %sign3A_754 = arith.cmpi sgt, %jit3A_744, %sign3A_753 : i32
      %sign3A_755 = arith.extui %sign3A_754 : i1 to i32
      %sign3A_756 = arith.constant 0 : i32
      %sign3A_757 = arith.cmpi slt, %jit3A_744, %sign3A_756 : i32
      %sign3A_758 = arith.extui %sign3A_757 : i1 to i32
      %sign3A_759 = arith.subi %sign3A_755, %sign3A_758 : i32
      %ne3A_760 = arith.cmpi ne, %sign3A_752, %sign3A_759 : i32
      %rem3A_761 = arith.remsi %add3A_743, %jit3A_744 : i32
      %ne3A_762 = arith.constant 0 : i32
      %ne3A_763 = arith.cmpi ne, %rem3A_761, %ne3A_762 : i32
      %and3A_764 = arith.andi %ne3A_760, %ne3A_763 : i1
      %sub3A_765 = arith.constant 1 : i32
      %sub3A_766 = arith.subi %div3A_745, %sub3A_765 : i32
      %select_n3A_767 = arith.select %and3A_764, %sub3A_766, %div3A_745 : i32
      %rem3A_768 = arith.constant 40 : i32
      %rem3A_769 = arith.remsi %select_n3A_767, %rem3A_768 : i32
      %rem3A_770 = arith.constant 2 : i32
      %rem3A_771 = arith.remsi %add3A_743, %rem3A_770 : i32
      %mul3A_772 = arith.constant 64 : i32
      %mul3A_773 = arith.muli %rem3A_771, %mul3A_772 : i32
      %scan3A_774 = arith.constant 0 : i32
      %scan3A_775 = arith.constant 0 : i32
      %scan3A_776 = arith.constant 4 : i32
      %scan3A_777 = arith.addi %scan3A_775, %scan3A_776 : i32
      %scan3A_778 = arith.constant 1 : i32
      scf.for %scan3A_792 = %scan3A_775 to %scan3A_777 step %scan3A_778  : i32 {
        %mul3A_793 = arith.constant 16 : i32
        %mul3A_794 = arith.muli %scan3A_792, %mul3A_793 : i32
        %add3A_795 = arith.addi %mul3A_773, %mul3A_794 : i32
        %get3A = arith.index_cast %rem3A_769 : i32 to index
        %get3A_796 = arith.index_cast %add3A_795 : i32 to index
        %get3A_797 = tpu.vector_load %arg5[%get3A, %get3A_796] {strides = array<i32>} : memref<40x128xi32, #tpu.memory_space<vmem>>, vector<1x16xi32>,
        %get3A_798 = vector.shape_cast %get3A_797 : vector<1x16xi32> to vector<16xi32>
        %and3A_799 = arith.constant 65535 : i32
        %and3A_800 = vector.broadcast %and3A_799 : i32 to vector<16xi32>
        %and3A_801 = arith.andi %get3A_798, %and3A_800 : vector<16xi32>
        %mul3A_802 = arith.constant 16 : i32
        %mul3A_803 = arith.muli %scan3A_792, %mul3A_802 : i32
        %swap3A = arith.constant 4 : i32
        %swap3A_804 = arith.index_cast %swap3A : i32 to index
        %swap3A_805 = arith.index_cast %mul3A_803 : i32 to index
        %swap3A_806 = tpu.vector_load %arg6[%swap3A_804, %swap3A_805] {strides = array<i32>} : memref<5x64xi32, #tpu.memory_space<vmem>>, vector<1x16xi32>,
        %swap3A_807 = vector.shape_cast %swap3A_806 : vector<1x16xi32> to vector<16xi32>
        %swap3A_808 = vector.shape_cast %and3A_801 : vector<16xi32> to vector<1x16xi32>
        tpu.vector_store %arg6[%swap3A_804, %swap3A_805], %swap3A_808 {strides = array<i32>} : memref<5x64xi32, #tpu.memory_space<vmem>>, vector<1x16xi32>,
        %shift_right_logical3A = arith.constant 16 : i32
        %shift_right_logical3A_809 = vector.broadcast %shift_right_logical3A : i32 to vector<16xi32>
        %shift_right_logical3A_810 = arith.shrui %get3A_798, %shift_right_logical3A_809 : vector<16xi32>
        %mul3A_811 = arith.constant 16 : i32
        %mul3A_812 = arith.muli %scan3A_792, %mul3A_811 : i32
        %swap3A_813 = arith.constant 4 : i32
        %swap3A_814 = arith.index_cast %swap3A_813 : i32 to index
        %swap3A_815 = arith.index_cast %mul3A_812 : i32 to index
        %swap3A_816 = tpu.vector_load %arg7[%swap3A_814, %swap3A_815] {strides = array<i32>} : memref<5x64xi32, #tpu.memory_space<vmem>>, vector<1x16xi32>,
        %swap3A_817 = vector.shape_cast %swap3A_816 : vector<1x16xi32> to vector<16xi32>
        %swap3A_818 = vector.shape_cast %shift_right_logical3A_810 : vector<16xi32> to vector<1x16xi32>
        tpu.vector_store %arg7[%swap3A_814, %swap3A_815], %swap3A_818 {strides = array<i32>} : memref<5x64xi32, #tpu.memory_space<vmem>>, vector<1x16xi32>,
      }
      %scan3A_779 = arith.constant 4 : i32
      %dma_start3A_780 = arith.constant 4 : i32
      %dma_start3A_781 = arith.constant 4 : i32
      %dma_start3A_782 = arith.constant 0 : i32
      %dma_start3A_783 = arith.constant 0 : i32
      %dma_start3A_784 = tpu.memref_slice %arg8[%dma_start3A_781, %dma_start3A_782, %dma_start3A_783] : memref<5x64x128xf32, #tpu.memory_space<vmem>> -> memref<1x64x128xf32, #tpu.memory_space<vmem>>
      %dma_start3A_785 = tpu.memref_squeeze %dma_start3A_784 : memref<1x64x128xf32, #tpu.memory_space<vmem>> -> memref<64x128xf32, #tpu.memory_space<vmem>>
      %dma_start3A_786 = arith.constant 0 : i32
      %dma_start3A_787 = tpu.memref_slice %arg6[%dma_start3A_780, %dma_start3A_786] : memref<5x64xi32, #tpu.memory_space<vmem>> -> memref<1x64xi32, #tpu.memory_space<vmem>>
      %dma_start3A_788 = tpu.memref_squeeze %dma_start3A_787 : memref<1x64xi32, #tpu.memory_space<vmem>> -> memref<64xi32, #tpu.memory_space<vmem>>
      %dma_start3A_789 = arith.constant 0 : i32
      %dma_start3A_790 = arith.constant 0 : i32
      %dma_start3A_791 = tpu.memref_slice %arg3[%dma_start3A_789, %dma_start3A_790] : memref<10240x128xf32, #tpu.memory_space<hbm>> -> memref<10240x128xf32, #tpu.memory_space<hbm>>
      tpu.enqueue_indirect_dma source(%dma_start3A_791 : memref<10240x128xf32, #tpu.memory_space<hbm>>) target(%dma_start3A_785 : memref<64x128xf32, #tpu.memory_space<vmem>>) offsets(%dma_start3A_788 : memref<64xi32, #tpu.memory_space<vmem>>) semaphore(%arg14 : memref<!tpu.dma_semaphore, #tpu.memory_space<semaphore_mem>>)
    }
    %scan3A_164 = arith.constant 31 : i32
    %dma_wait3A_165 = arith.constant 0 : i32
    %dma_wait3A_166 = arith.constant 0 : i32
    %dma_wait3A_167 = arith.constant 0 : i32
    %dma_wait3A_168 = arith.constant 0 : i32
    %dma_wait3A_169 = tpu.memref_slice %arg8[%dma_wait3A_166, %dma_wait3A_167, %dma_wait3A_168] : memref<5x64x128xf32, #tpu.memory_space<vmem>> -> memref<1x64x128xf32, #tpu.memory_space<vmem>>
    %dma_wait3A_170 = tpu.memref_squeeze %dma_wait3A_169 : memref<1x64x128xf32, #tpu.memory_space<vmem>> -> memref<64x128xf32, #tpu.memory_space<vmem>>
    %dma_wait3A_171 = arith.constant 0 : i32
    %dma_wait3A_172 = tpu.memref_slice %arg6[%dma_wait3A_165, %dma_wait3A_171] : memref<5x64xi32, #tpu.memory_space<vmem>> -> memref<1x64xi32, #tpu.memory_space<vmem>>
    %dma_wait3A_173 = tpu.memref_squeeze %dma_wait3A_172 : memref<1x64xi32, #tpu.memory_space<vmem>> -> memref<64xi32, #tpu.memory_space<vmem>>
    %dma_wait3A_174 = arith.constant 0 : i32
    %dma_wait3A_175 = arith.constant 0 : i32
    %dma_wait3A_176 = tpu.memref_slice %arg3[%dma_wait3A_174, %dma_wait3A_175] : memref<10240x128xf32, #tpu.memory_space<hbm>> -> memref<10240x128xf32, #tpu.memory_space<hbm>>
    tpu.wait_indirect_dma semaphore(%arg10 : memref<!tpu.dma_semaphore, #tpu.memory_space<semaphore_mem>>) src(%dma_wait3A_176 : memref<10240x128xf32, #tpu.memory_space<hbm>>) dst(%dma_wait3A_170 : memref<64x128xf32, #tpu.memory_space<vmem>>)
    %dma_start3A_177 = arith.constant 0 : i32
    %dma_start3A_178 = arith.constant 0 : i32
    %dma_start3A_179 = arith.constant 0 : i32
    %dma_start3A_180 = arith.constant 0 : i32
    %dma_start3A_181 = tpu.memref_slice %arg8[%dma_start3A_177, %dma_start3A_179, %dma_start3A_180] : memref<5x64x128xf32, #tpu.memory_space<vmem>> -> memref<1x64x128xf32, #tpu.memory_space<vmem>>
    %dma_start3A_182 = tpu.memref_squeeze %dma_start3A_181 : memref<1x64x128xf32, #tpu.memory_space<vmem>> -> memref<64x128xf32, #tpu.memory_space<vmem>>
    %dma_start3A_183 = arith.constant 0 : i32
    %dma_start3A_184 = tpu.memref_slice %arg7[%dma_start3A_178, %dma_start3A_183] : memref<5x64xi32, #tpu.memory_space<vmem>> -> memref<1x64xi32, #tpu.memory_space<vmem>>
    %dma_start3A_185 = tpu.memref_squeeze %dma_start3A_184 : memref<1x64xi32, #tpu.memory_space<vmem>> -> memref<64xi32, #tpu.memory_space<vmem>>
    %dma_start3A_186 = arith.constant 0 : i32
    %dma_start3A_187 = arith.constant 0 : i32
    %dma_start3A_188 = tpu.memref_slice %arg9[%dma_start3A_186, %dma_start3A_187] : memref<10240x128xf32, #tpu.memory_space<vmem_shared>> -> memref<10240x128xf32, #tpu.memory_space<vmem_shared>>
    tpu.enqueue_indirect_dma source(%dma_start3A_182 : memref<64x128xf32, #tpu.memory_space<vmem>>) target(%dma_start3A_188 : memref<10240x128xf32, #tpu.memory_space<vmem_shared>>) offsets(%dma_start3A_185 : memref<64xi32, #tpu.memory_space<vmem>>) semaphore(%arg15 : memref<!tpu.dma_semaphore, #tpu.memory_space<semaphore_mem>>) {add = true}
    %dma_wait3A_189 = arith.constant 1 : i32
    %dma_wait3A_190 = arith.constant 1 : i32
    %dma_wait3A_191 = arith.constant 0 : i32
    %dma_wait3A_192 = arith.constant 0 : i32
    %dma_wait3A_193 = tpu.memref_slice %arg8[%dma_wait3A_190, %dma_wait3A_191, %dma_wait3A_192] : memref<5x64x128xf32, #tpu.memory_space<vmem>> -> memref<1x64x128xf32, #tpu.memory_space<vmem>>
    %dma_wait3A_194 = tpu.memref_squeeze %dma_wait3A_193 : memref<1x64x128xf32, #tpu.memory_space<vmem>> -> memref<64x128xf32, #tpu.memory_space<vmem>>
    %dma_wait3A_195 = arith.constant 0 : i32
    %dma_wait3A_196 = tpu.memref_slice %arg6[%dma_wait3A_189, %dma_wait3A_195] : memref<5x64xi32, #tpu.memory_space<vmem>> -> memref<1x64xi32, #tpu.memory_space<vmem>>
    %dma_wait3A_197 = tpu.memref_squeeze %dma_wait3A_196 : memref<1x64xi32, #tpu.memory_space<vmem>> -> memref<64xi32, #tpu.memory_space<vmem>>
    %dma_wait3A_198 = arith.constant 0 : i32
    %dma_wait3A_199 = arith.constant 0 : i32
    %dma_wait3A_200 = tpu.memref_slice %arg3[%dma_wait3A_198, %dma_wait3A_199] : memref<10240x128xf32, #tpu.memory_space<hbm>> -> memref<10240x128xf32, #tpu.memory_space<hbm>>
    tpu.wait_indirect_dma semaphore(%arg11 : memref<!tpu.dma_semaphore, #tpu.memory_space<semaphore_mem>>) src(%dma_wait3A_200 : memref<10240x128xf32, #tpu.memory_space<hbm>>) dst(%dma_wait3A_194 : memref<64x128xf32, #tpu.memory_space<vmem>>)
    %dma_start3A_201 = arith.constant 1 : i32
    %dma_start3A_202 = arith.constant 1 : i32
    %dma_start3A_203 = arith.constant 0 : i32
    %dma_start3A_204 = arith.constant 0 : i32
    %dma_start3A_205 = tpu.memref_slice %arg8[%dma_start3A_201, %dma_start3A_203, %dma_start3A_204] : memref<5x64x128xf32, #tpu.memory_space<vmem>> -> memref<1x64x128xf32, #tpu.memory_space<vmem>>
    %dma_start3A_206 = tpu.memref_squeeze %dma_start3A_205 : memref<1x64x128xf32, #tpu.memory_space<vmem>> -> memref<64x128xf32, #tpu.memory_space<vmem>>
    %dma_start3A_207 = arith.constant 0 : i32
    %dma_start3A_208 = tpu.memref_slice %arg7[%dma_start3A_202, %dma_start3A_207] : memref<5x64xi32, #tpu.memory_space<vmem>> -> memref<1x64xi32, #tpu.memory_space<vmem>>
    %dma_start3A_209 = tpu.memref_squeeze %dma_start3A_208 : memref<1x64xi32, #tpu.memory_space<vmem>> -> memref<64xi32, #tpu.memory_space<vmem>>
    %dma_start3A_210 = arith.constant 0 : i32
    %dma_start3A_211 = arith.constant 0 : i32
    %dma_start3A_212 = tpu.memref_slice %arg9[%dma_start3A_210, %dma_start3A_211] : memref<10240x128xf32, #tpu.memory_space<vmem_shared>> -> memref<10240x128xf32, #tpu.memory_space<vmem_shared>>
    tpu.enqueue_indirect_dma source(%dma_start3A_206 : memref<64x128xf32, #tpu.memory_space<vmem>>) target(%dma_start3A_212 : memref<10240x128xf32, #tpu.memory_space<vmem_shared>>) offsets(%dma_start3A_209 : memref<64xi32, #tpu.memory_space<vmem>>) semaphore(%arg16 : memref<!tpu.dma_semaphore, #tpu.memory_space<semaphore_mem>>) {add = true}
    %dma_wait3A_213 = arith.constant 2 : i32
    %dma_wait3A_214 = arith.constant 2 : i32
    %dma_wait3A_215 = arith.constant 0 : i32
    %dma_wait3A_216 = arith.constant 0 : i32
    %dma_wait3A_217 = tpu.memref_slice %arg8[%dma_wait3A_214, %dma_wait3A_215, %dma_wait3A_216] : memref<5x64x128xf32, #tpu.memory_space<vmem>> -> memref<1x64x128xf32, #tpu.memory_space<vmem>>
    %dma_wait3A_218 = tpu.memref_squeeze %dma_wait3A_217 : memref<1x64x128xf32, #tpu.memory_space<vmem>> -> memref<64x128xf32, #tpu.memory_space<vmem>>
    %dma_wait3A_219 = arith.constant 0 : i32
    %dma_wait3A_220 = tpu.memref_slice %arg6[%dma_wait3A_213, %dma_wait3A_219] : memref<5x64xi32, #tpu.memory_space<vmem>> -> memref<1x64xi32, #tpu.memory_space<vmem>>
    %dma_wait3A_221 = tpu.memref_squeeze %dma_wait3A_220 : memref<1x64xi32, #tpu.memory_space<vmem>> -> memref<64xi32, #tpu.memory_space<vmem>>
    %dma_wait3A_222 = arith.constant 0 : i32
    %dma_wait3A_223 = arith.constant 0 : i32
    %dma_wait3A_224 = tpu.memref_slice %arg3[%dma_wait3A_222, %dma_wait3A_223] : memref<10240x128xf32, #tpu.memory_space<hbm>> -> memref<10240x128xf32, #tpu.memory_space<hbm>>
    tpu.wait_indirect_dma semaphore(%arg12 : memref<!tpu.dma_semaphore, #tpu.memory_space<semaphore_mem>>) src(%dma_wait3A_224 : memref<10240x128xf32, #tpu.memory_space<hbm>>) dst(%dma_wait3A_218 : memref<64x128xf32, #tpu.memory_space<vmem>>)
    %dma_start3A_225 = arith.constant 2 : i32
    %dma_start3A_226 = arith.constant 2 : i32
    %dma_start3A_227 = arith.constant 0 : i32
    %dma_start3A_228 = arith.constant 0 : i32
    %dma_start3A_229 = tpu.memref_slice %arg8[%dma_start3A_225, %dma_start3A_227, %dma_start3A_228] : memref<5x64x128xf32, #tpu.memory_space<vmem>> -> memref<1x64x128xf32, #tpu.memory_space<vmem>>
    %dma_start3A_230 = tpu.memref_squeeze %dma_start3A_229 : memref<1x64x128xf32, #tpu.memory_space<vmem>> -> memref<64x128xf32, #tpu.memory_space<vmem>>
    %dma_start3A_231 = arith.constant 0 : i32
    %dma_start3A_232 = tpu.memref_slice %arg7[%dma_start3A_226, %dma_start3A_231] : memref<5x64xi32, #tpu.memory_space<vmem>> -> memref<1x64xi32, #tpu.memory_space<vmem>>
    %dma_start3A_233 = tpu.memref_squeeze %dma_start3A_232 : memref<1x64xi32, #tpu.memory_space<vmem>> -> memref<64xi32, #tpu.memory_space<vmem>>
    %dma_start3A_234 = arith.constant 0 : i32
    %dma_start3A_235 = arith.constant 0 : i32
    %dma_start3A_236 = tpu.memref_slice %arg9[%dma_start3A_234, %dma_start3A_235] : memref<10240x128xf32, #tpu.memory_space<vmem_shared>> -> memref<10240x128xf32, #tpu.memory_space<vmem_shared>>
    tpu.enqueue_indirect_dma source(%dma_start3A_230 : memref<64x128xf32, #tpu.memory_space<vmem>>) target(%dma_start3A_236 : memref<10240x128xf32, #tpu.memory_space<vmem_shared>>) offsets(%dma_start3A_233 : memref<64xi32, #tpu.memory_space<vmem>>) semaphore(%arg17 : memref<!tpu.dma_semaphore, #tpu.memory_space<semaphore_mem>>) {add = true}
    %dma_wait3A_237 = arith.constant 3 : i32
    %dma_wait3A_238 = arith.constant 3 : i32
    %dma_wait3A_239 = arith.constant 0 : i32
    %dma_wait3A_240 = arith.constant 0 : i32
    %dma_wait3A_241 = tpu.memref_slice %arg8[%dma_wait3A_238, %dma_wait3A_239, %dma_wait3A_240] : memref<5x64x128xf32, #tpu.memory_space<vmem>> -> memref<1x64x128xf32, #tpu.memory_space<vmem>>
    %dma_wait3A_242 = tpu.memref_squeeze %dma_wait3A_241 : memref<1x64x128xf32, #tpu.memory_space<vmem>> -> memref<64x128xf32, #tpu.memory_space<vmem>>
    %dma_wait3A_243 = arith.constant 0 : i32
    %dma_wait3A_244 = tpu.memref_slice %arg6[%dma_wait3A_237, %dma_wait3A_243] : memref<5x64xi32, #tpu.memory_space<vmem>> -> memref<1x64xi32, #tpu.memory_space<vmem>>
    %dma_wait3A_245 = tpu.memref_squeeze %dma_wait3A_244 : memref<1x64xi32, #tpu.memory_space<vmem>> -> memref<64xi32, #tpu.memory_space<vmem>>
    %dma_wait3A_246 = arith.constant 0 : i32
    %dma_wait3A_247 = arith.constant 0 : i32
    %dma_wait3A_248 = tpu.memref_slice %arg3[%dma_wait3A_246, %dma_wait3A_247] : memref<10240x128xf32, #tpu.memory_space<hbm>> -> memref<10240x128xf32, #tpu.memory_space<hbm>>
    tpu.wait_indirect_dma semaphore(%arg13 : memref<!tpu.dma_semaphore, #tpu.memory_space<semaphore_mem>>) src(%dma_wait3A_248 : memref<10240x128xf32, #tpu.memory_space<hbm>>) dst(%dma_wait3A_242 : memref<64x128xf32, #tpu.memory_space<vmem>>)
    %dma_start3A_249 = arith.constant 3 : i32
    %dma_start3A_250 = arith.constant 3 : i32
    %dma_start3A_251 = arith.constant 0 : i32
    %dma_start3A_252 = arith.constant 0 : i32
    %dma_start3A_253 = tpu.memref_slice %arg8[%dma_start3A_249, %dma_start3A_251, %dma_start3A_252] : memref<5x64x128xf32, #tpu.memory_space<vmem>> -> memref<1x64x128xf32, #tpu.memory_space<vmem>>
    %dma_start3A_254 = tpu.memref_squeeze %dma_start3A_253 : memref<1x64x128xf32, #tpu.memory_space<vmem>> -> memref<64x128xf32, #tpu.memory_space<vmem>>
    %dma_start3A_255 = arith.constant 0 : i32
    %dma_start3A_256 = tpu.memref_slice %arg7[%dma_start3A_250, %dma_start3A_255] : memref<5x64xi32, #tpu.memory_space<vmem>> -> memref<1x64xi32, #tpu.memory_space<vmem>>
    %dma_start3A_257 = tpu.memref_squeeze %dma_start3A_256 : memref<1x64xi32, #tpu.memory_space<vmem>> -> memref<64xi32, #tpu.memory_space<vmem>>
    %dma_start3A_258 = arith.constant 0 : i32
    %dma_start3A_259 = arith.constant 0 : i32
    %dma_start3A_260 = tpu.memref_slice %arg9[%dma_start3A_258, %dma_start3A_259] : memref<10240x128xf32, #tpu.memory_space<vmem_shared>> -> memref<10240x128xf32, #tpu.memory_space<vmem_shared>>
    tpu.enqueue_indirect_dma source(%dma_start3A_254 : memref<64x128xf32, #tpu.memory_space<vmem>>) target(%dma_start3A_260 : memref<10240x128xf32, #tpu.memory_space<vmem_shared>>) offsets(%dma_start3A_257 : memref<64xi32, #tpu.memory_space<vmem>>) semaphore(%arg18 : memref<!tpu.dma_semaphore, #tpu.memory_space<semaphore_mem>>) {add = true}
    %dma_wait3A_261 = arith.constant 4 : i32
    %dma_wait3A_262 = arith.constant 4 : i32
    %dma_wait3A_263 = arith.constant 0 : i32
    %dma_wait3A_264 = arith.constant 0 : i32
    %dma_wait3A_265 = tpu.memref_slice %arg8[%dma_wait3A_262, %dma_wait3A_263, %dma_wait3A_264] : memref<5x64x128xf32, #tpu.memory_space<vmem>> -> memref<1x64x128xf32, #tpu.memory_space<vmem>>
    %dma_wait3A_266 = tpu.memref_squeeze %dma_wait3A_265 : memref<1x64x128xf32, #tpu.memory_space<vmem>> -> memref<64x128xf32, #tpu.memory_space<vmem>>
    %dma_wait3A_267 = arith.constant 0 : i32
    %dma_wait3A_268 = tpu.memref_slice %arg6[%dma_wait3A_261, %dma_wait3A_267] : memref<5x64xi32, #tpu.memory_space<vmem>> -> memref<1x64xi32, #tpu.memory_space<vmem>>
    %dma_wait3A_269 = tpu.memref_squeeze %dma_wait3A_268 : memref<1x64xi32, #tpu.memory_space<vmem>> -> memref<64xi32, #tpu.memory_space<vmem>>
    %dma_wait3A_270 = arith.constant 0 : i32
    %dma_wait3A_271 = arith.constant 0 : i32
    %dma_wait3A_272 = tpu.memref_slice %arg3[%dma_wait3A_270, %dma_wait3A_271] : memref<10240x128xf32, #tpu.memory_space<hbm>> -> memref<10240x128xf32, #tpu.memory_space<hbm>>
    tpu.wait_indirect_dma semaphore(%arg14 : memref<!tpu.dma_semaphore, #tpu.memory_space<semaphore_mem>>) src(%dma_wait3A_272 : memref<10240x128xf32, #tpu.memory_space<hbm>>) dst(%dma_wait3A_266 : memref<64x128xf32, #tpu.memory_space<vmem>>)
    %dma_start3A_273 = arith.constant 4 : i32
    %dma_start3A_274 = arith.constant 4 : i32
    %dma_start3A_275 = arith.constant 0 : i32
    %dma_start3A_276 = arith.constant 0 : i32
    %dma_start3A_277 = tpu.memref_slice %arg8[%dma_start3A_273, %dma_start3A_275, %dma_start3A_276] : memref<5x64x128xf32, #tpu.memory_space<vmem>> -> memref<1x64x128xf32, #tpu.memory_space<vmem>>
    %dma_start3A_278 = tpu.memref_squeeze %dma_start3A_277 : memref<1x64x128xf32, #tpu.memory_space<vmem>> -> memref<64x128xf32, #tpu.memory_space<vmem>>
    %dma_start3A_279 = arith.constant 0 : i32
    %dma_start3A_280 = tpu.memref_slice %arg7[%dma_start3A_274, %dma_start3A_279] : memref<5x64xi32, #tpu.memory_space<vmem>> -> memref<1x64xi32, #tpu.memory_space<vmem>>
    %dma_start3A_281 = tpu.memref_squeeze %dma_start3A_280 : memref<1x64xi32, #tpu.memory_space<vmem>> -> memref<64xi32, #tpu.memory_space<vmem>>
    %dma_start3A_282 = arith.constant 0 : i32
    %dma_start3A_283 = arith.constant 0 : i32
    %dma_start3A_284 = tpu.memref_slice %arg9[%dma_start3A_282, %dma_start3A_283] : memref<10240x128xf32, #tpu.memory_space<vmem_shared>> -> memref<10240x128xf32, #tpu.memory_space<vmem_shared>>
    tpu.enqueue_indirect_dma source(%dma_start3A_278 : memref<64x128xf32, #tpu.memory_space<vmem>>) target(%dma_start3A_284 : memref<10240x128xf32, #tpu.memory_space<vmem_shared>>) offsets(%dma_start3A_281 : memref<64xi32, #tpu.memory_space<vmem>>) semaphore(%arg19 : memref<!tpu.dma_semaphore, #tpu.memory_space<semaphore_mem>>) {add = true}
    %dma_wait3A_285 = arith.constant 0 : i32
    %dma_wait3A_286 = arith.constant 0 : i32
    %dma_wait3A_287 = arith.constant 0 : i32
    %dma_wait3A_288 = arith.constant 0 : i32
    %dma_wait3A_289 = tpu.memref_slice %arg8[%dma_wait3A_285, %dma_wait3A_287, %dma_wait3A_288] : memref<5x64x128xf32, #tpu.memory_space<vmem>> -> memref<1x64x128xf32, #tpu.memory_space<vmem>>
    %dma_wait3A_290 = tpu.memref_squeeze %dma_wait3A_289 : memref<1x64x128xf32, #tpu.memory_space<vmem>> -> memref<64x128xf32, #tpu.memory_space<vmem>>
    %dma_wait3A_291 = arith.constant 0 : i32
    %dma_wait3A_292 = tpu.memref_slice %arg7[%dma_wait3A_286, %dma_wait3A_291] : memref<5x64xi32, #tpu.memory_space<vmem>> -> memref<1x64xi32, #tpu.memory_space<vmem>>
    %dma_wait3A_293 = tpu.memref_squeeze %dma_wait3A_292 : memref<1x64xi32, #tpu.memory_space<vmem>> -> memref<64xi32, #tpu.memory_space<vmem>>
    %dma_wait3A_294 = arith.constant 0 : i32
    %dma_wait3A_295 = arith.constant 0 : i32
    %dma_wait3A_296 = tpu.memref_slice %arg9[%dma_wait3A_294, %dma_wait3A_295] : memref<10240x128xf32, #tpu.memory_space<vmem_shared>> -> memref<10240x128xf32, #tpu.memory_space<vmem_shared>>
    tpu.wait_indirect_dma semaphore(%arg15 : memref<!tpu.dma_semaphore, #tpu.memory_space<semaphore_mem>>) src(%dma_wait3A_290 : memref<64x128xf32, #tpu.memory_space<vmem>>) dst(%dma_wait3A_296 : memref<10240x128xf32, #tpu.memory_space<vmem_shared>>)
    %dma_wait3A_297 = arith.constant 1 : i32
    %dma_wait3A_298 = arith.constant 1 : i32
    %dma_wait3A_299 = arith.constant 0 : i32
    %dma_wait3A_300 = arith.constant 0 : i32
    %dma_wait3A_301 = tpu.memref_slice %arg8[%dma_wait3A_297, %dma_wait3A_299, %dma_wait3A_300] : memref<5x64x128xf32, #tpu.memory_space<vmem>> -> memref<1x64x128xf32, #tpu.memory_space<vmem>>
    %dma_wait3A_302 = tpu.memref_squeeze %dma_wait3A_301 : memref<1x64x128xf32, #tpu.memory_space<vmem>> -> memref<64x128xf32, #tpu.memory_space<vmem>>
    %dma_wait3A_303 = arith.constant 0 : i32
    %dma_wait3A_304 = tpu.memref_slice %arg7[%dma_wait3A_298, %dma_wait3A_303] : memref<5x64xi32, #tpu.memory_space<vmem>> -> memref<1x64xi32, #tpu.memory_space<vmem>>
    %dma_wait3A_305 = tpu.memref_squeeze %dma_wait3A_304 : memref<1x64xi32, #tpu.memory_space<vmem>> -> memref<64xi32, #tpu.memory_space<vmem>>
    %dma_wait3A_306 = arith.constant 0 : i32
    %dma_wait3A_307 = arith.constant 0 : i32
    %dma_wait3A_308 = tpu.memref_slice %arg9[%dma_wait3A_306, %dma_wait3A_307] : memref<10240x128xf32, #tpu.memory_space<vmem_shared>> -> memref<10240x128xf32, #tpu.memory_space<vmem_shared>>
    tpu.wait_indirect_dma semaphore(%arg16 : memref<!tpu.dma_semaphore, #tpu.memory_space<semaphore_mem>>) src(%dma_wait3A_302 : memref<64x128xf32, #tpu.memory_space<vmem>>) dst(%dma_wait3A_308 : memref<10240x128xf32, #tpu.memory_space<vmem_shared>>)
    %dma_wait3A_309 = arith.constant 2 : i32
    %dma_wait3A_310 = arith.constant 2 : i32
    %dma_wait3A_311 = arith.constant 0 : i32
    %dma_wait3A_312 = arith.constant 0 : i32
    %dma_wait3A_313 = tpu.memref_slice %arg8[%dma_wait3A_309, %dma_wait3A_311, %dma_wait3A_312] : memref<5x64x128xf32, #tpu.memory_space<vmem>> -> memref<1x64x128xf32, #tpu.memory_space<vmem>>
    %dma_wait3A_314 = tpu.memref_squeeze %dma_wait3A_313 : memref<1x64x128xf32, #tpu.memory_space<vmem>> -> memref<64x128xf32, #tpu.memory_space<vmem>>
    %dma_wait3A_315 = arith.constant 0 : i32
    %dma_wait3A_316 = tpu.memref_slice %arg7[%dma_wait3A_310, %dma_wait3A_315] : memref<5x64xi32, #tpu.memory_space<vmem>> -> memref<1x64xi32, #tpu.memory_space<vmem>>
    %dma_wait3A_317 = tpu.memref_squeeze %dma_wait3A_316 : memref<1x64xi32, #tpu.memory_space<vmem>> -> memref<64xi32, #tpu.memory_space<vmem>>
    %dma_wait3A_318 = arith.constant 0 : i32
    %dma_wait3A_319 = arith.constant 0 : i32
    %dma_wait3A_320 = tpu.memref_slice %arg9[%dma_wait3A_318, %dma_wait3A_319] : memref<10240x128xf32, #tpu.memory_space<vmem_shared>> -> memref<10240x128xf32, #tpu.memory_space<vmem_shared>>
    tpu.wait_indirect_dma semaphore(%arg17 : memref<!tpu.dma_semaphore, #tpu.memory_space<semaphore_mem>>) src(%dma_wait3A_314 : memref<64x128xf32, #tpu.memory_space<vmem>>) dst(%dma_wait3A_320 : memref<10240x128xf32, #tpu.memory_space<vmem_shared>>)
    %dma_wait3A_321 = arith.constant 3 : i32
    %dma_wait3A_322 = arith.constant 3 : i32
    %dma_wait3A_323 = arith.constant 0 : i32
    %dma_wait3A_324 = arith.constant 0 : i32
    %dma_wait3A_325 = tpu.memref_slice %arg8[%dma_wait3A_321, %dma_wait3A_323, %dma_wait3A_324] : memref<5x64x128xf32, #tpu.memory_space<vmem>> -> memref<1x64x128xf32, #tpu.memory_space<vmem>>
    %dma_wait3A_326 = tpu.memref_squeeze %dma_wait3A_325 : memref<1x64x128xf32, #tpu.memory_space<vmem>> -> memref<64x128xf32, #tpu.memory_space<vmem>>
    %dma_wait3A_327 = arith.constant 0 : i32
    %dma_wait3A_328 = tpu.memref_slice %arg7[%dma_wait3A_322, %dma_wait3A_327] : memref<5x64xi32, #tpu.memory_space<vmem>> -> memref<1x64xi32, #tpu.memory_space<vmem>>
    %dma_wait3A_329 = tpu.memref_squeeze %dma_wait3A_328 : memref<1x64xi32, #tpu.memory_space<vmem>> -> memref<64xi32, #tpu.memory_space<vmem>>
    %dma_wait3A_330 = arith.constant 0 : i32
    %dma_wait3A_331 = arith.constant 0 : i32
    %dma_wait3A_332 = tpu.memref_slice %arg9[%dma_wait3A_330, %dma_wait3A_331] : memref<10240x128xf32, #tpu.memory_space<vmem_shared>> -> memref<10240x128xf32, #tpu.memory_space<vmem_shared>>
    tpu.wait_indirect_dma semaphore(%arg18 : memref<!tpu.dma_semaphore, #tpu.memory_space<semaphore_mem>>) src(%dma_wait3A_326 : memref<64x128xf32, #tpu.memory_space<vmem>>) dst(%dma_wait3A_332 : memref<10240x128xf32, #tpu.memory_space<vmem_shared>>)
    %dma_wait3A_333 = arith.constant 4 : i32
    %dma_wait3A_334 = arith.constant 4 : i32
    %dma_wait3A_335 = arith.constant 0 : i32
    %dma_wait3A_336 = arith.constant 0 : i32
    %dma_wait3A_337 = tpu.memref_slice %arg8[%dma_wait3A_333, %dma_wait3A_335, %dma_wait3A_336] : memref<5x64x128xf32, #tpu.memory_space<vmem>> -> memref<1x64x128xf32, #tpu.memory_space<vmem>>
    %dma_wait3A_338 = tpu.memref_squeeze %dma_wait3A_337 : memref<1x64x128xf32, #tpu.memory_space<vmem>> -> memref<64x128xf32, #tpu.memory_space<vmem>>
    %dma_wait3A_339 = arith.constant 0 : i32
    %dma_wait3A_340 = tpu.memref_slice %arg7[%dma_wait3A_334, %dma_wait3A_339] : memref<5x64xi32, #tpu.memory_space<vmem>> -> memref<1x64xi32, #tpu.memory_space<vmem>>
    %dma_wait3A_341 = tpu.memref_squeeze %dma_wait3A_340 : memref<1x64xi32, #tpu.memory_space<vmem>> -> memref<64xi32, #tpu.memory_space<vmem>>
    %dma_wait3A_342 = arith.constant 0 : i32
    %dma_wait3A_343 = arith.constant 0 : i32
    %dma_wait3A_344 = tpu.memref_slice %arg9[%dma_wait3A_342, %dma_wait3A_343] : memref<10240x128xf32, #tpu.memory_space<vmem_shared>> -> memref<10240x128xf32, #tpu.memory_space<vmem_shared>>
    tpu.wait_indirect_dma semaphore(%arg19 : memref<!tpu.dma_semaphore, #tpu.memory_space<semaphore_mem>>) src(%dma_wait3A_338 : memref<64x128xf32, #tpu.memory_space<vmem>>) dst(%dma_wait3A_344 : memref<10240x128xf32, #tpu.memory_space<vmem_shared>>)
    %barrier3A_345 = arith.constant 0 : index
    tpu.barrier barrier_id(%barrier3A_345)
    "tpu.region"() ({
      %run_scoped3A = tpu.sem_alloc : memref<!tpu.dma_semaphore, #tpu.memory_space<semaphore_mem>>
      %dma_start3A_346 = arith.constant 0 : i32
      %dma_start3A_347 = tpu.memref_slice %arg4[%arg0, %multiple_of3A_14, %dma_start3A_346] : memref<2x10240x128xf32, #tpu.memory_space<hbm>> -> memref<1x640x128xf32, #tpu.memory_space<hbm>>
      %dma_start3A_348 = tpu.memref_squeeze %dma_start3A_347 : memref<1x640x128xf32, #tpu.memory_space<hbm>> -> memref<640x128xf32, #tpu.memory_space<hbm>>
      %dma_start3A_349 = arith.constant 0 : i32
      %dma_start3A_350 = tpu.memref_slice %arg9[%multiple_of3A_14, %dma_start3A_349] : memref<10240x128xf32, #tpu.memory_space<vmem_shared>> -> memref<640x128xf32, #tpu.memory_space<vmem_shared>>
      tpu.enqueue_dma source(%dma_start3A_350 : memref<640x128xf32, #tpu.memory_space<vmem_shared>>) target(%dma_start3A_348 : memref<640x128xf32, #tpu.memory_space<hbm>>) target_semaphore(%run_scoped3A : memref<!tpu.dma_semaphore, #tpu.memory_space<semaphore_mem>>)
      %dma_wait3A_351 = arith.constant 0 : i32
      %dma_wait3A_352 = tpu.memref_slice %arg4[%arg0, %multiple_of3A_14, %dma_wait3A_351] : memref<2x10240x128xf32, #tpu.memory_space<hbm>> -> memref<1x640x128xf32, #tpu.memory_space<hbm>>
      %dma_wait3A_353 = tpu.memref_squeeze %dma_wait3A_352 : memref<1x640x128xf32, #tpu.memory_space<hbm>> -> memref<640x128xf32, #tpu.memory_space<hbm>>
      %dma_wait3A_354 = arith.constant 0 : i32
      %dma_wait3A_355 = tpu.memref_slice %arg9[%multiple_of3A_14, %dma_wait3A_354] : memref<10240x128xf32, #tpu.memory_space<vmem_shared>> -> memref<640x128xf32, #tpu.memory_space<vmem_shared>>
      tpu.wait_dma2 semaphore(%run_scoped3A : memref<!tpu.dma_semaphore, #tpu.memory_space<semaphore_mem>>) src(%dma_wait3A_355 : memref<640x128xf32, #tpu.memory_space<vmem_shared>>) dst(%dma_wait3A_353 : memref<640x128xf32, #tpu.memory_space<hbm>>)
      tpu.yield
    }) : () -> ()
    return
  }
}

#map = affine_map<(d0, d1) -> (0, 0, 0)>
#map1 = affine_map<(d0, d1) -> (0, 0)>
module attributes {stable_mosaic.version = 14 : i64} {
  func.func @_deg_body(%arg0: i32, %arg1: i32, %arg2: memref<2x2560x128xi32, #tpu.memory_space<hbm>>, %arg3: memref<2x10240xf32, #tpu.memory_space<hbm>>, %arg4: memref<2560x128xi32, #tpu.memory_space<hbm>>, %arg5: memref<80x128xi32, #tpu.memory_space<vmem>>, %arg6: memref<80x128xi32, #tpu.memory_space<vmem>>, %arg7: memref<128xf32, #tpu.memory_space<vmem>>, %arg8: memref<640xf32, #tpu.memory_space<vmem>>, %arg9: memref<10240xf32, #tpu.memory_space<vmem_shared>>, %arg10: memref<!tpu.dma_semaphore, #tpu.memory_space<semaphore_mem>>, %arg11: memref<!tpu.dma_semaphore, #tpu.memory_space<semaphore_mem>>) attributes {dimension_semantics = [#tpu.dimension_semantics<core_parallel>, #tpu.dimension_semantics<subcore_parallel>], iteration_bounds = array<i64: 2, 16>, scalar_prefetch = 0 : i64, scratch_operands = 7 : i64, tpu.core_type = #tpu.core_type<sc_vector_subcore>, window_params = [{transform_indices = #map}, {transform_indices = #map1}, {transform_indices = #map1}]} {
    %mul3A = arith.constant 16 : i32
    %mul3A_0 = arith.muli %arg0, %mul3A : i32
    %add3A = arith.addi %mul3A_0, %arg1 : i32
    %broadcast_in_dim3A = arith.constant 0.000000e+00 : f32
    %broadcast_in_dim3A_1 = vector.broadcast %broadcast_in_dim3A : f32 to vector<16xf32>
    %broadcast_in_dim3A_2 = arith.constant 1.000000e+00 : f32
    %broadcast_in_dim3A_3 = vector.broadcast %broadcast_in_dim3A_2 : f32 to vector<16xf32>
    %mul3A_4 = arith.constant 80 : i32
    %mul3A_5 = arith.muli %add3A, %mul3A_4 : i32
    %multiple_of3A = tpu.assume_multiple %mul3A_5, 8 : i32
    %dma_start3A = arith.constant 0 : i32
    %dma_start3A_6 = arith.constant 0 : i32
    %dma_start3A_7 = tpu.memref_slice %arg2[%dma_start3A, %multiple_of3A, %dma_start3A_6] : memref<2x2560x128xi32, #tpu.memory_space<hbm>> -> memref<1x80x128xi32, #tpu.memory_space<hbm>>
    %dma_start3A_8 = tpu.memref_squeeze %dma_start3A_7 : memref<1x80x128xi32, #tpu.memory_space<hbm>> -> memref<80x128xi32, #tpu.memory_space<hbm>>
    %dma_start3A_9 = arith.constant 0 : i32
    %dma_start3A_10 = tpu.memref_slice %arg2[%dma_start3A, %multiple_of3A, %dma_start3A_9] : memref<2x2560x128xi32, #tpu.memory_space<hbm>> -> memref<1x80x128xi32, #tpu.memory_space<hbm>>
    %dma_start3A_11 = tpu.memref_squeeze %dma_start3A_10 : memref<1x80x128xi32, #tpu.memory_space<hbm>> -> memref<80x128xi32, #tpu.memory_space<hbm>>
    tpu.enqueue_dma source(%dma_start3A_11 : memref<80x128xi32, #tpu.memory_space<hbm>>) target(%arg5 : memref<80x128xi32, #tpu.memory_space<vmem>>) target_semaphore(%arg10 : memref<!tpu.dma_semaphore, #tpu.memory_space<semaphore_mem>>)
    %dma_start3A_12 = arith.constant 1 : i32
    %dma_start3A_13 = arith.constant 0 : i32
    %dma_start3A_14 = tpu.memref_slice %arg2[%dma_start3A_12, %multiple_of3A, %dma_start3A_13] : memref<2x2560x128xi32, #tpu.memory_space<hbm>> -> memref<1x80x128xi32, #tpu.memory_space<hbm>>
    %dma_start3A_15 = tpu.memref_squeeze %dma_start3A_14 : memref<1x80x128xi32, #tpu.memory_space<hbm>> -> memref<80x128xi32, #tpu.memory_space<hbm>>
    %dma_start3A_16 = arith.constant 0 : i32
    %dma_start3A_17 = tpu.memref_slice %arg2[%dma_start3A_12, %multiple_of3A, %dma_start3A_16] : memref<2x2560x128xi32, #tpu.memory_space<hbm>> -> memref<1x80x128xi32, #tpu.memory_space<hbm>>
    %dma_start3A_18 = tpu.memref_squeeze %dma_start3A_17 : memref<1x80x128xi32, #tpu.memory_space<hbm>> -> memref<80x128xi32, #tpu.memory_space<hbm>>
    tpu.enqueue_dma source(%dma_start3A_18 : memref<80x128xi32, #tpu.memory_space<hbm>>) target(%arg6 : memref<80x128xi32, #tpu.memory_space<vmem>>) target_semaphore(%arg10 : memref<!tpu.dma_semaphore, #tpu.memory_space<semaphore_mem>>)
    %scan3A = arith.constant 0 : i32
    %scan3A_19 = arith.constant 0 : i32
    %scan3A_20 = arith.constant 8 : i32
    %scan3A_21 = arith.addi %scan3A_19, %scan3A_20 : i32
    %scan3A_22 = arith.constant 1 : i32
    scf.for %scan3A_73 = %scan3A_19 to %scan3A_21 step %scan3A_22  : i32 {
      %mul3A_74 = arith.constant 16 : i32
      %mul3A_75 = arith.muli %scan3A_73, %mul3A_74 : i32
      %swap3A = arith.index_cast %mul3A_75 : i32 to index
      %swap3A_76 = tpu.vector_load %arg7[%swap3A] {strides = array<i32>} : memref<128xf32, #tpu.memory_space<vmem>>, vector<16xf32>,
      %swap3A_77 = vector.shape_cast %swap3A_76 : vector<16xf32> to vector<16xf32>
      %swap3A_78 = vector.shape_cast %broadcast_in_dim3A_3 : vector<16xf32> to vector<16xf32>
      tpu.vector_store %arg7[%swap3A], %swap3A_78 {strides = array<i32>} : memref<128xf32, #tpu.memory_space<vmem>>, vector<16xf32>,
    }
    %scan3A_23 = arith.constant 8 : i32
    %scan3A_24 = arith.constant 0 : i32
    %scan3A_25 = arith.constant 0 : i32
    %scan3A_26 = arith.constant 40 : i32
    %scan3A_27 = arith.addi %scan3A_25, %scan3A_26 : i32
    %scan3A_28 = arith.constant 1 : i32
    scf.for %scan3A_73 = %scan3A_25 to %scan3A_27 step %scan3A_28  : i32 {
      %mul3A_74 = arith.constant 16 : i32
      %mul3A_75 = arith.muli %scan3A_73, %mul3A_74 : i32
      %swap3A = arith.index_cast %mul3A_75 : i32 to index
      %swap3A_76 = tpu.vector_load %arg8[%swap3A] {strides = array<i32>} : memref<640xf32, #tpu.memory_space<vmem>>, vector<16xf32>,
      %swap3A_77 = vector.shape_cast %swap3A_76 : vector<16xf32> to vector<16xf32>
      %swap3A_78 = vector.shape_cast %broadcast_in_dim3A_1 : vector<16xf32> to vector<16xf32>
      tpu.vector_store %arg8[%swap3A], %swap3A_78 {strides = array<i32>} : memref<640xf32, #tpu.memory_space<vmem>>, vector<16xf32>,
    }
    %scan3A_29 = arith.constant 40 : i32
    %mul3A_30 = arith.constant 640 : i32
    %mul3A_31 = arith.muli %arg1, %mul3A_30 : i32
    %multiple_of3A_32 = tpu.assume_multiple %mul3A_31, 8 : i32
    "tpu.region"() ({
      %run_scoped3A = tpu.sem_alloc : memref<!tpu.dma_semaphore, #tpu.memory_space<semaphore_mem>>
      %dma_start3A_73 = tpu.memref_slice %arg9[%multiple_of3A_32] : memref<10240xf32, #tpu.memory_space<vmem_shared>> -> memref<640xf32, #tpu.memory_space<vmem_shared>>
      %dma_start3A_74 = tpu.memref_slice %arg9[%multiple_of3A_32] : memref<10240xf32, #tpu.memory_space<vmem_shared>> -> memref<640xf32, #tpu.memory_space<vmem_shared>>
      tpu.enqueue_dma source(%arg8 : memref<640xf32, #tpu.memory_space<vmem>>) target(%dma_start3A_74 : memref<640xf32, #tpu.memory_space<vmem_shared>>) target_semaphore(%run_scoped3A : memref<!tpu.dma_semaphore, #tpu.memory_space<semaphore_mem>>)
      %dma_wait3A_75 = tpu.memref_slice %arg9[%multiple_of3A_32] : memref<10240xf32, #tpu.memory_space<vmem_shared>> -> memref<640xf32, #tpu.memory_space<vmem_shared>>
      %dma_wait3A_76 = tpu.memref_slice %arg9[%multiple_of3A_32] : memref<10240xf32, #tpu.memory_space<vmem_shared>> -> memref<640xf32, #tpu.memory_space<vmem_shared>>
      tpu.wait_dma2 semaphore(%run_scoped3A : memref<!tpu.dma_semaphore, #tpu.memory_space<semaphore_mem>>) src(%arg8 : memref<640xf32, #tpu.memory_space<vmem>>) dst(%dma_wait3A_76 : memref<640xf32, #tpu.memory_space<vmem_shared>>)
      tpu.yield
    }) : () -> ()
    %dma_wait3A = arith.constant 0 : i32
    %dma_wait3A_33 = arith.constant 0 : i32
    %dma_wait3A_34 = tpu.memref_slice %arg2[%dma_wait3A, %multiple_of3A, %dma_wait3A_33] : memref<2x2560x128xi32, #tpu.memory_space<hbm>> -> memref<1x80x128xi32, #tpu.memory_space<hbm>>
    %dma_wait3A_35 = tpu.memref_squeeze %dma_wait3A_34 : memref<1x80x128xi32, #tpu.memory_space<hbm>> -> memref<80x128xi32, #tpu.memory_space<hbm>>
    %dma_wait3A_36 = arith.constant 0 : i32
    %dma_wait3A_37 = tpu.memref_slice %arg2[%dma_wait3A, %multiple_of3A, %dma_wait3A_36] : memref<2x2560x128xi32, #tpu.memory_space<hbm>> -> memref<1x80x128xi32, #tpu.memory_space<hbm>>
    %dma_wait3A_38 = tpu.memref_squeeze %dma_wait3A_37 : memref<1x80x128xi32, #tpu.memory_space<hbm>> -> memref<80x128xi32, #tpu.memory_space<hbm>>
    tpu.wait_dma2 semaphore(%arg10 : memref<!tpu.dma_semaphore, #tpu.memory_space<semaphore_mem>>) src(%dma_wait3A_38 : memref<80x128xi32, #tpu.memory_space<hbm>>) dst(%arg5 : memref<80x128xi32, #tpu.memory_space<vmem>>)
    %dma_wait3A_39 = arith.constant 1 : i32
    %dma_wait3A_40 = arith.constant 0 : i32
    %dma_wait3A_41 = tpu.memref_slice %arg2[%dma_wait3A_39, %multiple_of3A, %dma_wait3A_40] : memref<2x2560x128xi32, #tpu.memory_space<hbm>> -> memref<1x80x128xi32, #tpu.memory_space<hbm>>
    %dma_wait3A_42 = tpu.memref_squeeze %dma_wait3A_41 : memref<1x80x128xi32, #tpu.memory_space<hbm>> -> memref<80x128xi32, #tpu.memory_space<hbm>>
    %dma_wait3A_43 = arith.constant 0 : i32
    %dma_wait3A_44 = tpu.memref_slice %arg2[%dma_wait3A_39, %multiple_of3A, %dma_wait3A_43] : memref<2x2560x128xi32, #tpu.memory_space<hbm>> -> memref<1x80x128xi32, #tpu.memory_space<hbm>>
    %dma_wait3A_45 = tpu.memref_squeeze %dma_wait3A_44 : memref<1x80x128xi32, #tpu.memory_space<hbm>> -> memref<80x128xi32, #tpu.memory_space<hbm>>
    tpu.wait_dma2 semaphore(%arg10 : memref<!tpu.dma_semaphore, #tpu.memory_space<semaphore_mem>>) src(%dma_wait3A_45 : memref<80x128xi32, #tpu.memory_space<hbm>>) dst(%arg6 : memref<80x128xi32, #tpu.memory_space<vmem>>)
    %barrier3A = arith.constant 0 : index
    tpu.barrier barrier_id(%barrier3A)
    %scan3A_46 = arith.constant 0 : i32
    %scan3A_47 = arith.constant 0 : i32
    %scan3A_48 = arith.constant 80 : i32
    %scan3A_49 = arith.addi %scan3A_47, %scan3A_48 : i32
    %scan3A_50 = arith.constant 1 : i32
    scf.for %scan3A_73 = %scan3A_47 to %scan3A_49 step %scan3A_50  : i32 {
      %dma_start3A_74 = arith.constant 0 : i32
      %dma_start3A_75 = tpu.memref_slice %arg6[%scan3A_73, %dma_start3A_74] : memref<80x128xi32, #tpu.memory_space<vmem>> -> memref<1x128xi32, #tpu.memory_space<vmem>>
      %dma_start3A_76 = tpu.memref_squeeze %dma_start3A_75 : memref<1x128xi32, #tpu.memory_space<vmem>> -> memref<128xi32, #tpu.memory_space<vmem>>
      %dma_start3A_77 = arith.constant 0 : i32
      %dma_start3A_78 = tpu.memref_slice %arg9[%dma_start3A_77] : memref<10240xf32, #tpu.memory_space<vmem_shared>> -> memref<10240xf32, #tpu.memory_space<vmem_shared>>
      tpu.enqueue_indirect_dma source(%arg7 : memref<128xf32, #tpu.memory_space<vmem>>) target(%dma_start3A_78 : memref<10240xf32, #tpu.memory_space<vmem_shared>>) offsets(%dma_start3A_76 : memref<128xi32, #tpu.memory_space<vmem>>) semaphore(%arg10 : memref<!tpu.dma_semaphore, #tpu.memory_space<semaphore_mem>>) {add = true}
    }
    %scan3A_51 = arith.constant 80 : i32
    %scan3A_52 = arith.constant 0 : i32
    %scan3A_53 = arith.constant 0 : i32
    %scan3A_54 = arith.constant 80 : i32
    %scan3A_55 = arith.addi %scan3A_53, %scan3A_54 : i32
    %scan3A_56 = arith.constant 1 : i32
    scf.for %scan3A_73 = %scan3A_53 to %scan3A_55 step %scan3A_56  : i32 {
      %scan3A_74 = arith.constant 0 : i32
      %scan3A_75 = arith.constant 8 : i32
      %scan3A_76 = arith.addi %scan3A_74, %scan3A_75 : i32
      %scan3A_77 = arith.constant 1 : i32
      scf.for %scan3A_79 = %scan3A_74 to %scan3A_76 step %scan3A_77  : i32 {
        %mul3A_80 = arith.constant 16 : i32
        %mul3A_81 = arith.muli %scan3A_79, %mul3A_80 : i32
        %get3A = arith.index_cast %scan3A_73 : i32 to index
        %get3A_82 = arith.index_cast %mul3A_81 : i32 to index
        %get3A_83 = tpu.vector_load %arg5[%get3A, %get3A_82] {strides = array<i32>} : memref<80x128xi32, #tpu.memory_space<vmem>>, vector<1x16xi32>,
        %get3A_84 = vector.shape_cast %get3A_83 : vector<1x16xi32> to vector<16xi32>
        %get3A_85 = arith.index_cast %scan3A_73 : i32 to index
        %get3A_86 = arith.index_cast %mul3A_81 : i32 to index
        %get3A_87 = tpu.vector_load %arg6[%get3A_85, %get3A_86] {strides = array<i32>} : memref<80x128xi32, #tpu.memory_space<vmem>>, vector<1x16xi32>,
        %get3A_88 = vector.shape_cast %get3A_87 : vector<1x16xi32> to vector<16xi32>
        %shift_left3A = arith.constant 16 : i32
        %shift_left3A_89 = vector.broadcast %shift_left3A : i32 to vector<16xi32>
        %shift_left3A_90 = arith.shli %get3A_88, %shift_left3A_89 : vector<16xi32>
        %or3A = arith.ori %get3A_84, %shift_left3A_90 : vector<16xi32>
        %swap3A = arith.index_cast %scan3A_73 : i32 to index
        %swap3A_91 = arith.index_cast %mul3A_81 : i32 to index
        %swap3A_92 = tpu.vector_load %arg5[%swap3A, %swap3A_91] {strides = array<i32>} : memref<80x128xi32, #tpu.memory_space<vmem>>, vector<1x16xi32>,
        %swap3A_93 = vector.shape_cast %swap3A_92 : vector<1x16xi32> to vector<16xi32>
        %swap3A_94 = vector.shape_cast %or3A : vector<16xi32> to vector<1x16xi32>
        tpu.vector_store %arg5[%swap3A, %swap3A_91], %swap3A_94 {strides = array<i32>} : memref<80x128xi32, #tpu.memory_space<vmem>>, vector<1x16xi32>,
      }
      %scan3A_78 = arith.constant 8 : i32
    }
    %scan3A_57 = arith.constant 80 : i32
    %dma_start3A_58 = arith.constant 0 : i32
    %dma_start3A_59 = tpu.memref_slice %arg4[%multiple_of3A, %dma_start3A_58] : memref<2560x128xi32, #tpu.memory_space<hbm>> -> memref<80x128xi32, #tpu.memory_space<hbm>>
    %dma_start3A_60 = arith.constant 0 : i32
    %dma_start3A_61 = tpu.memref_slice %arg4[%multiple_of3A, %dma_start3A_60] : memref<2560x128xi32, #tpu.memory_space<hbm>> -> memref<80x128xi32, #tpu.memory_space<hbm>>
    tpu.enqueue_dma source(%arg5 : memref<80x128xi32, #tpu.memory_space<vmem>>) target(%dma_start3A_61 : memref<80x128xi32, #tpu.memory_space<hbm>>) target_semaphore(%arg11 : memref<!tpu.dma_semaphore, #tpu.memory_space<semaphore_mem>>)
    %scan3A_62 = arith.constant 0 : i32
    %scan3A_63 = arith.constant 0 : i32
    %scan3A_64 = arith.constant 80 : i32
    %scan3A_65 = arith.addi %scan3A_63, %scan3A_64 : i32
    %scan3A_66 = arith.constant 1 : i32
    scf.for %scan3A_73 = %scan3A_63 to %scan3A_65 step %scan3A_66  : i32 {
      %dma_wait3A_74 = arith.constant 0 : i32
      %dma_wait3A_75 = arith.constant 0 : i32
      %dma_wait3A_76 = tpu.memref_slice %arg6[%dma_wait3A_74, %dma_wait3A_75] : memref<80x128xi32, #tpu.memory_space<vmem>> -> memref<1x128xi32, #tpu.memory_space<vmem>>
      %dma_wait3A_77 = tpu.memref_squeeze %dma_wait3A_76 : memref<1x128xi32, #tpu.memory_space<vmem>> -> memref<128xi32, #tpu.memory_space<vmem>>
      %dma_wait3A_78 = arith.constant 0 : i32
      %dma_wait3A_79 = tpu.memref_slice %arg9[%dma_wait3A_78] : memref<10240xf32, #tpu.memory_space<vmem_shared>> -> memref<10240xf32, #tpu.memory_space<vmem_shared>>
      tpu.wait_indirect_dma semaphore(%arg10 : memref<!tpu.dma_semaphore, #tpu.memory_space<semaphore_mem>>) src(%arg7 : memref<128xf32, #tpu.memory_space<vmem>>) dst(%dma_wait3A_79 : memref<10240xf32, #tpu.memory_space<vmem_shared>>)
    }
    %scan3A_67 = arith.constant 80 : i32
    %barrier3A_68 = arith.constant 0 : index
    tpu.barrier barrier_id(%barrier3A_68)
    "tpu.region"() ({
      %run_scoped3A = tpu.sem_alloc : memref<!tpu.dma_semaphore, #tpu.memory_space<semaphore_mem>>
      %dma_start3A_73 = tpu.memref_slice %arg3[%arg0, %multiple_of3A_32] : memref<2x10240xf32, #tpu.memory_space<hbm>> -> memref<1x640xf32, #tpu.memory_space<hbm>>
      %dma_start3A_74 = tpu.memref_squeeze %dma_start3A_73 : memref<1x640xf32, #tpu.memory_space<hbm>> -> memref<640xf32, #tpu.memory_space<hbm>>
      %dma_start3A_75 = tpu.memref_slice %arg9[%multiple_of3A_32] : memref<10240xf32, #tpu.memory_space<vmem_shared>> -> memref<640xf32, #tpu.memory_space<vmem_shared>>
      tpu.enqueue_dma source(%dma_start3A_75 : memref<640xf32, #tpu.memory_space<vmem_shared>>) target(%dma_start3A_74 : memref<640xf32, #tpu.memory_space<hbm>>) target_semaphore(%run_scoped3A : memref<!tpu.dma_semaphore, #tpu.memory_space<semaphore_mem>>)
      %dma_wait3A_76 = tpu.memref_slice %arg3[%arg0, %multiple_of3A_32] : memref<2x10240xf32, #tpu.memory_space<hbm>> -> memref<1x640xf32, #tpu.memory_space<hbm>>
      %dma_wait3A_77 = tpu.memref_squeeze %dma_wait3A_76 : memref<1x640xf32, #tpu.memory_space<hbm>> -> memref<640xf32, #tpu.memory_space<hbm>>
      %dma_wait3A_78 = tpu.memref_slice %arg9[%multiple_of3A_32] : memref<10240xf32, #tpu.memory_space<vmem_shared>> -> memref<640xf32, #tpu.memory_space<vmem_shared>>
      tpu.wait_dma2 semaphore(%run_scoped3A : memref<!tpu.dma_semaphore, #tpu.memory_space<semaphore_mem>>) src(%dma_wait3A_78 : memref<640xf32, #tpu.memory_space<vmem_shared>>) dst(%dma_wait3A_77 : memref<640xf32, #tpu.memory_space<hbm>>)
      tpu.yield
    }) : () -> ()
    %dma_wait3A_69 = arith.constant 0 : i32
    %dma_wait3A_70 = tpu.memref_slice %arg4[%multiple_of3A, %dma_wait3A_69] : memref<2560x128xi32, #tpu.memory_space<hbm>> -> memref<80x128xi32, #tpu.memory_space<hbm>>
    %dma_wait3A_71 = arith.constant 0 : i32
    %dma_wait3A_72 = tpu.memref_slice %arg4[%multiple_of3A, %dma_wait3A_71] : memref<2560x128xi32, #tpu.memory_space<hbm>> -> memref<80x128xi32, #tpu.memory_space<hbm>>
    tpu.wait_dma2 semaphore(%arg11 : memref<!tpu.dma_semaphore, #tpu.memory_space<semaphore_mem>>) src(%arg5 : memref<80x128xi32, #tpu.memory_space<vmem>>) dst(%dma_wait3A_72 : memref<80x128xi32, #tpu.memory_space<hbm>>)
    return
  }
}

module attributes {stable_mosaic.version = 14 : i64} {
  func.func @_y_body(%arg0: i32, %arg1: memref<1024x128xf32, #tpu.memory_space<vmem>>, %arg2: memref<128x128xf32, #tpu.memory_space<vmem>>, %arg3: memref<2x1024xf32, #tpu.memory_space<vmem>>, %arg4: memref<1024x128xf32, #tpu.memory_space<vmem>>) attributes {dimension_semantics = [#tpu.dimension_semantics<arbitrary>], iteration_bounds = array<i64: 10>, scalar_prefetch = 0 : i64, scratch_operands = 0 : i64, tpu.core_type = #tpu.core_type<tc>, window_params = [{transform_indices = @transform_0, window_bounds = array<i64: 1024, 128>}, {pipeline_mode = #tpu.pipeline_mode<synchronous>, transform_indices = @transform_1, window_bounds = array<i64: 128, 128>}, {transform_indices = @transform_2, window_bounds = array<i64: 2, 1024>}, {transform_indices = @transform_3, window_bounds = array<i64: 1024, 128>}]} {
    %get3A = arith.constant 0 : index
    %get3A_0 = arith.constant 0 : index
    %get3A_1 = vector.load %arg1[%get3A, %get3A_0] : memref<1024x128xf32, #tpu.memory_space<vmem>>, vector<1024x128xf32>
    %get3A_2 = arith.constant 0 : index
    %get3A_3 = arith.constant 0 : index
    %get3A_4 = vector.load %arg2[%get3A_2, %get3A_3] : memref<128x128xf32, #tpu.memory_space<vmem>>, vector<128x128xf32>
    %dot_general3A = arith.constant dense<0.000000e+00> : vector<1024x128xf32>
    %dot_general3A_5 = tpu.matmul %get3A_1, %get3A_4, %dot_general3A {dimension_numbers = #tpu.dot_dimension_numbers<[1], [0], [0], [1], [0, 0, 1, 1], [], []>, transpose_lhs_hint = false} : vector<1024x128xf32>, vector<128x128xf32>, vector<1024x128xf32> -> vector<1024x128xf32>
    %get3A_6 = arith.constant 0 : index
    %get3A_7 = arith.constant 0 : index
    %get3A_8 = vector.load %arg3[%get3A_6, %get3A_7] : memref<2x1024xf32, #tpu.memory_space<vmem>>, vector<1x1024xf32>
    %get3A_9 = vector.shape_cast %get3A_8 : vector<1x1024xf32> to vector<1024xf32>
    %get3A_10 = arith.constant 1 : index
    %get3A_11 = arith.constant 0 : index
    %get3A_12 = vector.load %arg3[%get3A_10, %get3A_11] : memref<2x1024xf32, #tpu.memory_space<vmem>>, vector<1x1024xf32>
    %get3A_13 = vector.shape_cast %get3A_12 : vector<1x1024xf32> to vector<1024xf32>
    %add3A = arith.addf %get3A_9, %get3A_13 : vector<1024xf32>
    %add3A_14 = arith.constant 1.000000e+00 : f32
    %add3A_15 = vector.broadcast %add3A_14 : f32 to vector<1024xf32>
    %add3A_16 = arith.addf %add3A, %add3A_15 : vector<1024xf32>
    %rsqrt3A = math.rsqrt %add3A_16 : vector<1024xf32>
    %broadcast_in_dim3A = vector.shape_cast %rsqrt3A : vector<1024xf32> to vector<1024x1xf32>
    %mul3A = vector.broadcast %broadcast_in_dim3A : vector<1024x1xf32> to vector<1024x128xf32>
    %mul3A_17 = arith.mulf %dot_general3A_5, %mul3A : vector<1024x128xf32>
    %swap3A = arith.constant 0 : index
    %swap3A_18 = arith.constant 0 : index
    %swap3A_19 = vector.load %arg4[%swap3A, %swap3A_18] : memref<1024x128xf32, #tpu.memory_space<vmem>>, vector<1024x128xf32>
    tpu.vector_store %arg4[%swap3A, %swap3A_18], %mul3A_17 {strides = array<i32>} : memref<1024x128xf32, #tpu.memory_space<vmem>>, vector<1024x128xf32>,
    return
  }
  func.func @transform_0(%arg0: i32) -> (i32, i32) {
    %c0_i32 = arith.constant 0 : i32
    %c0_i32_0 = arith.constant 0 : i32
    return %arg0, %c0_i32 : i32, i32
  }
  func.func @transform_1(%arg0: i32) -> (i32, i32) {
    %c0_i32 = arith.constant 0 : i32
    %c0_i32_0 = arith.constant 0 : i32
    %c0_i32_1 = arith.constant 0 : i32
    return %c0_i32, %c0_i32_0 : i32, i32
  }
  func.func @transform_2(%arg0: i32) -> (i32, i32) {
    %c0_i32 = arith.constant 0 : i32
    %c0_i32_0 = arith.constant 0 : i32
    return %c0_i32, %arg0 : i32, i32
  }
  func.func @transform_3(%arg0: i32) -> (i32, i32) {
    %c0_i32 = arith.constant 0 : i32
    %c0_i32_0 = arith.constant 0 : i32
    return %arg0, %c0_i32 : i32, i32
  }
}

module attributes {stable_mosaic.version = 14 : i64} {
  func.func @_out_body(%arg0: i32, %arg1: memref<1024x128xf32, #tpu.memory_space<vmem>>, %arg2: memref<2x1024x128xf32, #tpu.memory_space<vmem>>, %arg3: memref<1024x128xf32, #tpu.memory_space<vmem>>, %arg4: memref<2x1024xf32, #tpu.memory_space<vmem>>, %arg5: memref<1x128xf32, #tpu.memory_space<vmem>>, %arg6: memref<1024x128xf32, #tpu.memory_space<vmem>>) attributes {dimension_semantics = [#tpu.dimension_semantics<arbitrary>], iteration_bounds = array<i64: 10>, scalar_prefetch = 0 : i64, scratch_operands = 0 : i64, tpu.core_type = #tpu.core_type<tc>, window_params = [{transform_indices = @transform_0, window_bounds = array<i64: 1024, 128>}, {transform_indices = @transform_1, window_bounds = array<i64: 2, 1024, 128>}, {transform_indices = @transform_2, window_bounds = array<i64: 1024, 128>}, {transform_indices = @transform_3, window_bounds = array<i64: 2, 1024>}, {pipeline_mode = #tpu.pipeline_mode<synchronous>, transform_indices = @transform_4, window_bounds = array<i64: 1, 128>}, {transform_indices = @transform_5, window_bounds = array<i64: 1024, 128>}]} {
    %get3A = arith.constant 0 : index
    %get3A_0 = arith.constant 0 : index
    %get3A_1 = arith.constant 0 : index
    %get3A_2 = vector.load %arg2[%get3A, %get3A_0, %get3A_1] : memref<2x1024x128xf32, #tpu.memory_space<vmem>>, vector<1x1024x128xf32>
    %get3A_3 = vector.shape_cast %get3A_2 : vector<1x1024x128xf32> to vector<1024x128xf32>
    %get3A_4 = arith.constant 1 : index
    %get3A_5 = arith.constant 0 : index
    %get3A_6 = arith.constant 0 : index
    %get3A_7 = vector.load %arg2[%get3A_4, %get3A_5, %get3A_6] : memref<2x1024x128xf32, #tpu.memory_space<vmem>>, vector<1x1024x128xf32>
    %get3A_8 = vector.shape_cast %get3A_7 : vector<1x1024x128xf32> to vector<1024x128xf32>
    %add3A = arith.addf %get3A_3, %get3A_8 : vector<1024x128xf32>
    %get3A_9 = arith.constant 0 : index
    %get3A_10 = arith.constant 0 : index
    %get3A_11 = vector.load %arg3[%get3A_9, %get3A_10] : memref<1024x128xf32, #tpu.memory_space<vmem>>, vector<1024x128xf32>
    %add3A_12 = arith.addf %add3A, %get3A_11 : vector<1024x128xf32>
    %get3A_13 = arith.constant 0 : index
    %get3A_14 = arith.constant 0 : index
    %get3A_15 = vector.load %arg4[%get3A_13, %get3A_14] : memref<2x1024xf32, #tpu.memory_space<vmem>>, vector<1x1024xf32>
    %get3A_16 = vector.shape_cast %get3A_15 : vector<1x1024xf32> to vector<1024xf32>
    %get3A_17 = arith.constant 1 : index
    %get3A_18 = arith.constant 0 : index
    %get3A_19 = vector.load %arg4[%get3A_17, %get3A_18] : memref<2x1024xf32, #tpu.memory_space<vmem>>, vector<1x1024xf32>
    %get3A_20 = vector.shape_cast %get3A_19 : vector<1x1024xf32> to vector<1024xf32>
    %add3A_21 = arith.addf %get3A_16, %get3A_20 : vector<1024xf32>
    %add3A_22 = arith.constant 1.000000e+00 : f32
    %add3A_23 = vector.broadcast %add3A_22 : f32 to vector<1024xf32>
    %add3A_24 = arith.addf %add3A_21, %add3A_23 : vector<1024xf32>
    %rsqrt3A = math.rsqrt %add3A_24 : vector<1024xf32>
    %broadcast_in_dim3A = vector.shape_cast %rsqrt3A : vector<1024xf32> to vector<1024x1xf32>
    %mul3A = vector.broadcast %broadcast_in_dim3A : vector<1024x1xf32> to vector<1024x128xf32>
    %mul3A_25 = arith.mulf %add3A_12, %mul3A : vector<1024x128xf32>
    %get3A_26 = arith.constant 0 : index
    %get3A_27 = arith.constant 0 : index
    %get3A_28 = vector.load %arg5[%get3A_26, %get3A_27] : memref<1x128xf32, #tpu.memory_space<vmem>>, vector<1x128xf32>
    %add3A_29 = vector.broadcast %get3A_28 : vector<1x128xf32> to vector<1024x128xf32>
    %add3A_30 = arith.addf %mul3A_25, %add3A_29 : vector<1024x128xf32>
    %get3A_31 = arith.constant 0 : index
    %get3A_32 = arith.constant 0 : index
    %get3A_33 = vector.load %arg1[%get3A_31, %get3A_32] : memref<1024x128xf32, #tpu.memory_space<vmem>>, vector<1024x128xf32>
    %max3A = arith.constant 0.000000e+00 : f32
    %max3A_34 = vector.broadcast %max3A : f32 to vector<1024x128xf32>
    %max3A_35 = arith.maximumf %add3A_30, %max3A_34 : vector<1024x128xf32>
    %add3A_36 = arith.addf %get3A_33, %max3A_35 : vector<1024x128xf32>
    %swap3A = arith.constant 0 : index
    %swap3A_37 = arith.constant 0 : index
    %swap3A_38 = vector.load %arg6[%swap3A, %swap3A_37] : memref<1024x128xf32, #tpu.memory_space<vmem>>, vector<1024x128xf32>
    tpu.vector_store %arg6[%swap3A, %swap3A_37], %add3A_36 {strides = array<i32>} : memref<1024x128xf32, #tpu.memory_space<vmem>>, vector<1024x128xf32>,
    return
  }
  func.func @transform_0(%arg0: i32) -> (i32, i32) {
    %c0_i32 = arith.constant 0 : i32
    %c0_i32_0 = arith.constant 0 : i32
    return %arg0, %c0_i32 : i32, i32
  }
  func.func @transform_1(%arg0: i32) -> (i32, i32, i32) {
    %c0_i32 = arith.constant 0 : i32
    %c0_i32_0 = arith.constant 0 : i32
    %c0_i32_1 = arith.constant 0 : i32
    return %c0_i32, %arg0, %c0_i32_0 : i32, i32, i32
  }
  func.func @transform_2(%arg0: i32) -> (i32, i32) {
    %c0_i32 = arith.constant 0 : i32
    %c0_i32_0 = arith.constant 0 : i32
    return %arg0, %c0_i32 : i32, i32
  }
  func.func @transform_3(%arg0: i32) -> (i32, i32) {
    %c0_i32 = arith.constant 0 : i32
    %c0_i32_0 = arith.constant 0 : i32
    return %c0_i32, %arg0 : i32, i32
  }
  func.func @transform_4(%arg0: i32) -> (i32, i32) {
    %c0_i32 = arith.constant 0 : i32
    %c0_i32_0 = arith.constant 0 : i32
    %c0_i32_1 = arith.constant 0 : i32
    return %c0_i32, %c0_i32_0 : i32, i32
  }
  func.func @transform_5(%arg0: i32) -> (i32, i32) {
    %c0_i32 = arith.constant 0 : i32
    %c0_i32_0 = arith.constant 0 : i32
    return %arg0, %c0_i32 : i32, i32
  }
}

</mosaic_0001>

<sc_bundles>
// kernel: kernel.6.cloned.1.call-start
scs
__scs_entry_jumppad:
0x0: {  	(pc) =	sbr.rel $0x88, $3  }
0x1: {  	(tag) =	ssettag $0x0;
	lr =	simm.s32 $0x1  }
0x2: {  	[smem:$0x3F9D] =	sst lr;
	_ =	strace $0xD0000000  }
0x3: {  	_ = 	snop  }
0x4: {  	_ = 	snop  }
0x5: {  	_ = 	snop  }
0x6: {  	_ = 	snop  }
0x7: {  	_ = 	snop  }
__scs_overlays_trampoline_lowered:
0x8: {  	[smem:$0x3FAC] =	sst s0  }
0x9: {  	[smem:$0x3FAD] =	sst s1  }
0xa: {  	[smem:$0x3FAE] =	sst s2  }
0xb: {  	[smem:$0x3FAF] =	sst s3  }
0xc: {  	[smem:$0x3FB0] =	sst s4  }
0xd: {  	[smem:$0x3FB1] =	sst s5  }
0xe: {  	[smem:$0x3FB2] =	sst s6  }
0xf: {  	[smem:$0x3FB3] =	sst s7  }
0x10: {  	[smem:$0x3FB4] =	sst s8  }
0x11: {  	[smem:$0x3FB5] =	sst s9;
	s0 =	simm.s32 @!p0 $0x0  }
0x12: {  	s1 =	sld [smem:$0x3F9B];
	s0 =	simm.s32 @p0 $0x1  }
0x13: {  	[smem:$0x3FB6] =	sst s0;
	s0 =	simm.s32 @!p1 $0x0  }
0x14: {  	s2 =	sld [smem:$0x3F9A];
	s0 =	simm.s32 @p1 $0x1  }
0x15: {  	[smem:$0x3FB7] =	sst s0;
	s0 =	simm.s32 @!p2 $0x0  }
0x16: {  	s3 =	sld [smem:$0x3FDB];
	s0 =	simm.s32 @p2 $0x1  }
0x17: {  	s4 =	simm.s32 $0x1BF5;
	[smem:$0x3FB9] =	sst s0  }
0x18: {  	s0 =	sld [smem:$0x3F9C];
	_ =	swait.ge [sflag:s4], $0x0  }
0x19: {  	s7 =	sld [smem:$0x3F9D]  }
0x1a: {  	s8 =	sadd.s32 $0xFFFFE003, lr  }
0x1b: {  	s9 =	sadd.s32 $0xFFFFFEF7, lr;
	s5 =	simm.s32 $0xFFFFFFFF;
	p2 =	slt.u32 s8, $0xFFFFF086  }
0x1c: {  	p1 =	slt.u32 s9, $0xF7A;
	s5 =	simm.s32 @!p2 $0x0  }
0x1d: {  	s5 =	simm.s32 @p1 $0x1;
	p0 =	seq.s32 s7, s2  }
0x1e: {  	s7 =	smul.u32 @!p0 $0xF7A, s2;
	p2 =	seq.s32 @!p0 s5, $0x0  }
0x1f: {  	s9 =	smul.u32 $0xF7A, s1;
	s8 =	simm.s32 @!p0 $0x1BF5;
	p2 =	por !p2, p0  }
0x20: {  	[sflag:s8] =	ssyncset.s32 @!p0 $0xFFFFF086;
	s6 =	sadd.s32 @!p0 s3, s7;
	s7 =	simm.s32 @!p0 $0x108  }
0x21: {  	s3 =	sadd.s32 s3, s9;
	s6 =	sadd.s32 @!p0 $0x88, s6;
	s7 =	simm.s32 @p2 $0x1082  }
0x22: {  	[simem:s7], [sflag:s8] =	dma.local @!p0 [hbm:s6], $0xF7A  }
0x23: {  	s9 =	sor.u32 $0xD0000000, s2;
	s6 =	simm.s32 $0x108;
	_ =	swait.ge @!p0 [sflag:s8], $0x0  }
0x24: {  	s3 =	sadd.s32 $0x88, s3;
	s6 =	simm.s32 @!p1 $0x1082;
	[sflag:s4] =	ssyncset.s32 $0xFFFFF086  }
0x25: {  	[simem:s6], [sflag:s4] =	dma.local [hbm:s3], $0xF7A  }
0x26: {  	[smem:$0x3F9D] =	sst s1;
	(tag) =	ssettag s2;
	_ =	strace s9  }
0x27: {  	s1 =	sld [smem:$0x3FAD]  }
0x28: {  	s2 =	sld [smem:$0x3FAE]  }
0x29: {  	s4 =	sld [smem:$0x3FB0]  }
0x2a: {  	p0 =	seq.s32 s5, $0x0;
	s5 =	sld [smem:$0x3FB1]  }
0x2b: {  	s6 =	sld [smem:$0x3FB2]  }
0x2c: {  	s7 =	sld [smem:$0x3FB3]  }
0x2d: {  	s3 =	simm.s32 $0x108;
	s8 =	sld [smem:$0x3FB4]  }
0x2e: {  	s3 =	simm.s32 @!p0 $0x1082;
	s9 =	sld [smem:$0x3FB5]  }
0x2f: {  	lr =	sadd.s32 s0, s3;
	s0 =	sld [smem:$0x3FAC]  }
0x30: {  	s3 =	sld [smem:$0x3FAF]  }
0x31: {  	[smem:$0x3FB8] =	sst s10  }
0x32: {  	s10 =	sld [smem:$0x3FB6];
	_ =	sdelay $0x3  }
0x33: {  	p0 =	seq.s32 s10, $0x1;
	s10 =	sld [smem:$0x3FB8];
	_ =	sdelay $0x3  }
0x34: {  	[smem:$0x3FB8] =	sst s10  }
0x35: {  	s10 =	sld [smem:$0x3FB7];
	_ =	sdelay $0x3  }
0x36: {  	p1 =	seq.s32 s10, $0x1;
	s10 =	sld [smem:$0x3FB8];
	_ =	sdelay $0x3  }
0x37: {  	[smem:$0x3FB8] =	sst s10  }
0x38: {  	s10 =	sld [smem:$0x3FB9]  }
0x39: {  	_ = 	snop;
	(pc) =	sbr.ind lr, $3  }
0x3a: {  	_ = 	snop  }
0x3b: {  	_ = 	snop  }
0x3c: {  	p2 =	seq.s32 s10, $0x1;
	s10 =	sld [smem:$0x3FB8]  }
0x3d: {  	_ =	shalt  }
0x3e: {  	_ =	shalt  }
0x3f: {  	_ =	shalt  }
0x40: {  	_ =	shalt  }
0x41: {  	_ =	shalt  }
0x42: {  	_ =	shalt  }
0x43: {  	_ =	shalt  }
0x44: {  	_ =	shalt  }
0x45: {  	_ =	shalt  }
0x46: {  	_ =	shalt  }
0x47: {  	_ =	shalt  }
0x48: {  	_ =	shalt  }
0x49: {  	_ =	shalt  }
0x4a: {  	_ =	shalt  }
0x4b: {  	_ =	shalt  }
0x4c: {  	_ =	shalt  }
0x4d: {  	_ =	shalt  }
0x4e: {  	_ =	shalt  }
0x4f: {  	_ =	shalt  }
0x50: {  	_ =	shalt  }
0x51: {  	_ =	shalt  }
0x52: {  	_ =	shalt  }
0x53: {  	_ =	shalt  }
0x54: {  	_ =	shalt  }
0x55: {  	_ =	shalt  }
0x56: {  	_ =	shalt  }
0x57: {  	_ =	shalt  }
0x58: {  	_ =	shalt  }
0x59: {  	_ =	shalt  }
0x5a: {  	_ =	shalt  }
0x5b: {  	_ =	shalt  }
0x5c: {  	_ =	shalt  }
0x5d: {  	_ =	shalt  }
0x5e: {  	_ =	shalt  }
0x5f: {  	_ =	shalt  }
0x60: {  	_ =	shalt  }
0x61: {  	_ =	shalt  }
0x62: {  	_ =	shalt  }
0x63: {  	_ =	shalt  }
0x64: {  	_ =	shalt  }
0x65: {  	_ =	shalt  }
0x66: {  	_ =	shalt  }
0x67: {  	_ =	shalt  }
0x68: {  	_ =	shalt  }
0x69: {  	_ =	shalt  }
0x6a: {  	_ =	shalt  }
0x6b: {  	_ =	shalt  }
0x6c: {  	_ =	shalt  }
0x6d: {  	_ =	shalt  }
0x6e: {  	_ =	shalt  }
0x6f: {  	_ =	shalt  }
0x70: {  	_ =	shalt  }
0x71: {  	_ =	shalt  }
0x72: {  	_ =	shalt  }
0x73: {  	_ =	shalt  }
0x74: {  	_ =	shalt  }
0x75: {  	_ =	shalt  }
0x76: {  	_ =	shalt  }
0x77: {  	_ =	shalt  }
0x78: {  	_ =	shalt  }
0x79: {  	_ =	shalt  }
0x7a: {  	_ =	shalt  }
0x7b: {  	_ =	shalt  }
0x7c: {  	_ =	shalt  }
0x7d: {  	_ =	shalt  }
0x7e: {  	_ =	shalt  }
0x7f: {  	_ =	shalt  }
0x80: {  	_ =	shalt  }
0x81: {  	_ =	shalt  }
0x82: {  	_ =	shalt  }
0x83: {  	_ =	shalt  }
0x84: {  	_ =	shalt  }
0x85: {  	_ =	shalt  }
0x86: {  	_ =	shalt  }
0x87: {  	_ =	shalt  }
.Lfunc_end0:
.L_simem_size_0:
called_computation_lowered:
.L_overlay_start_0:
0x88: {  	s2 =	sld [smem:$0x3FD9]  }
0x89: {  	s3 =	sld [smem:$0x3FFE];
	_ =	sdelay $0x1  }
0x8a: {  	s1 =	srdreg.scid  }
0x8b: {  	s0 =	sand.u32 $0x1, s1  }
0x8c: {  	s17 =	sshll.u32 s0, $0xA;
	s2 =	sadd.s32 s3, s2  }
0x8d: {  	s2 =	sadd.s32 s2, s17  }
0x8e: {  	[smem:$0x3FC4] =	sst s2  }
0x8f: {  	_ = 	snop  }
0x90: {  	s2 =	sld [smem:$0x3FD0];
	(tm) =	ssettm $0x1  }
0x91: {  	s18 =	sld [smem:$0x3FFB];
	_ =	sdelay $0x3  }
0x92: {  	_ =	strace s18  }
0x93: {  	s3 =	sld [smem:$0x3FFC];
	_ =	sdelay $0x3  }
0x94: {  	_ =	strace s3  }
0x95: {  	s3 =	sld [smem:$0x3FFD];
	_ =	sdelay $0x3  }
0x96: {  	_ =	strace s3  }
0x97: {  	_ =	strace $0x8FFFFFFF  }
0x98: {  	s19 =	sld [smem:$0x3FDB];
	_ =	sdelay $0x1  }
0x99: {  	s4 =	simm.s32 $_scs_section_size  }
0x9a: {  	s5 =	simm.s32 $_size__tile_overlayer_lowered;
	s6 =	simm.s32 $_tile_overlayer_lowered  }
0x9b: {  	s22 =	simm.s32 $0x1BFF;
	s21 =	sshll.u32 s6, $0x1;
	s3 =	sadd.s32 s4, s19  }
0x9c: {  	s7 =	simm.s32 $0x0;
	s20 =	sshll.u32 s5, $0x1;
	s5 =	sadd.s32 s21, s3  }
0x9d: {  	[timem:s7], [sflag:s22] =	dma.local [hbm:s5], s20  }
0x9e: {  	_ =	swait.ge [sflag:s22], s20  }
0x9f: {  	s4 =	ssub.s32 $0x0, s20;
	[sflag:s22] =	ssyncset.done $0x0  }
0xa0: {  	[sflag:s22] =	ssyncadd.s32 s4;
	_ =	sdelay $0x1  }
0xa1: {  	s23 =	simm.s32 $0x1B8B  }
0xa2: {  	_ =	swait.ge [sflag:s23], $0x1  }
0xa3: {  	[sflag:s23] =	ssyncset.done $0x0  }
0xa4: {  	s25 =	simm.s32 $0x1B8E;
	s24 =	sld [smem:$0x3FFE];
	[sflag:s23] =	ssyncadd.s32 $0xFFFFFFFF  }
0xa5: {  	s26 =	simm.s32 $execute0_lowered;
	[smem:$0x3FD2] =	sst s25  }
0xa6: {  	s5 =	sshll.u32 s26, $0x1;
	_ =	strace $0x80000046;
	[dreg:$0x1] =	wrdreg $0xFFFFFFFF  }
0xa7: {  	s28 =	simm.s32 $_size_execute0_lowered;
	s3 =	sadd.s32 s3, s5;
	[dreg:$0x0] =	wrdreg $0x0  }
0xa8: {  	s5 =	sshll.u32 s28, $0x1;
	[dreg:$0x2] =	wrdreg s3  }
0xa9: {  	[dreg:$0x3] =	wrdreg s5  }
0xaa: {  	[dreg:$0x4] =	wrdreg $0xC0  }
0xab: {  	_ =	task [dreg:s7], $0x5FFFF  }
0xac: {  	[dreg:$0x1] =	wrdreg $0xFFFFFFFF  }
0xad: {  	[dreg:$0x0] =	wrdreg $0x60  }
0xae: {  	[dreg:$0x2] =	wrdreg s2  }
0xaf: {  	[dreg:$0x3] =	wrdreg s24  }
0xb0: {  	[dreg:$0x4] =	wrdreg $0x53000  }
0xb1: {  	[dreg:$0x5] =	wrdreg $0x9  }
0xb2: {  	_ =	task.clear_ibuf [dreg:s7], $0x6FFFF;
	_ =	strace $0x90000046  }
0xb3: {  	s29 =	simm.s32 $0x9;
	_ =	strace $0x80000048  }
0xb4: {  	_ =	swait.ge [sflag:s29], $0x1  }
0xb5: {  	[sflag:s29] =	ssyncadd.s32 $0xFFFFFFFF  }
0xb6: {  	_ =	strace $0x90000048  }
0xb7: {  	_ =	sfence  }
0xb8: {  	s30 =	sld [smem:$0x0];
	_ =	sdelay $0x2  }
0xb9: {  	s31 =	sshll.u32 s1, $0xD;
	s1 =	sshrl.u32 s1, $0x2  }
0xba: {  	s3 =	sand.u32 $0x4000, s31;
	s1 =	sadd.s32 s1, s30  }
0xbb: {  	s0 =	sor.u32 s3, s0;
	s1 =	sshll.u32 s1, $0x11  }
0xbc: {  	s0 =	sor.u32 s1, s0  }
0xbd: {  	s0 =	sadd.s32 $0x8F2B, s0  }
0xbe: {  	[sflag:s0] =	ssyncadd.remote.s32 $0x1  }
0xbf: {  	_ =	sfence.sel $0xFFFF  }
0xc0: {  	[dreg:$0x0] =	wrdreg $0xFFFFFFFF;
	(pc) =	sbr.abs _section_cstart, $3  }
0xc1: {  	[dreg:$0x1] =	wrdreg $0xFFFFFFFF  }
0xc2: {  	_ =	task.clear_ibuf [dreg:s7], $0x2FFFF;
	_ =	strace $0x9FFFFFFF  }
0xc3: {  	(tm) =	ssettm $0x7FFFFFFF  }
tec
execute0_lowered:
.L_overlay_start_1:
0x0: {  	(tag) =	ssettag $0x1  }
0x1: {  	s4 =	rddreg [dreg:$0x0]  }
0x2: {  	s5 =	rddreg [dreg:$0x1];
	s0 =	srdreg.scid  }
0x3: {  	s2 =	rddreg [dreg:$0x2];
	s1 =	stileid.u32  }
0x4: {  	s3 =	simm.s32 $0x0;
	s12 =	simm.s32 $0x3;
	s13 =	simm.s32 $0x1  }
0x5: {  	s14 =	simm.s32 $0x80;
	s15 =	simm.s32 $0x5000;
	s18 =	simm.s32 $0x20  }
0x6: {  	s19 =	simm.s32 $0x10;
	s20 =	simm.s32 $0x2;
	s21 =	simm.s32 $0x0  }
0x7: {  	s6 =	sand.u32 $0x1, s0;
	s0 =	rddreg [dreg:$0x3];
	s7 =	smul.u32 $0x500, s1  }
0x8: {  	[smem:$0x7FF] =	sst s3;
	s28 =	smul.u32 $0xA00, s1;
	s16 =	sshll.u32 s1, $0x6  }
0x9: {  	s8 =	sshll.u32 s6, $0x4;
	s9 =	sshll.u32 s6, $0x7;
	_ =	strace $0x80000047  }
0xa: {  	s6 =	ssub.s32 $0x2, s6;
	s16 =	sor.u32 $0x1C03, s16;
	s8 =	sor.u32 s1, s8  }
0xb: {  	s7 =	sor.u32 s9, s7;
	s30 =	sshrl.u32 s6, $0x1;
	s31 =	sshrl.u32 s28, $0x2  }
0xc: {  	s8 =	smul.u32 $0x2800, s8;
	s7 =	sshrl.u32 s7, $0x3;
	s11 =	ssub.s32 s6, s30  }
0xd: {  	s6 =	sadd.s32 s31, s2;
	s10 =	sadd.s32 s7, s5;
	s9 =	smax.u32 s11, $0x1  }
0xe: {  	s11 =	simm.s32 $0x5080;
	s17 =	sshrl.u32 s6, $0x3;
	s8 =	sshrl.u32 s8, $0x3  }
0xf: {  	s29 =	sadd.s32 s8, s5;
	s4 =	sadd.s32 s4, s8;
	s8 =	sadd.s32 $0x2800, s10  }
0x10: {  	v0 =	vimm.f32 $1.000000000e+00;
	v1 =	vimm.f32 $0.0e+00;
	s10 =	simm.s32 $0x2800;
	s5 =	sadd.s32 $0xA000, s4;
	s7 =	sadd.s32 $0x3200, s29  }
.LBB2_1:
0x11: {  	[tilespmem:s3], [sflag:$0x1] =	stream.linear.gather [hbm4b:s4+s3], $0x2800, $0x38;
	[tilespmem:$0x5580] =	vst v63  }
0x12: {  	_ = 	snop  }
0x13: {  	[tilespmem:s10], [sflag:$0x1] =	stream.linear.gather [hbm4b:s5+s3], $0x2800, $0x38;
	[tilespmem:$0x5580] =	vst v63  }
0x14: {  	[tilespmem:$0x5000] =	vst v0  }
0x15: {  	[tilespmem:$0x5010] =	vst v0  }
0x16: {  	[tilespmem:$0x5020] =	vst v0  }
0x17: {  	[tilespmem:$0x5030] =	vst v0  }
0x18: {  	[tilespmem:$0x5040] =	vst v0  }
0x19: {  	[tilespmem:$0x5050] =	vst v0  }
0x1a: {  	[tilespmem:$0x5060] =	vst v0  }
0x1b: {  	[tilespmem:$0x5070] =	vst v0  }
0x1c: {  	[tilespmem:$0x5080] =	vst v1  }
0x1d: {  	[tilespmem:$0x5090] =	vst v1  }
0x1e: {  	[tilespmem:$0x50A0] =	vst v1  }
0x1f: {  	[tilespmem:$0x50B0] =	vst v1  }
0x20: {  	[tilespmem:$0x50C0] =	vst v1  }
0x21: {  	[tilespmem:$0x50D0] =	vst v1  }
0x22: {  	[tilespmem:$0x50E0] =	vst v1  }
0x23: {  	[tilespmem:$0x50F0] =	vst v1  }
0x24: {  	[tilespmem:$0x5100] =	vst v1  }
0x25: {  	[tilespmem:$0x5110] =	vst v1  }
0x26: {  	[tilespmem:$0x5120] =	vst v1  }
0x27: {  	[tilespmem:$0x5130] =	vst v1  }
0x28: {  	[tilespmem:$0x5140] =	vst v1  }
0x29: {  	[tilespmem:$0x5150] =	vst v1  }
0x2a: {  	[tilespmem:$0x5160] =	vst v1  }
0x2b: {  	[tilespmem:$0x5170] =	vst v1  }
0x2c: {  	[tilespmem:$0x5180] =	vst v1  }
0x2d: {  	[tilespmem:$0x5190] =	vst v1  }
0x2e: {  	[tilespmem:$0x51A0] =	vst v1  }
0x2f: {  	[tilespmem:$0x51B0] =	vst v1  }
0x30: {  	[tilespmem:$0x51C0] =	vst v1  }
0x31: {  	[tilespmem:$0x51D0] =	vst v1  }
0x32: {  	[tilespmem:$0x51E0] =	vst v1  }
0x33: {  	[tilespmem:$0x51F0] =	vst v1  }
0x34: {  	[tilespmem:$0x5200] =	vst v1  }
0x35: {  	[tilespmem:$0x5210] =	vst v1  }
0x36: {  	[tilespmem:$0x5220] =	vst v1  }
0x37: {  	[tilespmem:$0x5230] =	vst v1  }
0x38: {  	[tilespmem:$0x5240] =	vst v1  }
0x39: {  	[tilespmem:$0x5250] =	vst v1  }
0x3a: {  	[tilespmem:$0x5260] =	vst v1  }
0x3b: {  	[tilespmem:$0x5270] =	vst v1  }
0x3c: {  	[tilespmem:$0x5280] =	vst v1  }
0x3d: {  	[tilespmem:$0x5290] =	vst v1  }
0x3e: {  	[tilespmem:$0x52A0] =	vst v1  }
0x3f: {  	[tilespmem:$0x52B0] =	vst v1  }
0x40: {  	[tilespmem:$0x52C0] =	vst v1  }
0x41: {  	[tilespmem:$0x52D0] =	vst v1  }
0x42: {  	[tilespmem:$0x52E0] =	vst v1  }
0x43: {  	[tilespmem:$0x52F0] =	vst v1  }
0x44: {  	[spmem:s6] =	stream.linear.scatter [tilespmem:s11], [sflag:$0x3], $0x280, $0x38;
	[tilespmem:$0x5580] =	vst v63  }
0x45: {  	_ =	swait.ge [sflag:s12], $0x280  }
0x46: {  	[sflag:s12] =	ssyncset.done $0x0  }
0x47: {  	[sflag:s12] =	ssyncadd.s32 $0xFFFFFD80  }
0x48: {  	_ =	swait.ge [sflag:s13], $0x2800  }
0x49: {  	[sflag:s13] =	ssyncset.done $0x0  }
0x4a: {  	[sflag:s13] =	ssyncadd.s32 $0xFFFFD800  }
0x4b: {  	_ =	swait.ge [sflag:s13], $0x2800  }
0x4c: {  	[sflag:s13] =	ssyncset.done $0x0  }
0x4d: {  	[sflag:s13] =	ssyncadd.s32 $0xFFFFD800  }
0x4e: {  	s22 =	simm.s32 $0x0;
	[bflag:$0x0] =	sbarrier.arrive $0xFFFF  }
.LBB2_2:
0x4f: {  	p0 =	sne.s32 s22, $0x9E00  }
.Ltmp0:
0x50: {  	_ = 	snop;
	(pc) =	sbr.rel @p0 .LBB2_2-.Ltmp0, $4  }
0x51: {  	_ = 	snop  }
0x52: {  	s23 =	sshra.s32 s22, $0x2  }
0x53: {  	s22 =	sadd.s32 $0x200, s22;
	s23 =	sadd.s32 $0x2800, s23  }
0x54: {  	[spmem:s2] =	stream.indirect.scatter.add.f32 [tilespmem:s15], [sflag:$0x1], $0x1, s23, s14, $0xb8;
	[tilespmem:$0x5580] =	vst v63  }
0x55: {  	s22 =	simm.s32 $0x0  }
0x56: {  	v8 =	vld [tilespmem:s22+$0x2800]  }
0x57: {  	v14 =	vld [tilespmem:s22+$0x2810]  }
0x58: {  	v7 =	vld [tilespmem:s22+$0x2820]  }
0x59: {  	v6 =	vld [tilespmem:s22+$0x2830]  }
0x5a: {  	v5 =	vld [tilespmem:s22+$0x2840]  }
0x5b: {  	v4 =	vld [tilespmem:s22+$0x2850]  }
0x5c: {  	v3 =	vld [tilespmem:s22+$0x2860]  }
0x5d: {  	v2 =	vld [tilespmem:s22+$0x2870]  }
0x5e: {  	v13 =	vld [tilespmem:s22+$0x0]  }
0x5f: {  	v12 =	vld [tilespmem:s22+$0x10]  }
0x60: {  	v11 =	vld [tilespmem:s22+$0x20]  }
0x61: {  	v10 =	vld [tilespmem:s22+$0x30]  }
0x62: {  	v9 =	vld [tilespmem:s22+$0x40];
	v8 =	vshll.u32 v8, $0x10  }
0x63: {  	s23 =	simm.s32 $0x200;
	v14 =	vshll.u32 v14, $0x10;
	v13 =	vor.u32 v13, v8;
	v8 =	vld [tilespmem:s22+$0x50]  }
.LBB2_4:
0x64: {  	p0 =	sne.s32 s23, $0x9E00;
	[tilespmem:s22+$0x0] =	vst v13;
	v12 =	vor.u32 v12, v14;
	v7 =	vshll.u32 v7, $0x10;
	v13 =	vld [tilespmem:s22+$0x60]  }
0x65: {  	s24 =	sshra.s32 s23, $0x2;
	v6 =	vshll.u32 v6, $0x10;
	[tilespmem:s22+$0x10] =	vst v12;
	v7 =	vor.u32 v11, v7;
	v11 =	vld [tilespmem:s22+$0x70]  }
0x66: {  	v5 =	vshll.u32 v5, $0x10;
	v14 =	vld [tilespmem:s24+$0x2800];
	[tilespmem:s22+$0x20] =	vst v7;
	v6 =	vor.u32 v10, v6  }
0x67: {  	v4 =	vshll.u32 v4, $0x10;
	v15 =	vld [tilespmem:s24+$0x2810];
	[tilespmem:s22+$0x30] =	vst v6;
	v5 =	vor.u32 v9, v5  }
0x68: {  	v3 =	vshll.u32 v3, $0x10;
	v7 =	vld [tilespmem:s24+$0x2820];
	[tilespmem:s22+$0x40] =	vst v5;
	v4 =	vor.u32 v8, v4  }
0x69: {  	v2 =	vshll.u32 v2, $0x10;
	v6 =	vld [tilespmem:s24+$0x2830];
	[tilespmem:s22+$0x50] =	vst v4;
	v3 =	vor.u32 v13, v3  }
0x6a: {  	v5 =	vld [tilespmem:s24+$0x2840];
	[tilespmem:s22+$0x60] =	vst v3;
	v2 =	vor.u32 v11, v2  }
0x6b: {  	v4 =	vld [tilespmem:s24+$0x2850];
	[tilespmem:s22+$0x70] =	vst v2;
	s22 =	smov.u32 s24  }
0x6c: {  	v3 =	vld [tilespmem:s22+$0x2860]  }
0x6d: {  	v2 =	vld [tilespmem:s22+$0x2870]  }
0x6e: {  	v8 =	vld [tilespmem:s22+$0x0]  }
.Ltmp1:
0x6f: {  	v12 =	vld [tilespmem:s22+$0x10];
	(pc) =	sbr.rel @p0 .LBB2_4-.Ltmp1, $4  }
0x70: {  	v11 =	vld [tilespmem:s22+$0x20]  }
0x71: {  	v10 =	vld [tilespmem:s22+$0x30]  }
0x72: {  	v13 =	vshll.u32 v14, $0x10;
	v9 =	vld [tilespmem:s22+$0x40]  }
0x73: {  	s23 =	sadd.s32 $0x200, s23;
	v14 =	vshll.u32 v15, $0x10;
	v13 =	vor.u32 v8, v13;
	v8 =	vld [tilespmem:s22+$0x50]  }
0x74: {  	[tilespmem:s22+$0x0] =	vst v13;
	v12 =	vor.u32 v12, v14;
	v62 =	vld [tilespmem:s22+$0x60];
	v7 =	vshll.u32 v7, $0x10  }
0x75: {  	v6 =	vshll.u32 v6, $0x10;
	v63 =	vld [tilespmem:s22+$0x70];
	[tilespmem:s22+$0x10] =	vst v12;
	v7 =	vor.u32 v11, v7  }
0x76: {  	v5 =	vshll.u32 v5, $0x10;
	[tilespmem:s22+$0x20] =	vst v7;
	v6 =	vor.u32 v10, v6  }
0x77: {  	v4 =	vshll.u32 v4, $0x10;
	[tilespmem:s22+$0x30] =	vst v6;
	v5 =	vor.u32 v9, v5  }
0x78: {  	v3 =	vshll.u32 v3, $0x10;
	[tilespmem:s22+$0x40] =	vst v5;
	v4 =	vor.u32 v8, v4  }
0x79: {  	v2 =	vshll.u32 v2, $0x10;
	[tilespmem:s22+$0x50] =	vst v4;
	v3 =	vor.u32 v62, v3  }
0x7a: {  	v2 =	vor.u32 v63, v2;
	[tilespmem:s22+$0x60] =	vst v3  }
0x7b: {  	[tilespmem:s22+$0x70] =	vst v2  }
0x7c: {  	[hbm4b:s7+s3] =	stream.linear.scatter [tilespmem:s3], [sflag:$0x2], $0x2800, $0x38;
	[tilespmem:$0x5580] =	vst v63  }
0x7d: {  	_ =	swait.ge [sflag:s13], $0x80  }
0x7e: {  	s22 =	simm.s32 $0x4F;
	[sflag:s13] =	ssyncset.done $0x0  }
.LBB2_6:
0x7f: {  	p0 =	sne.s32 s22, $0x1;
	s22 =	sadd.s32 $0xFFFFFFFF, s22;
	[sflag:s13] =	ssyncadd.s32 $0xFFFFFF80  }
.Ltmp2:
0x80: {  	(pc) =	sbr.rel @p0 .LBB2_6-.Ltmp2, $3  }
0x81: {  	_ =	sdelay $0x1  }
0x82: {  	_ =	swait.ge [sflag:s13], $0x80  }
0x83: {  	[sflag:s13] =	ssyncset.done $0x0  }
0x84: {  	[sflag:s13] =	ssyncadd.s32 $0xFFFFFF80  }
0x85: {  	s21 =	sadd.s32 $0x1, s21;
	[bflag:$0x0] =	sbarrier.arrive $0xFFFF  }
0x86: {  	[hbm:s8@s18], [sflag:s16] =	dma.strided [spmem:s17@s19], $0x50, s13, $0x10   }
0x87: {  	p0 =	sne.s32 s21, s9;
	_ =	swait.ge [sflag:s12], $0x50  }
.Ltmp3:
0x88: {  	[sflag:s12] =	ssyncset.done $0x0;
	(pc) =	sbr.rel @p0 .LBB2_1-.Ltmp3, $4  }
0x89: {  	[sflag:s12] =	ssyncadd.s32 $0xFFFFFFB0  }
0x8a: {  	_ =	swait.ge [sflag:s20], $0x2800  }
0x8b: {  	[sflag:s20] =	ssyncset.done $0x0  }
0x8c: {  	[sflag:s20] =	ssyncadd.s32 $0xFFFFD800  }
0x8d: {  	_ =	sfence.sel $0x180000  }
0x8e: {  	[bflag:$0x0] =	sbarrier.arrive $0xFFFF  }
0x8f: {  	p0 =	sne.s32 s1, $0x0;
	_ =	strace $0x90000047  }
0x90: {  	s0 =	sadd.s32 @!p0 $0x100000, s0;
	[bflag:$0x2] =	sbarrier.arrive $0xFFFF  }
0x91: {  	[sflag:s0] =	ssyncadd.tile.s32 @!p0 $0x1;
	_ =	shalt  }
.Lfunc_end2:
_tile_overlayer_lowered:
.L_overlay_start_2:
0x92: {  	(tag) =	ssettag $0x2  }
0x93: {  	s0 =	rddreg [dreg:$0x0];
	s2 =	stileid.u32  }
0x94: {  	s1 =	rddreg [dreg:$0x1];
	p0 =	sne.s32 s2, $0x0  }
0x95: {  	s3 =	rddreg [dreg:$0x2];
	[bflag:$0x3] =	sbarrier.arrive $0xFFFF;
	s2 =	simm.s32 @!p0 $0x1C03  }
0x96: {  	[timem:s3], [sflag:s2] =	dma.local @!p0 [hbm:s0], s1  }
0x97: {  	s0 =	simm.s32 @!p0 $0x3  }
0x98: {  	_ =	swait.ge @!p0 [sflag:s0], s1  }
0x99: {  	s1 =	ssub.s32 @!p0 $0x0, s1;
	[sflag:s0] =	ssyncset.done @!p0 $0x0  }
0x9a: {  	[sflag:s0] =	ssyncadd.s32 @!p0 s1  }
0x9b: {  	[bflag:$0x3] =	sbarrier.arrive $0xFFFF  }
0x9c: {  	_ =	shalt  }

// kernel: kernel.9.cloned.1.call-start
scs
__scs_entry_jumppad:
0x0: {  	(pc) =	sbr.rel $0x88, $3  }
0x1: {  	(tag) =	ssettag $0x0;
	lr =	simm.s32 $0x1  }
0x2: {  	[smem:$0x3F9D] =	sst lr;
	_ =	strace $0xD0000000  }
0x3: {  	_ = 	snop  }
0x4: {  	_ = 	snop  }
0x5: {  	_ = 	snop  }
0x6: {  	_ = 	snop  }
0x7: {  	_ = 	snop  }
__scs_overlays_trampoline_lowered:
0x8: {  	[smem:$0x3FAC] =	sst s0  }
0x9: {  	[smem:$0x3FAD] =	sst s1  }
0xa: {  	[smem:$0x3FAE] =	sst s2  }
0xb: {  	[smem:$0x3FAF] =	sst s3  }
0xc: {  	[smem:$0x3FB0] =	sst s4  }
0xd: {  	[smem:$0x3FB1] =	sst s5  }
0xe: {  	[smem:$0x3FB2] =	sst s6  }
0xf: {  	[smem:$0x3FB3] =	sst s7  }
0x10: {  	[smem:$0x3FB4] =	sst s8  }
0x11: {  	[smem:$0x3FB5] =	sst s9;
	s0 =	simm.s32 @!p0 $0x0  }
0x12: {  	s1 =	sld [smem:$0x3F9B];
	s0 =	simm.s32 @p0 $0x1  }
0x13: {  	[smem:$0x3FB6] =	sst s0;
	s0 =	simm.s32 @!p1 $0x0  }
0x14: {  	s2 =	sld [smem:$0x3F9A];
	s0 =	simm.s32 @p1 $0x1  }
0x15: {  	[smem:$0x3FB7] =	sst s0;
	s0 =	simm.s32 @!p2 $0x0  }
0x16: {  	s3 =	sld [smem:$0x3FDB];
	s0 =	simm.s32 @p2 $0x1  }
0x17: {  	s4 =	simm.s32 $0x1BF5;
	[smem:$0x3FB9] =	sst s0  }
0x18: {  	s0 =	sld [smem:$0x3F9C];
	_ =	swait.ge [sflag:s4], $0x0  }
0x19: {  	s7 =	sld [smem:$0x3F9D]  }
0x1a: {  	s8 =	sadd.s32 $0xFFFFE003, lr  }
0x1b: {  	s9 =	sadd.s32 $0xFFFFFEF7, lr;
	s5 =	simm.s32 $0xFFFFFFFF;
	p2 =	slt.u32 s8, $0xFFFFF086  }
0x1c: {  	p1 =	slt.u32 s9, $0xF7A;
	s5 =	simm.s32 @!p2 $0x0  }
0x1d: {  	s5 =	simm.s32 @p1 $0x1;
	p0 =	seq.s32 s7, s2  }
0x1e: {  	s7 =	smul.u32 @!p0 $0xF7A, s2;
	p2 =	seq.s32 @!p0 s5, $0x0  }
0x1f: {  	s9 =	smul.u32 $0xF7A, s1;
	s8 =	simm.s32 @!p0 $0x1BF5;
	p2 =	por !p2, p0  }
0x20: {  	[sflag:s8] =	ssyncset.s32 @!p0 $0xFFFFF086;
	s6 =	sadd.s32 @!p0 s3, s7;
	s7 =	simm.s32 @!p0 $0x108  }
0x21: {  	s3 =	sadd.s32 s3, s9;
	s6 =	sadd.s32 @!p0 $0x88, s6;
	s7 =	simm.s32 @p2 $0x1082  }
0x22: {  	[simem:s7], [sflag:s8] =	dma.local @!p0 [hbm:s6], $0xF7A  }
0x23: {  	s9 =	sor.u32 $0xD0000000, s2;
	s6 =	simm.s32 $0x108;
	_ =	swait.ge @!p0 [sflag:s8], $0x0  }
0x24: {  	s3 =	sadd.s32 $0x88, s3;
	s6 =	simm.s32 @!p1 $0x1082;
	[sflag:s4] =	ssyncset.s32 $0xFFFFF086  }
0x25: {  	[simem:s6], [sflag:s4] =	dma.local [hbm:s3], $0xF7A  }
0x26: {  	[smem:$0x3F9D] =	sst s1;
	(tag) =	ssettag s2;
	_ =	strace s9  }
0x27: {  	s1 =	sld [smem:$0x3FAD]  }
0x28: {  	s2 =	sld [smem:$0x3FAE]  }
0x29: {  	s4 =	sld [smem:$0x3FB0]  }
0x2a: {  	p0 =	seq.s32 s5, $0x0;
	s5 =	sld [smem:$0x3FB1]  }
0x2b: {  	s6 =	sld [smem:$0x3FB2]  }
0x2c: {  	s7 =	sld [smem:$0x3FB3]  }
0x2d: {  	s3 =	simm.s32 $0x108;
	s8 =	sld [smem:$0x3FB4]  }
0x2e: {  	s3 =	simm.s32 @!p0 $0x1082;
	s9 =	sld [smem:$0x3FB5]  }
0x2f: {  	lr =	sadd.s32 s0, s3;
	s0 =	sld [smem:$0x3FAC]  }
0x30: {  	s3 =	sld [smem:$0x3FAF]  }
0x31: {  	[smem:$0x3FB8] =	sst s10  }
0x32: {  	s10 =	sld [smem:$0x3FB6];
	_ =	sdelay $0x3  }
0x33: {  	p0 =	seq.s32 s10, $0x1;
	s10 =	sld [smem:$0x3FB8];
	_ =	sdelay $0x3  }
0x34: {  	[smem:$0x3FB8] =	sst s10  }
0x35: {  	s10 =	sld [smem:$0x3FB7];
	_ =	sdelay $0x3  }
0x36: {  	p1 =	seq.s32 s10, $0x1;
	s10 =	sld [smem:$0x3FB8];
	_ =	sdelay $0x3  }
0x37: {  	[smem:$0x3FB8] =	sst s10  }
0x38: {  	s10 =	sld [smem:$0x3FB9]  }
0x39: {  	_ = 	snop;
	(pc) =	sbr.ind lr, $3  }
0x3a: {  	_ = 	snop  }
0x3b: {  	_ = 	snop  }
0x3c: {  	p2 =	seq.s32 s10, $0x1;
	s10 =	sld [smem:$0x3FB8]  }
0x3d: {  	_ =	shalt  }
0x3e: {  	_ =	shalt  }
0x3f: {  	_ =	shalt  }
0x40: {  	_ =	shalt  }
0x41: {  	_ =	shalt  }
0x42: {  	_ =	shalt  }
0x43: {  	_ =	shalt  }
0x44: {  	_ =	shalt  }
0x45: {  	_ =	shalt  }
0x46: {  	_ =	shalt  }
0x47: {  	_ =	shalt  }
0x48: {  	_ =	shalt  }
0x49: {  	_ =	shalt  }
0x4a: {  	_ =	shalt  }
0x4b: {  	_ =	shalt  }
0x4c: {  	_ =	shalt  }
0x4d: {  	_ =	shalt  }
0x4e: {  	_ =	shalt  }
0x4f: {  	_ =	shalt  }
0x50: {  	_ =	shalt  }
0x51: {  	_ =	shalt  }
0x52: {  	_ =	shalt  }
0x53: {  	_ =	shalt  }
0x54: {  	_ =	shalt  }
0x55: {  	_ =	shalt  }
0x56: {  	_ =	shalt  }
0x57: {  	_ =	shalt  }
0x58: {  	_ =	shalt  }
0x59: {  	_ =	shalt  }
0x5a: {  	_ =	shalt  }
0x5b: {  	_ =	shalt  }
0x5c: {  	_ =	shalt  }
0x5d: {  	_ =	shalt  }
0x5e: {  	_ =	shalt  }
0x5f: {  	_ =	shalt  }
0x60: {  	_ =	shalt  }
0x61: {  	_ =	shalt  }
0x62: {  	_ =	shalt  }
0x63: {  	_ =	shalt  }
0x64: {  	_ =	shalt  }
0x65: {  	_ =	shalt  }
0x66: {  	_ =	shalt  }
0x67: {  	_ =	shalt  }
0x68: {  	_ =	shalt  }
0x69: {  	_ =	shalt  }
0x6a: {  	_ =	shalt  }
0x6b: {  	_ =	shalt  }
0x6c: {  	_ =	shalt  }
0x6d: {  	_ =	shalt  }
0x6e: {  	_ =	shalt  }
0x6f: {  	_ =	shalt  }
0x70: {  	_ =	shalt  }
0x71: {  	_ =	shalt  }
0x72: {  	_ =	shalt  }
0x73: {  	_ =	shalt  }
0x74: {  	_ =	shalt  }
0x75: {  	_ =	shalt  }
0x76: {  	_ =	shalt  }
0x77: {  	_ =	shalt  }
0x78: {  	_ =	shalt  }
0x79: {  	_ =	shalt  }
0x7a: {  	_ =	shalt  }
0x7b: {  	_ =	shalt  }
0x7c: {  	_ =	shalt  }
0x7d: {  	_ =	shalt  }
0x7e: {  	_ =	shalt  }
0x7f: {  	_ =	shalt  }
0x80: {  	_ =	shalt  }
0x81: {  	_ =	shalt  }
0x82: {  	_ =	shalt  }
0x83: {  	_ =	shalt  }
0x84: {  	_ =	shalt  }
0x85: {  	_ =	shalt  }
0x86: {  	_ =	shalt  }
0x87: {  	_ =	shalt  }
.Lfunc_end0:
.L_simem_size_0:
called_computation.1_lowered:
.L_overlay_start_0:
0x88: {  	s2 =	sld [smem:$0x3FD9]  }
0x89: {  	s3 =	sld [smem:$0x3FFE];
	_ =	sdelay $0x1  }
0x8a: {  	s1 =	srdreg.scid  }
0x8b: {  	s0 =	sand.u32 $0x1, s1  }
0x8c: {  	s16 =	sshll.u32 s0, $0xA;
	s2 =	sadd.s32 s3, s2  }
0x8d: {  	s2 =	sadd.s32 s2, s16  }
0x8e: {  	[smem:$0x3FC4] =	sst s2  }
0x8f: {  	_ = 	snop  }
0x90: {  	(tm) =	ssettm $0x1  }
0x91: {  	s17 =	sld [smem:$0x3FFB];
	_ =	sdelay $0x3  }
0x92: {  	_ =	strace s17  }
0x93: {  	s2 =	sld [smem:$0x3FFC];
	_ =	sdelay $0x3  }
0x94: {  	_ =	strace s2  }
0x95: {  	s2 =	sld [smem:$0x3FFD];
	_ =	sdelay $0x3  }
0x96: {  	_ =	strace s2  }
0x97: {  	_ =	strace $0x8FFFFFFF  }
0x98: {  	s18 =	sld [smem:$0x3FDB];
	_ =	sdelay $0x1  }
0x99: {  	s19 =	simm.s32 $_scs_section_size  }
0x9a: {  	s4 =	simm.s32 $_size__tile_overlayer_lowered;
	s5 =	simm.s32 $_tile_overlayer_lowered  }
0x9b: {  	s22 =	simm.s32 $0x1BFF;
	s21 =	sshll.u32 s5, $0x1;
	s2 =	sadd.s32 s19, s18  }
0x9c: {  	s6 =	simm.s32 $0x0;
	s20 =	sshll.u32 s4, $0x1;
	s4 =	sadd.s32 s21, s2  }
0x9d: {  	[timem:s6], [sflag:s22] =	dma.local [hbm:s4], s20  }
0x9e: {  	_ =	swait.ge [sflag:s22], s20  }
0x9f: {  	s3 =	ssub.s32 $0x0, s20;
	[sflag:s22] =	ssyncset.done $0x0  }
0xa0: {  	[sflag:s22] =	ssyncadd.s32 s3;
	_ =	sdelay $0x1  }
0xa1: {  	s23 =	simm.s32 $0x1B8B  }
0xa2: {  	_ =	swait.ge [sflag:s23], $0x1  }
0xa3: {  	[sflag:s23] =	ssyncset.done $0x0  }
0xa4: {  	s25 =	simm.s32 $0x1B8E;
	s24 =	sld [smem:$0x3FFE];
	[sflag:s23] =	ssyncadd.s32 $0xFFFFFFFF  }
0xa5: {  	s26 =	simm.s32 $execute0_lowered;
	[smem:$0x3FD2] =	sst s25  }
0xa6: {  	s4 =	sshll.u32 s26, $0x1;
	_ =	strace $0x80000049;
	[dreg:$0x1] =	wrdreg $0xFFFFFFFF  }
0xa7: {  	s28 =	simm.s32 $_size_execute0_lowered;
	s2 =	sadd.s32 s2, s4;
	[dreg:$0x0] =	wrdreg $0x0  }
0xa8: {  	s4 =	sshll.u32 s28, $0x1;
	[dreg:$0x2] =	wrdreg s2  }
0xa9: {  	[dreg:$0x3] =	wrdreg s4  }
0xaa: {  	[dreg:$0x4] =	wrdreg $0xC0  }
0xab: {  	_ =	task [dreg:s6], $0x5FFFF  }
0xac: {  	[dreg:$0x1] =	wrdreg $0xFFFFFFFF  }
0xad: {  	[dreg:$0x0] =	wrdreg $0x60  }
0xae: {  	[dreg:$0x2] =	wrdreg s24  }
0xaf: {  	[dreg:$0x3] =	wrdreg $0xBC000  }
0xb0: {  	[dreg:$0x4] =	wrdreg $0x9  }
0xb1: {  	_ =	task.clear_ibuf [dreg:s6], $0x5FFFF;
	_ =	strace $0x90000049  }
0xb2: {  	s29 =	simm.s32 $0x9;
	_ =	strace $0x8000004B  }
0xb3: {  	_ =	swait.ge [sflag:s29], $0x1  }
0xb4: {  	[sflag:s29] =	ssyncadd.s32 $0xFFFFFFFF  }
0xb5: {  	_ =	strace $0x9000004B  }
0xb6: {  	_ =	sfence  }
0xb7: {  	s30 =	sld [smem:$0x0];
	_ =	sdelay $0x2  }
0xb8: {  	s31 =	sshll.u32 s1, $0xD;
	s1 =	sshrl.u32 s1, $0x2  }
0xb9: {  	s3 =	sand.u32 $0x4000, s31;
	s1 =	sadd.s32 s1, s30  }
0xba: {  	s0 =	sor.u32 s3, s0;
	s1 =	sshll.u32 s1, $0x11  }
0xbb: {  	s0 =	sor.u32 s1, s0  }
0xbc: {  	s0 =	sadd.s32 $0x8F2B, s0  }
0xbd: {  	[sflag:s0] =	ssyncadd.remote.s32 $0x1  }
0xbe: {  	_ =	sfence.sel $0xFFFF  }
0xbf: {  	[dreg:$0x0] =	wrdreg $0xFFFFFFFF;
	(pc) =	sbr.abs _section_cstart, $3  }
0xc0: {  	[dreg:$0x1] =	wrdreg $0xFFFFFFFF  }
0xc1: {  	_ =	task.clear_ibuf [dreg:s6], $0x2FFFF;
	_ =	strace $0x9FFFFFFF  }
0xc2: {  	(tm) =	ssettm $0x7FFFFFFF  }
0xc3: {  	_ =	shalt  }
tec
execute0_lowered:
.L_overlay_start_1:
0x0: {  	(tag) =	ssettag $0x1  }
0x1: {  	s0 =	srdreg.scid;
	s1 =	rddreg [dreg:$0x0]  }
0x2: {  	s8 =	stileid.u32;
	s2 =	rddreg [dreg:$0x1];
	s6 =	simm.s32 $0x0  }
0x3: {  	s11 =	simm.s32 $0x1C00;
	s14 =	simm.s32 $0x1400;
	s30 =	simm.s32 $0x1500  }
0x4: {  	s28 =	simm.s32 $0x7C00;
	s29 =	simm.s32 $0x9C00;
	s4 =	smul.u32 $0x14000, s8  }
0x5: {  	s0 =	sand.u32 $0x1, s0;
	[smem:$0x7FF] =	sst s6;
	s16 =	smul.u32 $0x50000, s8  }
0x6: {  	s7 =	sadd.s32 $0x3200, s1;
	s3 =	smul.u32 $0x140000, s0;
	s5 =	sshll.u32 s0, $0x4  }
0x7: {  	_ =	strace $0x8000004A;
	s0 =	ssub.s32 $0x2, s0;
	s5 =	sor.u32 s8, s5  }
0x8: {  	s17 =	sshrl.u32 s0, $0x1;
	s3 =	sadd.s32 s4, s3;
	s15 =	smul.u32 $0x2800, s5  }
0x9: {  	s5 =	smul.u32 $0x500, s5;
	s0 =	ssub.s32 s0, s17;
	s3 =	sshrl.u32 s3, $0x3  }
0xa: {  	s4 =	sadd.s32 $0xD200, s1;
	s0 =	smax.u32 s0, $0x1;
	s1 =	sadd.s32 s3, s1  }
0xb: {  	s6 =	sshrl.u32 s15, $0x3;
	s5 =	sadd.s32 s7, s5;
	[dreg:$0x7] =	wrdreg s0  }
0xc: {  	s3 =	sshrl.u32 s16, $0x2;
	[dreg:$0x4] =	wrdreg s5;
	s1 =	sadd.s32 $0x35200, s1  }
0xd: {  	s6 =	sadd.s32 s7, s6;
	s8 =	sadd.s32 s3, s2;
	[dreg:$0x6] =	wrdreg s1  }
0xe: {  	s9 =	simm.s32 $0x8;
	s6 =	sadd.s32 $0x280, s6;
	[dreg:$0x5] =	wrdreg s8  }
0xf: {  	s10 =	simm.s32 $0x4;
	s18 =	sadd.s32 $0x2000, s8;
	[dreg:$0x3] =	wrdreg s6  }
0x10: {  	s12 =	simm.s32 $0x9;
	s19 =	sadd.s32 $0x4000, s8;
	[dreg:$0x8] =	wrdreg s18  }
0x11: {  	s13 =	simm.s32 $0x5;
	s20 =	sadd.s32 $0x6000, s8;
	[dreg:$0x9] =	wrdreg s19  }
0x12: {  	s31 =	simm.s32 $0x7C00;
	s21 =	sadd.s32 $0x8000, s8;
	[dreg:$0xa] =	wrdreg s20  }
0x13: {  	s17 =	simm.s32 $0x1800;
	s22 =	sadd.s32 $0xA000, s8;
	[dreg:$0xb] =	wrdreg s21  }
0x14: {  	s16 =	simm.s32 $0x1600;
	s23 =	sadd.s32 $0xC000, s8;
	[dreg:$0xc] =	wrdreg s22  }
0x15: {  	s15 =	simm.s32 $0xA;
	s24 =	sadd.s32 $0xE000, s8;
	[dreg:$0xd] =	wrdreg s23  }
0x16: {  	s3 =	simm.s32 $0x2;
	s25 =	sadd.s32 $0x10000, s8;
	[dreg:$0xe] =	wrdreg s24  }
0x17: {  	s5 =	simm.s32 $0x7;
	s26 =	sadd.s32 $0x12000, s8;
	[dreg:$0xf] =	wrdreg s25  }
0x18: {  	s7 =	simm.s32 $0x3;
	[dreg:$0x10] =	wrdreg s26;
	s19 =	simm.s32 $0x1  }
0x19: {  	s20 =	simm.s32 $0x6;
	s21 =	simm.s32 $0x40;
	s18 =	simm.s32 $0x1480  }
0x1a: {  	s24 =	simm.s32 $0x3C00;
	s26 =	simm.s32 $0x5C00;
	s6 =	simm.s32 $0x1580  }
0x1b: {  	v0 =	vimm.f32 $0.0e+00;
	s22 =	simm.s32 $0x1880;
	s23 =	simm.s32 $0x1900;
	s25 =	simm.s32 $0x0  }
.LBB2_1:
0x1c: {  	s0 =	simm.s32 $0x0;
	s1 =	rddreg [dreg:$0x4]  }
0x1d: {  	[tilespmem:s0], [sflag:$0x1] =	stream.linear.gather [hbm4b:s1+s0], $0x1400, $0x38;
	[tilespmem:$0x1FC00] =	vst v63  }
0x1e: {  	[dreg:$0x11] =	wrdreg s25;
	s0 =	simm.s32 $0x0;
	s1 =	simm.s32 $0x200  }
.LBB2_2:
0x1f: {  	p0 =	sne.s32 s1, $0x7E00;
	[tilespmem:s0+$0x1C70] =	vst v0  }
0x20: {  	[tilespmem:s0+$0x1C00] =	vst v0  }
0x21: {  	[tilespmem:s0+$0x1C10] =	vst v0  }
.Ltmp0:
0x22: {  	[tilespmem:s0+$0x1C20] =	vst v0;
	(pc) =	sbr.rel @p0 .LBB2_2-.Ltmp0, $4  }
0x23: {  	[tilespmem:s0+$0x1C30] =	vst v0  }
0x24: {  	[tilespmem:s0+$0x1C40] =	vst v0  }
0x25: {  	[tilespmem:s0+$0x1C50] =	vst v0  }
0x26: {  	[tilespmem:s0+$0x1C60] =	vst v0;
	s0 =	sshra.s32 s1, $0x2;
	s1 =	sadd.s32 $0x200, s1  }
0x27: {  	[tilespmem:s0+$0x1C70] =	vst v0  }
0x28: {  	[tilespmem:s0+$0x1C00] =	vst v0  }
0x29: {  	[tilespmem:s0+$0x1C10] =	vst v0  }
0x2a: {  	[tilespmem:s0+$0x1C20] =	vst v0  }
0x2b: {  	[tilespmem:s0+$0x1C30] =	vst v0  }
0x2c: {  	[tilespmem:s0+$0x1C40] =	vst v0  }
0x2d: {  	[tilespmem:s0+$0x1C50] =	vst v0  }
0x2e: {  	[tilespmem:s0+$0x1C60] =	vst v0  }
0x2f: {  	[spmem:s8] =	stream.linear.scatter [tilespmem:s11], [sflag:$0x6], $0x2000, $0x38;
	[tilespmem:$0x1FC00] =	vst v63  }
0x30: {  	s8 =	rddreg [dreg:$0x8]  }
0x31: {  	[spmem:s8] =	stream.linear.scatter [tilespmem:s11], [sflag:$0x6], $0x2000, $0x38;
	[tilespmem:$0x1FC00] =	vst v63  }
0x32: {  	s25 =	rddreg [dreg:$0x9]  }
0x33: {  	[spmem:s25] =	stream.linear.scatter [tilespmem:s11], [sflag:$0x6], $0x2000, $0x38;
	[tilespmem:$0x1FC00] =	vst v63  }
0x34: {  	s1 =	rddreg [dreg:$0xa]  }
0x35: {  	[spmem:s1] =	stream.linear.scatter [tilespmem:s11], [sflag:$0x6], $0x2000, $0x38;
	[tilespmem:$0x1FC00] =	vst v63  }
0x36: {  	s8 =	rddreg [dreg:$0xb]  }
0x37: {  	[spmem:s8] =	stream.linear.scatter [tilespmem:s11], [sflag:$0x6], $0x2000, $0x38;
	[tilespmem:$0x1FC00] =	vst v63  }
0x38: {  	s25 =	rddreg [dreg:$0xc]  }
0x39: {  	[spmem:s25] =	stream.linear.scatter [tilespmem:s11], [sflag:$0x6], $0x2000, $0x38;
	[tilespmem:$0x1FC00] =	vst v63  }
0x3a: {  	s1 =	rddreg [dreg:$0xd]  }
0x3b: {  	[spmem:s1] =	stream.linear.scatter [tilespmem:s11], [sflag:$0x6], $0x2000, $0x38;
	[tilespmem:$0x1FC00] =	vst v63  }
0x3c: {  	s8 =	rddreg [dreg:$0xe]  }
0x3d: {  	[spmem:s8] =	stream.linear.scatter [tilespmem:s11], [sflag:$0x6], $0x2000, $0x38;
	[tilespmem:$0x1FC00] =	vst v63  }
0x3e: {  	s25 =	rddreg [dreg:$0xf]  }
0x3f: {  	[spmem:s25] =	stream.linear.scatter [tilespmem:s11], [sflag:$0x6], $0x2000, $0x38;
	[tilespmem:$0x1FC00] =	vst v63  }
0x40: {  	s1 =	rddreg [dreg:$0x10]  }
0x41: {  	[spmem:s1] =	stream.linear.scatter [tilespmem:s11], [sflag:$0x6], $0x2000, $0x38;
	[tilespmem:$0x1FC00] =	vst v63  }
0x42: {  	_ =	swait.ge [sflag:s19], $0x1400  }
0x43: {  	[sflag:s19] =	ssyncset.done $0x0  }
0x44: {  	[sflag:s19] =	ssyncadd.s32 $0xFFFFEC00  }
0x45: {  	_ =	swait.ge [sflag:s20], $0x2000  }
0x46: {  	[sflag:s20] =	ssyncset.done $0x0  }
0x47: {  	[sflag:s20] =	ssyncadd.s32 $0xFFFFE000  }
0x48: {  	_ =	swait.ge [sflag:s20], $0x2000  }
0x49: {  	[sflag:s20] =	ssyncset.done $0x0  }
0x4a: {  	[sflag:s20] =	ssyncadd.s32 $0xFFFFE000  }
0x4b: {  	_ =	swait.ge [sflag:s20], $0x2000  }
0x4c: {  	[sflag:s20] =	ssyncset.done $0x0  }
0x4d: {  	[sflag:s20] =	ssyncadd.s32 $0xFFFFE000  }
0x4e: {  	_ =	swait.ge [sflag:s20], $0x2000  }
0x4f: {  	[sflag:s20] =	ssyncset.done $0x0  }
0x50: {  	[sflag:s20] =	ssyncadd.s32 $0xFFFFE000  }
0x51: {  	_ =	swait.ge [sflag:s20], $0x2000  }
0x52: {  	[sflag:s20] =	ssyncset.done $0x0  }
0x53: {  	[sflag:s20] =	ssyncadd.s32 $0xFFFFE000  }
0x54: {  	_ =	swait.ge [sflag:s20], $0x2000  }
0x55: {  	[sflag:s20] =	ssyncset.done $0x0  }
0x56: {  	[sflag:s20] =	ssyncadd.s32 $0xFFFFE000  }
0x57: {  	_ =	swait.ge [sflag:s20], $0x2000  }
0x58: {  	[sflag:s20] =	ssyncset.done $0x0  }
0x59: {  	[sflag:s20] =	ssyncadd.s32 $0xFFFFE000  }
0x5a: {  	_ =	swait.ge [sflag:s20], $0x2000  }
0x5b: {  	[sflag:s20] =	ssyncset.done $0x0  }
0x5c: {  	[sflag:s20] =	ssyncadd.s32 $0xFFFFE000  }
0x5d: {  	_ =	swait.ge [sflag:s20], $0x2000  }
0x5e: {  	[sflag:s20] =	ssyncset.done $0x0  }
0x5f: {  	[sflag:s20] =	ssyncadd.s32 $0xFFFFE000  }
0x60: {  	_ =	swait.ge [sflag:s20], $0x2000  }
0x61: {  	[sflag:s20] =	ssyncset.done $0x0  }
0x62: {  	[sflag:s20] =	ssyncadd.s32 $0xFFFFE000  }
0x63: {  	[bflag:$0x0] =	sbarrier.arrive $0xFFFF  }
0x64: {  	v1 =	vld [tilespmem:$0x0];
	_ =	sdelay $0x1  }
0x65: {  	v2 =	vld [tilespmem:$0x10];
	_ =	sdelay $0x1  }
0x66: {  	v3 =	vld [tilespmem:$0x20]  }
0x67: {  	v4 =	vand.u32 $0xFFFF, v1  }
0x68: {  	v55 =	vld [tilespmem:$0x30];
	v1 =	vshrl.u32 v1, $0x10;
	[tilespmem:$0x1400] =	vst v4  }
0x69: {  	[tilespmem:$0x1800] =	vst v1;
	v1 =	vand.u32 $0xFFFF, v2  }
0x6a: {  	[tilespmem:$0x1410] =	vst v1;
	v1 =	vshrl.u32 v2, $0x10  }
0x6b: {  	[tilespmem:$0x1810] =	vst v1;
	v1 =	vand.u32 $0xFFFF, v3  }
0x6c: {  	[tilespmem:$0x1420] =	vst v1;
	v1 =	vshrl.u32 v3, $0x10  }
0x6d: {  	[tilespmem:$0x1820] =	vst v1;
	v1 =	vand.u32 $0xFFFF, v55  }
0x6e: {  	[tilespmem:$0x1430] =	vst v1;
	v1 =	vshrl.u32 v55, $0x10  }
0x6f: {  	[tilespmem:$0x1830] =	vst v1  }
0x70: {  	[tilespmem:s11], [sflag:$0x1] =	stream.indirect.gather [hbm4b:s4+s21], $0x80, s14, s21, $0xb8;
	[tilespmem:$0x1FC00] =	vst v63  }
0x71: {  	v1 =	vld [tilespmem:$0x40];
	_ =	sdelay $0x1  }
0x72: {  	v2 =	vld [tilespmem:$0x50];
	_ =	sdelay $0x1  }
0x73: {  	v3 =	vld [tilespmem:$0x60]  }
0x74: {  	v56 =	vand.u32 $0xFFFF, v1  }
0x75: {  	v57 =	vld [tilespmem:$0x70];
	v1 =	vshrl.u32 v1, $0x10;
	[tilespmem:$0x1480] =	vst v56  }
0x76: {  	[tilespmem:$0x1880] =	vst v1;
	v1 =	vand.u32 $0xFFFF, v2  }
0x77: {  	[tilespmem:$0x1490] =	vst v1;
	v1 =	vshrl.u32 v2, $0x10  }
0x78: {  	[tilespmem:$0x1890] =	vst v1;
	v1 =	vand.u32 $0xFFFF, v3  }
0x79: {  	[tilespmem:$0x14A0] =	vst v1;
	v1 =	vshrl.u32 v3, $0x10  }
0x7a: {  	[tilespmem:$0x18A0] =	vst v1;
	v1 =	vand.u32 $0xFFFF, v57  }
0x7b: {  	[tilespmem:$0x14B0] =	vst v1;
	v1 =	vshrl.u32 v57, $0x10  }
0x7c: {  	[tilespmem:$0x18B0] =	vst v1  }
0x7d: {  	[tilespmem:s24], [sflag:$0x2] =	stream.indirect.gather [hbm4b:s4+s21], $0x80, s18, s21, $0xb8;
	[tilespmem:$0x1FC00] =	vst v63  }
0x7e: {  	v1 =	vld [tilespmem:$0x80];
	_ =	sdelay $0x1  }
0x7f: {  	v2 =	vld [tilespmem:$0x90];
	_ =	sdelay $0x1  }
0x80: {  	v3 =	vld [tilespmem:$0xA0]  }
0x81: {  	v58 =	vand.u32 $0xFFFF, v1  }
0x82: {  	v59 =	vld [tilespmem:$0xB0];
	v1 =	vshrl.u32 v1, $0x10;
	[tilespmem:$0x1500] =	vst v58  }
0x83: {  	[tilespmem:$0x1900] =	vst v1;
	v1 =	vand.u32 $0xFFFF, v2  }
0x84: {  	[tilespmem:$0x1510] =	vst v1;
	v1 =	vshrl.u32 v2, $0x10  }
0x85: {  	[tilespmem:$0x1910] =	vst v1;
	v1 =	vand.u32 $0xFFFF, v3  }
0x86: {  	[tilespmem:$0x1520] =	vst v1;
	v1 =	vshrl.u32 v3, $0x10  }
0x87: {  	[tilespmem:$0x1920] =	vst v1;
	v1 =	vand.u32 $0xFFFF, v59  }
0x88: {  	[tilespmem:$0x1530] =	vst v1;
	v1 =	vshrl.u32 v59, $0x10  }
0x89: {  	[tilespmem:$0x1930] =	vst v1  }
0x8a: {  	[tilespmem:s26], [sflag:$0x3] =	stream.indirect.gather [hbm4b:s4+s21], $0x80, s30, s21, $0xb8;
	[tilespmem:$0x1FC00] =	vst v63  }
0x8b: {  	v1 =	vld [tilespmem:$0xC0];
	_ =	sdelay $0x1  }
0x8c: {  	v2 =	vld [tilespmem:$0xD0];
	_ =	sdelay $0x1  }
0x8d: {  	v3 =	vld [tilespmem:$0xE0]  }
0x8e: {  	v60 =	vand.u32 $0xFFFF, v1  }
0x8f: {  	v61 =	vld [tilespmem:$0xF0];
	v1 =	vshrl.u32 v1, $0x10;
	[tilespmem:$0x1580] =	vst v60  }
0x90: {  	[tilespmem:$0x1980] =	vst v1;
	v1 =	vand.u32 $0xFFFF, v2  }
0x91: {  	[tilespmem:$0x1590] =	vst v1;
	v1 =	vshrl.u32 v2, $0x10  }
0x92: {  	[tilespmem:$0x1990] =	vst v1;
	v1 =	vand.u32 $0xFFFF, v3  }
0x93: {  	[tilespmem:$0x15A0] =	vst v1;
	v1 =	vshrl.u32 v3, $0x10  }
0x94: {  	[tilespmem:$0x19A0] =	vst v1;
	v1 =	vand.u32 $0xFFFF, v61  }
0x95: {  	[tilespmem:$0x15B0] =	vst v1;
	v1 =	vshrl.u32 v61, $0x10  }
0x96: {  	[tilespmem:$0x19B0] =	vst v1  }
0x97: {  	[tilespmem:s28], [sflag:$0x4] =	stream.indirect.gather [hbm4b:s4+s21], $0x80, s6, s21, $0xb8;
	[tilespmem:$0x1FC00] =	vst v63  }
0x98: {  	v1 =	vld [tilespmem:$0x100];
	_ =	sdelay $0x1  }
0x99: {  	v2 =	vld [tilespmem:$0x110];
	_ =	sdelay $0x1  }
0x9a: {  	v3 =	vld [tilespmem:$0x120]  }
0x9b: {  	v62 =	vand.u32 $0xFFFF, v1  }
0x9c: {  	v63 =	vld [tilespmem:$0x130];
	v1 =	vshrl.u32 v1, $0x10;
	[tilespmem:$0x1600] =	vst v62  }
0x9d: {  	[tilespmem:$0x1A00] =	vst v1;
	v1 =	vand.u32 $0xFFFF, v2  }
0x9e: {  	[tilespmem:$0x1610] =	vst v1;
	v1 =	vshrl.u32 v2, $0x10  }
0x9f: {  	[tilespmem:$0x1A10] =	vst v1;
	v1 =	vand.u32 $0xFFFF, v3  }
0xa0: {  	[tilespmem:$0x1620] =	vst v1;
	v1 =	vshrl.u32 v3, $0x10  }
0xa1: {  	[tilespmem:$0x1A20] =	vst v1;
	v1 =	vand.u32 $0xFFFF, v63  }
0xa2: {  	[tilespmem:$0x1630] =	vst v1;
	v1 =	vshrl.u32 v63, $0x10  }
0xa3: {  	p0 =	por $0x1, $0x1;
	[tilespmem:$0x1A30] =	vst v1  }
0xa4: {  	[tilespmem:s29], [sflag:$0x5] =	stream.indirect.gather [hbm4b:s4+s21], $0x80, s16, s21, $0xb8;
	[tilespmem:$0x1FC00] =	vst v63  }
0xa5: {  	s1 =	simm.s32 @!p0 $0x0;
	s0 =	rddreg [dreg:$0x3];
	s6 =	simm.s32 @!p0 $0xB  }
0xa6: {  	[tilespmem:s1], [sflag:$0xB] =	stream.linear.gather @!p0 [hbm4b:s0+s1], $0x1400, $0x38;
	[tilespmem:$0x1FC00] =	vst v63  }
0xa7: {  	_ =	swait.ge @!p0 [sflag:s6], $0x1400  }
0xa8: {  	[sflag:s6] =	ssyncset.done @!p0 $0x0  }
0xa9: {  	[sflag:s6] =	ssyncadd.s32 @!p0 $0xFFFFEC00  }
0xaa: {  	s16 =	simm.s32 $0x500;
	_ =	swait.ge [sflag:s19], $0x2000  }
0xab: {  	s0 =	sand.u32 $0x1FE00, s16;
	[sflag:s19] =	ssyncset.done $0x0  }
0xac: {  	s1 =	sadd.s32 $0xFFFFB000, s0;
	p0 =	por $0x1, $0x1;
	[sflag:s19] =	ssyncadd.s32 $0xFFFFE000  }
0xad: {  	[spmem:s2] =	stream.indirect.scatter.add.f32 [tilespmem:s11], [sflag:$0x6], $0x80, s17, s21, $0xb8;
	[tilespmem:$0x1FC00] =	vst v63  }
0xae: {  	s6 =	simm.s32 $0x140;
	s1 =	smov.u32 @p0 s0;
	_ =	swait.ge [sflag:s20], $0x2000  }
0xaf: {  	s0 =	sand.u32 $0x40, s6;
	s1 =	sshra.s32 s1, $0x2;
	[sflag:s20] =	ssyncset.done $0x0  }
0xb0: {  	s0 =	sor.u32 s0, s1;
	[sflag:s20] =	ssyncadd.s32 $0xFFFFE000  }
0xb1: {  	v1 =	vld [tilespmem:s0+$0x0];
	_ =	sdelay $0x4  }
0xb2: {  	v2 =	vshrl.u32 v1, $0x10  }
0xb3: {  	v1 =	vand.u32 $0xFFFF, v1;
	[tilespmem:$0x1800] =	vst v2  }
0xb4: {  	[tilespmem:$0x1400] =	vst v1  }
0xb5: {  	v1 =	vld [tilespmem:s0+$0x10];
	_ =	sdelay $0x4  }
0xb6: {  	v2 =	vand.u32 $0xFFFF, v1  }
0xb7: {  	v1 =	vshrl.u32 v1, $0x10;
	[tilespmem:$0x1410] =	vst v2  }
0xb8: {  	[tilespmem:$0x1810] =	vst v1  }
0xb9: {  	v1 =	vld [tilespmem:s0+$0x20];
	_ =	sdelay $0x4  }
0xba: {  	v2 =	vand.u32 $0xFFFF, v1  }
0xbb: {  	v1 =	vshrl.u32 v1, $0x10;
	[tilespmem:$0x1420] =	vst v2  }
0xbc: {  	[tilespmem:$0x1820] =	vst v1  }
0xbd: {  	v1 =	vld [tilespmem:s0+$0x30];
	_ =	sdelay $0x4  }
0xbe: {  	v2 =	vand.u32 $0xFFFF, v1  }
0xbf: {  	s8 =	simm.s32 $0x3;
	v1 =	vshrl.u32 v1, $0x10;
	[tilespmem:$0x1430] =	vst v2  }
0xc0: {  	s0 =	smulhi.u32 $0x66666667, s8;
	[tilespmem:$0x1830] =	vst v1  }
0xc1: {  	[tilespmem:s11], [sflag:$0x1] =	stream.indirect.gather [hbm4b:s4+s21], $0x80, s14, s21, $0xb8;
	[tilespmem:$0x1FC00] =	vst v63  }
0xc2: {  	_ =	swait.ge [sflag:s3], $0x2000  }
0xc3: {  	s0 =	sshrl.u32 s0, $0x4;
	[sflag:s3] =	ssyncset.done $0x0  }
0xc4: {  	s0 =	smul.u32 $0x28, s0;
	[sflag:s3] =	ssyncadd.s32 $0xFFFFE000  }
0xc5: {  	[spmem:s2] =	stream.indirect.scatter.add.f32 [tilespmem:s24], [sflag:$0x7], $0x80, s22, s21, $0xb8;
	[tilespmem:$0x1FC00] =	vst v63  }
0xc6: {  	s6 =	simm.s32 $0x0;
	s11 =	ssub.s32 $0x3, s0;
	_ =	swait.ge [sflag:s5], $0x2000  }
0xc7: {  	s14 =	sand.u32 $0x40, s6;
	s1 =	sshll.u32 s11, $0x7;
	[sflag:s5] =	ssyncset.done $0x0  }
0xc8: {  	s1 =	sor.u32 s14, s1;
	[sflag:s5] =	ssyncadd.s32 $0xFFFFE000  }
0xc9: {  	v1 =	vld [tilespmem:s1+$0x0];
	_ =	sdelay $0x4  }
0xca: {  	v2 =	vand.u32 $0xFFFF, v1  }
0xcb: {  	v1 =	vshrl.u32 v1, $0x10;
	[tilespmem:$0x1480] =	vst v2  }
0xcc: {  	[tilespmem:$0x1880] =	vst v1  }
0xcd: {  	v1 =	vld [tilespmem:s1+$0x10];
	_ =	sdelay $0x4  }
0xce: {  	v2 =	vand.u32 $0xFFFF, v1  }
0xcf: {  	v1 =	vshrl.u32 v1, $0x10;
	[tilespmem:$0x1490] =	vst v2  }
0xd0: {  	[tilespmem:$0x1890] =	vst v1  }
0xd1: {  	v1 =	vld [tilespmem:s1+$0x20];
	_ =	sdelay $0x4  }
0xd2: {  	v2 =	vand.u32 $0xFFFF, v1  }
0xd3: {  	v1 =	vshrl.u32 v1, $0x10;
	[tilespmem:$0x14A0] =	vst v2  }
0xd4: {  	[tilespmem:$0x18A0] =	vst v1  }
0xd5: {  	v1 =	vld [tilespmem:s1+$0x30];
	_ =	sdelay $0x4  }
0xd6: {  	v2 =	vand.u32 $0xFFFF, v1  }
0xd7: {  	s22 =	simm.s32 $0x3;
	v1 =	vshrl.u32 v1, $0x10;
	[tilespmem:$0x14B0] =	vst v2  }
0xd8: {  	s1 =	smulhi.u32 $0x66666667, s22;
	[tilespmem:$0x18B0] =	vst v1  }
0xd9: {  	[tilespmem:s24], [sflag:$0x2] =	stream.indirect.gather [hbm4b:s4+s21], $0x80, s18, s21, $0xb8;
	[tilespmem:$0x1FC00] =	vst v63  }
0xda: {  	_ =	swait.ge [sflag:s7], $0x2000  }
0xdb: {  	s1 =	sshrl.u32 s1, $0x4;
	[sflag:s7] =	ssyncset.done $0x0  }
0xdc: {  	s1 =	smul.u32 $0x28, s1;
	[sflag:s7] =	ssyncadd.s32 $0xFFFFE000  }
0xdd: {  	[spmem:s2] =	stream.indirect.scatter.add.f32 [tilespmem:s26], [sflag:$0x8], $0x80, s23, s21, $0xb8;
	[tilespmem:$0x1FC00] =	vst v63  }
0xde: {  	s25 =	simm.s32 $0x1C0;
	s1 =	ssub.s32 $0x3, s1;
	_ =	swait.ge [sflag:s9], $0x2000  }
0xdf: {  	s8 =	sand.u32 $0x40, s25;
	s1 =	sshll.u32 s1, $0x7;
	[sflag:s9] =	ssyncset.done $0x0  }
0xe0: {  	s1 =	sor.u32 s8, s1;
	[sflag:s9] =	ssyncadd.s32 $0xFFFFE000  }
0xe1: {  	v1 =	vld [tilespmem:s1+$0x0];
	_ =	sdelay $0x4  }
0xe2: {  	v2 =	vand.u32 $0xFFFF, v1  }
0xe3: {  	v1 =	vshrl.u32 v1, $0x10;
	[tilespmem:$0x1500] =	vst v2  }
0xe4: {  	[tilespmem:$0x1900] =	vst v1  }
0xe5: {  	v1 =	vld [tilespmem:s1+$0x10];
	_ =	sdelay $0x4  }
0xe6: {  	v2 =	vand.u32 $0xFFFF, v1  }
0xe7: {  	v1 =	vshrl.u32 v1, $0x10;
	[tilespmem:$0x1510] =	vst v2  }
0xe8: {  	[tilespmem:$0x1910] =	vst v1  }
0xe9: {  	s26 =	simm.s32 $0x4;
	v1 =	vld [tilespmem:s1+$0x20]  }
0xea: {  	s8 =	smulhi.u32 $0x66666667, s26;
	_ =	sdelay $0x1  }
0xeb: {  	s8 =	sshrl.u32 s8, $0x4  }
0xec: {  	s8 =	smul.u32 $0x28, s8  }
0xed: {  	s29 =	simm.s32 $0x5C00;
	v2 =	vand.u32 $0xFFFF, v1  }
0xee: {  	s17 =	simm.s32 $0x240;
	s25 =	simm.s32 $0x0;
	s8 =	ssub.s32 $0x4, s8;
	v1 =	vshrl.u32 v1, $0x10;
	[tilespmem:$0x1520] =	vst v2  }
0xef: {  	s22 =	simm.s32 $0x9;
	s24 =	simm.s32 $0x9C00;
	s8 =	sshll.u32 s8, $0x7;
	[tilespmem:$0x1920] =	vst v1  }
0xf0: {  	s23 =	simm.s32 $0xE;
	s26 =	simm.s32 $0x3C00;
	s28 =	sor.u32 s14, s8;
	v1 =	vld [tilespmem:s1+$0x30]  }
.LBB2_4:
0xf1: {  	_ =	sdelay $0x3  }
0xf2: {  	v2 =	vand.u32 $0xFFFF, v1  }
0xf3: {  	v1 =	vshrl.u32 v1, $0x10;
	[tilespmem:$0x1530] =	vst v2  }
0xf4: {  	[tilespmem:$0x1930] =	vst v1  }
0xf5: {  	[tilespmem:s29], [sflag:$0x3] =	stream.indirect.gather [hbm4b:s4+s21], $0x80, s30, s21, $0xb8;
	[tilespmem:$0x1FC00] =	vst v63  }
0xf6: {  	_ =	swait.ge [sflag:s10], $0x2000  }
0xf7: {  	[sflag:s10] =	ssyncset.done $0x0  }
0xf8: {  	s1 =	simm.s32 $0x1980;
	[sflag:s10] =	ssyncadd.s32 $0xFFFFE000  }
0xf9: {  	[spmem:s2] =	stream.indirect.scatter.add.f32 [tilespmem:s31], [sflag:$0x9], $0x80, s1, s21, $0xb8;
	[tilespmem:$0x1FC00] =	vst v63  }
0xfa: {  	_ =	swait.ge [sflag:s12], $0x2000  }
0xfb: {  	[sflag:s12] =	ssyncset.done $0x0  }
0xfc: {  	[sflag:s12] =	ssyncadd.s32 $0xFFFFE000  }
0xfd: {  	v1 =	vld [tilespmem:s28+$0x0];
	_ =	sdelay $0x4  }
0xfe: {  	v2 =	vand.u32 $0xFFFF, v1  }
0xff: {  	v1 =	vshrl.u32 v1, $0x10;
	[tilespmem:$0x1580] =	vst v2  }
0x100: {  	[tilespmem:$0x1980] =	vst v1  }
0x101: {  	v1 =	vld [tilespmem:s28+$0x10];
	_ =	sdelay $0x4  }
0x102: {  	v2 =	vand.u32 $0xFFFF, v1  }
0x103: {  	v1 =	vshrl.u32 v1, $0x10;
	[tilespmem:$0x1590] =	vst v2  }
0x104: {  	[tilespmem:$0x1990] =	vst v1  }
0x105: {  	v1 =	vld [tilespmem:s28+$0x20];
	_ =	sdelay $0x4  }
0x106: {  	v2 =	vand.u32 $0xFFFF, v1  }
0x107: {  	v1 =	vshrl.u32 v1, $0x10;
	[tilespmem:$0x15A0] =	vst v2  }
0x108: {  	[tilespmem:$0x19A0] =	vst v1  }
0x109: {  	v1 =	vld [tilespmem:s28+$0x30];
	_ =	sdelay $0x3  }
0x10a: {  	s18 =	sshrl.u32 s22, $0x1  }
0x10b: {  	s8 =	smulhi.u32 $0x66666667, s18;
	v2 =	vand.u32 $0xFFFF, v1  }
0x10c: {  	s0 =	smov.u32 s23;
	s14 =	simm.s32 $0x1580;
	v1 =	vshrl.u32 v1, $0x10;
	[tilespmem:$0x15B0] =	vst v2  }
0x10d: {  	p1 =	sne.s32 s0, $0x54;
	s22 =	smov.u32 s0;
	s0 =	sshrl.u32 s8, $0x4;
	[tilespmem:$0x19B0] =	vst v1  }
0x10e: {  	[tilespmem:s31], [sflag:$0x4] =	stream.indirect.gather [hbm4b:s4+s21], $0x80, s14, s21, $0xb8;
	[tilespmem:$0x1FC00] =	vst v63  }
0x10f: {  	s0 =	smul.u32 $0x28, s0;
	_ =	swait.ge [sflag:s13], $0x2000  }
0x110: {  	[sflag:s13] =	ssyncset.done $0x0  }
0x111: {  	s0 =	ssub.s32 s18, s0;
	s18 =	simm.s32 $0x1A00;
	[sflag:s13] =	ssyncadd.s32 $0xFFFFE000  }
0x112: {  	[spmem:s2] =	stream.indirect.scatter.add.f32 [tilespmem:s24], [sflag:$0xA], $0x80, s18, s21, $0xb8;
	[tilespmem:$0x1FC00] =	vst v63  }
0x113: {  	_ =	swait.ge [sflag:s15], $0x2000  }
0x114: {  	s11 =	sand.u32 $0x40, s17;
	s0 =	sshll.u32 s0, $0x7;
	[sflag:s15] =	ssyncset.done $0x0  }
0x115: {  	s28 =	sor.u32 s11, s0;
	[sflag:s15] =	ssyncadd.s32 $0xFFFFE000  }
0x116: {  	v1 =	vld [tilespmem:s28+$0x0];
	_ =	sdelay $0x4  }
0x117: {  	v2 =	vand.u32 $0xFFFF, v1  }
0x118: {  	v1 =	vshrl.u32 v1, $0x10;
	[tilespmem:$0x1600] =	vst v2  }
0x119: {  	[tilespmem:$0x1A00] =	vst v1  }
0x11a: {  	v1 =	vld [tilespmem:s28+$0x10];
	_ =	sdelay $0x4  }
0x11b: {  	v2 =	vand.u32 $0xFFFF, v1  }
0x11c: {  	v1 =	vshrl.u32 v1, $0x10;
	[tilespmem:$0x1610] =	vst v2  }
0x11d: {  	[tilespmem:$0x1A10] =	vst v1  }
0x11e: {  	v1 =	vld [tilespmem:s28+$0x20];
	_ =	sdelay $0x4  }
0x11f: {  	v2 =	vand.u32 $0xFFFF, v1  }
0x120: {  	v1 =	vshrl.u32 v1, $0x10;
	[tilespmem:$0x1620] =	vst v2  }
0x121: {  	[tilespmem:$0x1A20] =	vst v1  }
0x122: {  	v1 =	vld [tilespmem:s28+$0x30];
	_ =	sdelay $0x4  }
0x123: {  	v2 =	vand.u32 $0xFFFF, v1  }
0x124: {  	v1 =	vshrl.u32 v1, $0x10;
	[tilespmem:$0x1630] =	vst v2  }
0x125: {  	s28 =	simm.s32 $0x1600;
	[tilespmem:$0x1A30] =	vst v1  }
0x126: {  	[tilespmem:s24], [sflag:$0x5] =	stream.indirect.gather [hbm4b:s4+s21], $0x80, s28, s21, $0xb8;
	[tilespmem:$0x1FC00] =	vst v63  }
0x127: {  	s11 =	simm.s32 @!p1 $0x0;
	s0 =	simm.s32 @!p1 $0xB;
	s1 =	rddreg [dreg:$0x3]  }
0x128: {  	[tilespmem:s11], [sflag:$0xB] =	stream.linear.gather @!p1 [hbm4b:s1+s11], $0x1400, $0x38;
	[tilespmem:$0x1FC00] =	vst v63  }
0x129: {  	_ =	swait.ge @!p1 [sflag:s0], $0x1400  }
0x12a: {  	[sflag:s0] =	ssyncset.done @!p1 $0x0  }
0x12b: {  	s16 =	sadd.s32 $0x500, s16;
	s6 =	sadd.s32 $0x1, s6;
	[sflag:s0] =	ssyncadd.s32 @!p1 $0xFFFFEC00  }
0x12c: {  	s17 =	sadd.s32 $0x140, s17;
	s8 =	sand.u32 $0x1FE00, s16;
	_ =	swait.ge [sflag:s19], $0x2000  }
0x12d: {  	p2 =	slt.u32 s6, $0xF;
	s30 =	sadd.s32 $0xFFFFB000, s8;
	[sflag:s19] =	ssyncset.done $0x0  }
0x12e: {  	s11 =	simm.s32 $0x1C00;
	s1 =	simm.s32 $0x1800;
	[sflag:s19] =	ssyncadd.s32 $0xFFFFE000  }
0x12f: {  	[spmem:s2] =	stream.indirect.scatter.add.f32 [tilespmem:s11], [sflag:$0x6], $0x80, s1, s21, $0xb8;
	[tilespmem:$0x1FC00] =	vst v63  }
0x130: {  	s30 =	smov.u32 @p2 s8;
	s14 =	sadd.s32 $0xFFFFFF00, s17;
	_ =	swait.ge [sflag:s20], $0x2000  }
0x131: {  	s8 =	sshra.s32 s30, $0x2;
	s14 =	sand.u32 $0x40, s14;
	[sflag:s20] =	ssyncset.done $0x0  }
0x132: {  	s0 =	sor.u32 s14, s8;
	[sflag:s20] =	ssyncadd.s32 $0xFFFFE000  }
0x133: {  	v1 =	vld [tilespmem:s0+$0x0];
	_ =	sdelay $0x4  }
0x134: {  	v2 =	vand.u32 $0xFFFF, v1;
	v1 =	vshrl.u32 v1, $0x10  }
0x135: {  	[tilespmem:$0x1800] =	vst v1  }
0x136: {  	[tilespmem:$0x1400] =	vst v2  }
0x137: {  	v1 =	vld [tilespmem:s0+$0x10];
	_ =	sdelay $0x4  }
0x138: {  	v2 =	vand.u32 $0xFFFF, v1  }
0x139: {  	v1 =	vshrl.u32 v1, $0x10;
	[tilespmem:$0x1410] =	vst v2  }
0x13a: {  	[tilespmem:$0x1810] =	vst v1  }
0x13b: {  	v1 =	vld [tilespmem:s0+$0x20];
	_ =	sdelay $0x4  }
0x13c: {  	v2 =	vand.u32 $0xFFFF, v1  }
0x13d: {  	v1 =	vshrl.u32 v1, $0x10;
	[tilespmem:$0x1420] =	vst v2  }
0x13e: {  	[tilespmem:$0x1820] =	vst v1  }
0x13f: {  	v1 =	vld [tilespmem:s0+$0x30];
	_ =	sdelay $0x1  }
0x140: {  	s30 =	sadd.s32 $0xFFFFFFFD, s22  }
0x141: {  	s30 =	sshrl.u32 s30, $0x1  }
0x142: {  	s18 =	smulhi.u32 $0x66666667, s30  }
0x143: {  	v2 =	vand.u32 $0xFFFF, v1  }
0x144: {  	s18 =	sshrl.u32 s18, $0x4;
	v1 =	vshrl.u32 v1, $0x10;
	[tilespmem:$0x1430] =	vst v2  }
0x145: {  	s18 =	smul.u32 $0x28, s18;
	s14 =	simm.s32 $0x1400;
	[tilespmem:$0x1830] =	vst v1  }
0x146: {  	[tilespmem:s11], [sflag:$0x1] =	stream.indirect.gather [hbm4b:s4+s21], $0x80, s14, s21, $0xb8;
	[tilespmem:$0x1FC00] =	vst v63  }
0x147: {  	_ =	swait.ge [sflag:s3], $0x2000  }
0x148: {  	s30 =	ssub.s32 s30, s18;
	[sflag:s3] =	ssyncset.done $0x0  }
0x149: {  	s8 =	sshll.u32 s30, $0x7;
	s30 =	simm.s32 $0x1880;
	[sflag:s3] =	ssyncadd.s32 $0xFFFFE000  }
0x14a: {  	[spmem:s2] =	stream.indirect.scatter.add.f32 [tilespmem:s26], [sflag:$0x7], $0x80, s30, s21, $0xb8;
	[tilespmem:$0x1FC00] =	vst v63  }
0x14b: {  	s25 =	sadd.s32 $0x40, s25;
	_ =	swait.ge [sflag:s5], $0x2000  }
0x14c: {  	s28 =	sand.u32 $0x40, s25;
	[sflag:s5] =	ssyncset.done $0x0  }
0x14d: {  	s1 =	sor.u32 s28, s8;
	[sflag:s5] =	ssyncadd.s32 $0xFFFFE000  }
0x14e: {  	v1 =	vld [tilespmem:s1+$0x0];
	_ =	sdelay $0x4  }
0x14f: {  	v2 =	vand.u32 $0xFFFF, v1  }
0x150: {  	v1 =	vshrl.u32 v1, $0x10;
	[tilespmem:$0x1480] =	vst v2  }
0x151: {  	[tilespmem:$0x1880] =	vst v1  }
0x152: {  	v1 =	vld [tilespmem:s1+$0x10];
	_ =	sdelay $0x4  }
0x153: {  	v2 =	vand.u32 $0xFFFF, v1  }
0x154: {  	v1 =	vshrl.u32 v1, $0x10;
	[tilespmem:$0x1490] =	vst v2  }
0x155: {  	[tilespmem:$0x1890] =	vst v1  }
0x156: {  	v1 =	vld [tilespmem:s1+$0x20];
	_ =	sdelay $0x4  }
0x157: {  	v2 =	vand.u32 $0xFFFF, v1  }
0x158: {  	v1 =	vshrl.u32 v1, $0x10;
	[tilespmem:$0x14A0] =	vst v2  }
0x159: {  	[tilespmem:$0x18A0] =	vst v1  }
0x15a: {  	v1 =	vld [tilespmem:s1+$0x30];
	_ =	sdelay $0x1  }
0x15b: {  	s8 =	sadd.s32 $0xFFFFFFFE, s22  }
0x15c: {  	s0 =	sshrl.u32 s8, $0x1  }
0x15d: {  	s8 =	smulhi.u32 $0x66666667, s0  }
0x15e: {  	v2 =	vand.u32 $0xFFFF, v1  }
0x15f: {  	s8 =	sshrl.u32 s8, $0x4;
	v1 =	vshrl.u32 v1, $0x10;
	[tilespmem:$0x14B0] =	vst v2  }
0x160: {  	s18 =	simm.s32 $0x1480;
	s8 =	smul.u32 $0x28, s8;
	[tilespmem:$0x18B0] =	vst v1  }
0x161: {  	[tilespmem:s26], [sflag:$0x2] =	stream.indirect.gather [hbm4b:s4+s21], $0x80, s18, s21, $0xb8;
	[tilespmem:$0x1FC00] =	vst v63  }
0x162: {  	s0 =	ssub.s32 s0, s8;
	s8 =	sadd.s32 $0xFFFFFF80, s17;
	_ =	swait.ge [sflag:s7], $0x2000  }
0x163: {  	s8 =	sand.u32 $0x40, s8;
	s0 =	sshll.u32 s0, $0x7;
	[sflag:s7] =	ssyncset.done $0x0  }
0x164: {  	s30 =	sor.u32 s8, s0;
	s8 =	simm.s32 $0x1900;
	[sflag:s7] =	ssyncadd.s32 $0xFFFFE000  }
0x165: {  	[spmem:s2] =	stream.indirect.scatter.add.f32 [tilespmem:s29], [sflag:$0x8], $0x80, s8, s21, $0xb8;
	[tilespmem:$0x1FC00] =	vst v63  }
0x166: {  	_ =	swait.ge [sflag:s9], $0x2000  }
0x167: {  	[sflag:s9] =	ssyncset.done $0x0  }
0x168: {  	[sflag:s9] =	ssyncadd.s32 $0xFFFFE000  }
0x169: {  	v1 =	vld [tilespmem:s30+$0x0];
	_ =	sdelay $0x4  }
0x16a: {  	v2 =	vand.u32 $0xFFFF, v1  }
0x16b: {  	v1 =	vshrl.u32 v1, $0x10;
	[tilespmem:$0x1500] =	vst v2  }
0x16c: {  	[tilespmem:$0x1900] =	vst v1  }
0x16d: {  	v1 =	vld [tilespmem:s30+$0x10];
	_ =	sdelay $0x4  }
0x16e: {  	v2 =	vand.u32 $0xFFFF, v1  }
0x16f: {  	s1 =	sadd.s32 $0xFFFFFFFF, s22;
	v1 =	vshrl.u32 v1, $0x10;
	[tilespmem:$0x1510] =	vst v2  }
0x170: {  	s0 =	sshrl.u32 s1, $0x1;
	[tilespmem:$0x1910] =	vst v1  }
0x171: {  	s8 =	smulhi.u32 $0x66666667, s0;
	v1 =	vld [tilespmem:s30+$0x20];
	_ =	sdelay $0x1  }
0x172: {  	s23 =	sadd.s32 $0x5, s23;
	s1 =	sshrl.u32 s8, $0x4  }
0x173: {  	p0 =	sne.s32 s23, $0xA4;
	s1 =	smul.u32 $0x28, s1  }
.Ltmp1:
0x174: {  	_ = 	snop;
	(pc) =	sbr.rel @p0 .LBB2_4-.Ltmp1, $4  }
0x175: {  	v2 =	vand.u32 $0xFFFF, v1  }
0x176: {  	s0 =	ssub.s32 s0, s1;
	v1 =	vshrl.u32 v1, $0x10;
	[tilespmem:$0x1520] =	vst v2  }
0x177: {  	s0 =	sshll.u32 s0, $0x7;
	[tilespmem:$0x1920] =	vst v1  }
0x178: {  	s28 =	sor.u32 s28, s0;
	v1 =	vld [tilespmem:s30+$0x30];
	s30 =	simm.s32 $0x1500  }
0x179: {  	_ =	sdelay $0x3  }
0x17a: {  	v2 =	vand.u32 $0xFFFF, v1  }
0x17b: {  	v1 =	vshrl.u32 v1, $0x10;
	[tilespmem:$0x1530] =	vst v2  }
0x17c: {  	[tilespmem:$0x1930] =	vst v1  }
0x17d: {  	[tilespmem:s29], [sflag:$0x3] =	stream.indirect.gather [hbm4b:s4+s21], $0x80, s30, s21, $0xb8;
	[tilespmem:$0x1FC00] =	vst v63  }
0x17e: {  	_ =	swait.ge [sflag:s10], $0x2000  }
0x17f: {  	[sflag:s10] =	ssyncset.done $0x0  }
0x180: {  	s8 =	simm.s32 $0x1980;
	[sflag:s10] =	ssyncadd.s32 $0xFFFFE000  }
0x181: {  	[spmem:s2] =	stream.indirect.scatter.add.f32 [tilespmem:s31], [sflag:$0x9], $0x80, s8, s21, $0xb8;
	[tilespmem:$0x1FC00] =	vst v63  }
0x182: {  	_ =	swait.ge [sflag:s12], $0x2000  }
0x183: {  	[sflag:s12] =	ssyncset.done $0x0  }
0x184: {  	[sflag:s12] =	ssyncadd.s32 $0xFFFFE000  }
0x185: {  	v1 =	vld [tilespmem:s28+$0x0];
	_ =	sdelay $0x4  }
0x186: {  	v2 =	vand.u32 $0xFFFF, v1  }
0x187: {  	v1 =	vshrl.u32 v1, $0x10;
	[tilespmem:$0x1580] =	vst v2  }
0x188: {  	[tilespmem:$0x1980] =	vst v1  }
0x189: {  	v1 =	vld [tilespmem:s28+$0x10];
	_ =	sdelay $0x4  }
0x18a: {  	v2 =	vand.u32 $0xFFFF, v1  }
0x18b: {  	v1 =	vshrl.u32 v1, $0x10;
	[tilespmem:$0x1590] =	vst v2  }
0x18c: {  	[tilespmem:$0x1990] =	vst v1  }
0x18d: {  	v1 =	vld [tilespmem:s28+$0x20];
	_ =	sdelay $0x4  }
0x18e: {  	v2 =	vand.u32 $0xFFFF, v1  }
0x18f: {  	v1 =	vshrl.u32 v1, $0x10;
	[tilespmem:$0x15A0] =	vst v2  }
0x190: {  	[tilespmem:$0x19A0] =	vst v1  }
0x191: {  	v1 =	vld [tilespmem:s28+$0x30];
	_ =	sdelay $0x4  }
0x192: {  	v2 =	vand.u32 $0xFFFF, v1  }
0x193: {  	s0 =	sshrl.u32 s22, $0x1;
	v1 =	vshrl.u32 v1, $0x10;
	[tilespmem:$0x15B0] =	vst v2  }
0x194: {  	s6 =	simm.s32 $0x1580;
	s1 =	smulhi.u32 $0x66666667, s0;
	[tilespmem:$0x19B0] =	vst v1  }
0x195: {  	[tilespmem:s31], [sflag:$0x4] =	stream.indirect.gather [hbm4b:s4+s21], $0x80, s6, s21, $0xb8;
	[tilespmem:$0x1FC00] =	vst v63  }
0x196: {  	_ =	swait.ge [sflag:s13], $0x2000  }
0x197: {  	s1 =	sshrl.u32 s1, $0x4;
	[sflag:s13] =	ssyncset.done $0x0  }
0x198: {  	s1 =	smul.u32 $0x28, s1;
	s6 =	simm.s32 $0x1A00;
	[sflag:s13] =	ssyncadd.s32 $0xFFFFE000  }
0x199: {  	[spmem:s2] =	stream.indirect.scatter.add.f32 [tilespmem:s24], [sflag:$0xA], $0x80, s6, s21, $0xb8;
	[tilespmem:$0x1FC00] =	vst v63  }
0x19a: {  	s0 =	ssub.s32 s0, s1;
	_ =	swait.ge [sflag:s15], $0x2000  }
0x19b: {  	s22 =	sand.u32 $0x40, s17;
	s0 =	sshll.u32 s0, $0x7;
	[sflag:s15] =	ssyncset.done $0x0  }
0x19c: {  	s0 =	sor.u32 s22, s0;
	[sflag:s15] =	ssyncadd.s32 $0xFFFFE000  }
0x19d: {  	v1 =	vld [tilespmem:s0+$0x0];
	_ =	sdelay $0x4  }
0x19e: {  	v2 =	vand.u32 $0xFFFF, v1  }
0x19f: {  	v1 =	vshrl.u32 v1, $0x10;
	[tilespmem:$0x1600] =	vst v2  }
0x1a0: {  	[tilespmem:$0x1A00] =	vst v1  }
0x1a1: {  	v1 =	vld [tilespmem:s0+$0x10];
	_ =	sdelay $0x4  }
0x1a2: {  	v2 =	vand.u32 $0xFFFF, v1  }
0x1a3: {  	v1 =	vshrl.u32 v1, $0x10;
	[tilespmem:$0x1610] =	vst v2  }
0x1a4: {  	[tilespmem:$0x1A10] =	vst v1  }
0x1a5: {  	v1 =	vld [tilespmem:s0+$0x20];
	_ =	sdelay $0x4  }
0x1a6: {  	v2 =	vand.u32 $0xFFFF, v1  }
0x1a7: {  	v1 =	vshrl.u32 v1, $0x10;
	[tilespmem:$0x1620] =	vst v2  }
0x1a8: {  	[tilespmem:$0x1A20] =	vst v1  }
0x1a9: {  	v1 =	vld [tilespmem:s0+$0x30];
	_ =	sdelay $0x4  }
0x1aa: {  	v2 =	vand.u32 $0xFFFF, v1  }
0x1ab: {  	v1 =	vshrl.u32 v1, $0x10;
	[tilespmem:$0x1630] =	vst v2  }
0x1ac: {  	s23 =	simm.s32 $0x1600;
	[tilespmem:$0x1A30] =	vst v1  }
0x1ad: {  	[tilespmem:s24], [sflag:$0x5] =	stream.indirect.gather [hbm4b:s4+s21], $0x80, s23, s21, $0xb8;
	[tilespmem:$0x1FC00] =	vst v63  }
0x1ae: {  	_ =	swait.ge [sflag:s19], $0x2000  }
0x1af: {  	[sflag:s19] =	ssyncset.done $0x0  }
0x1b0: {  	s25 =	simm.s32 $0x1800;
	[sflag:s19] =	ssyncadd.s32 $0xFFFFE000  }
0x1b1: {  	[spmem:s2] =	stream.indirect.scatter.add.f32 [tilespmem:s11], [sflag:$0x6], $0x80, s25, s21, $0xb8;
	[tilespmem:$0x1FC00] =	vst v63  }
0x1b2: {  	_ =	swait.ge [sflag:s3], $0x2000  }
0x1b3: {  	[sflag:s3] =	ssyncset.done $0x0  }
0x1b4: {  	s1 =	simm.s32 $0x1880;
	[sflag:s3] =	ssyncadd.s32 $0xFFFFE000  }
0x1b5: {  	[spmem:s2] =	stream.indirect.scatter.add.f32 [tilespmem:s26], [sflag:$0x7], $0x80, s1, s21, $0xb8;
	[tilespmem:$0x1FC00] =	vst v63  }
0x1b6: {  	_ =	swait.ge [sflag:s7], $0x2000  }
0x1b7: {  	[sflag:s7] =	ssyncset.done $0x0  }
0x1b8: {  	s16 =	simm.s32 $0x1900;
	[sflag:s7] =	ssyncadd.s32 $0xFFFFE000  }
0x1b9: {  	[spmem:s2] =	stream.indirect.scatter.add.f32 [tilespmem:s29], [sflag:$0x8], $0x80, s16, s21, $0xb8;
	[tilespmem:$0x1FC00] =	vst v63  }
0x1ba: {  	_ =	swait.ge [sflag:s10], $0x2000  }
0x1bb: {  	[sflag:s10] =	ssyncset.done $0x0  }
0x1bc: {  	[sflag:s10] =	ssyncadd.s32 $0xFFFFE000  }
0x1bd: {  	[spmem:s2] =	stream.indirect.scatter.add.f32 [tilespmem:s31], [sflag:$0x9], $0x80, s8, s21, $0xb8;
	[tilespmem:$0x1FC00] =	vst v63  }
0x1be: {  	_ =	swait.ge [sflag:s13], $0x2000  }
0x1bf: {  	[sflag:s13] =	ssyncset.done $0x0  }
0x1c0: {  	[sflag:s13] =	ssyncadd.s32 $0xFFFFE000  }
0x1c1: {  	[spmem:s2] =	stream.indirect.scatter.add.f32 [tilespmem:s24], [sflag:$0xA], $0x80, s6, s21, $0xb8;
	[tilespmem:$0x1FC00] =	vst v63  }
0x1c2: {  	_ =	swait.ge [sflag:s20], $0x2000  }
0x1c3: {  	[sflag:s20] =	ssyncset.done $0x0  }
0x1c4: {  	[sflag:s20] =	ssyncadd.s32 $0xFFFFE000  }
0x1c5: {  	_ =	swait.ge [sflag:s5], $0x2000  }
0x1c6: {  	[sflag:s5] =	ssyncset.done $0x0  }
0x1c7: {  	[sflag:s5] =	ssyncadd.s32 $0xFFFFE000  }
0x1c8: {  	_ =	swait.ge [sflag:s9], $0x2000  }
0x1c9: {  	[sflag:s9] =	ssyncset.done $0x0  }
0x1ca: {  	[sflag:s9] =	ssyncadd.s32 $0xFFFFE000  }
0x1cb: {  	_ =	swait.ge [sflag:s12], $0x2000  }
0x1cc: {  	[sflag:s12] =	ssyncset.done $0x0  }
0x1cd: {  	[sflag:s12] =	ssyncadd.s32 $0xFFFFE000  }
0x1ce: {  	_ =	swait.ge [sflag:s15], $0x2000  }
0x1cf: {  	[sflag:s15] =	ssyncset.done $0x0  }
0x1d0: {  	s17 =	stileid.u32;
	[sflag:s15] =	ssyncadd.s32 $0xFFFFE000  }
0x1d1: {  	s0 =	sshll.u32 s17, $0x6;
	[bflag:$0x0] =	sbarrier.arrive $0xFFFF  }
0x1d2: {  	s0 =	sor.u32 $0x1C0B, s0;
	s8 =	rddreg [dreg:$0x5]  }
0x1d3: {  	s24 =	simm.s32 $0xB;
	s23 =	rddreg [dreg:$0x6];
	s22 =	sshrl.u32 s8, $0x3  }
0x1d4: {  	[hbm:s23], [sflag:s0] =	dma.local [spmem:s22], $0x2800  }
0x1d5: {  	_ =	swait.ge [sflag:s24], $0x2800  }
0x1d6: {  	s25 =	rddreg [dreg:$0x11]  }
0x1d7: {  	s26 =	rddreg [dreg:$0x7];
	s25 =	sadd.s32 $0x1, s25  }
0x1d8: {  	p0 =	sne.s32 s25, s26  }
.Ltmp2:
0x1d9: {  	_ = 	snop;
	(pc) =	sbr.rel @p0 .LBB2_1-.Ltmp2, $4  }
0x1da: {  	s28 =	simm.s32 $0x7C00;
	s17 =	simm.s32 $0x1800  }
0x1db: {  	s16 =	simm.s32 $0x1600;
	s29 =	simm.s32 $0x9C00;
	s6 =	simm.s32 $0x1580  }
0x1dc: {  	s22 =	simm.s32 $0x1880;
	s23 =	simm.s32 $0x1900;
	[sflag:s24] =	ssyncset.done $0x0  }
0x1dd: {  	[sflag:s24] =	ssyncadd.s32 $0xFFFFD800;
	s24 =	simm.s32 $0x3C00;
	s26 =	simm.s32 $0x5C00  }
0x1de: {  	_ =	sfence.sel $0x180000  }
0x1df: {  	[bflag:$0x0] =	sbarrier.arrive $0xFFFF  }
0x1e0: {  	_ =	strace $0x9000004A  }
0x1e1: {  	s0 =	stileid.u32;
	[bflag:$0x2] =	sbarrier.arrive $0xFFFF  }
0x1e2: {  	p0 =	sne.s32 s0, $0x0;
	s0 =	rddreg [dreg:$0x2]  }
0x1e3: {  	s0 =	sadd.s32 @!p0 $0x100000, s0  }
0x1e4: {  	[sflag:s0] =	ssyncadd.tile.s32 @!p0 $0x1;
	_ =	shalt  }
.Lfunc_end2:
_tile_overlayer_lowered:
.L_overlay_start_2:
0x1e5: {  	(tag) =	ssettag $0x2  }
0x1e6: {  	s0 =	rddreg [dreg:$0x0];
	s2 =	stileid.u32  }
0x1e7: {  	s1 =	rddreg [dreg:$0x1];
	p0 =	sne.s32 s2, $0x0  }
0x1e8: {  	s3 =	rddreg [dreg:$0x2];
	[bflag:$0x3] =	sbarrier.arrive $0xFFFF;
	s2 =	simm.s32 @!p0 $0x1C0B  }
0x1e9: {  	[timem:s3], [sflag:s2] =	dma.local @!p0 [hbm:s0], s1  }
0x1ea: {  	s0 =	simm.s32 @!p0 $0xB  }
0x1eb: {  	_ =	swait.ge @!p0 [sflag:s0], s1  }
0x1ec: {  	s1 =	ssub.s32 @!p0 $0x0, s1;
	[sflag:s0] =	ssyncset.done @!p0 $0x0  }
0x1ed: {  	[sflag:s0] =	ssyncadd.s32 @!p0 s1  }
0x1ee: {  	[bflag:$0x3] =	sbarrier.arrive $0xFFFF  }
0x1ef: {  	_ =	shalt  }

</sc_bundles>
